<compile_context>
chip_gen: v7x
topology: tpu7x:2x2x1
jax: 0.10.2.dev20260603
libtpu: 0.0.44.dev20260713+nightly
codegen_flags: <defaults>
</compile_context>

<pallas_src>
import functools

import jax
import jax.numpy as jnp
from jax import lax
from jax.experimental import pallas as pl
from jax.experimental.pallas import tpu as pltpu
from jax.experimental.pallas import tpu_sc as plsc

_K = 16
_RATIO = 0.25
_EPS = 1e-5
_BM = 256


_SL = 8


def _fps_body(pos_ref, out_ref):
    B, _, SL, NC = pos_ref.shape
    N = SL * NC
    M = out_ref.shape[1] * out_ref.shape[2]
    P = pos_ref[...]
    idx3 = (lax.broadcasted_iota(jnp.int32, (B, SL, NC), 1) * NC
            + lax.broadcasted_iota(jnp.int32, (B, SL, NC), 2))
    msl, mnc = out_ref.shape[1], out_ref.shape[2]
    midx = (lax.broadcasted_iota(jnp.int32, (B, msl, mnc), 1) * mnc
            + lax.broadcasted_iota(jnp.int32, (B, msl, mnc), 2))
    mind0 = jnp.full((B, SL, NC), jnp.inf, dtype=jnp.float32)
    idxs0 = jnp.zeros((B, msl, mnc), dtype=jnp.int32)
    last0 = jnp.zeros((B, 1, 1), dtype=jnp.int32)

    def body(i, carry):
        mind, idxs, last = carry
        sel = idx3 == last
        PL = jnp.sum(jnp.where(sel[:, None, :, :], P, 0.0), axis=(2, 3),
                     keepdims=True)
        D = P - PL
        sq = D * D
        d = (sq[:, 0] + sq[:, 1]) + sq[:, 2]
        mind = jnp.minimum(mind, d)
        mx = jnp.max(mind, axis=(1, 2), keepdims=True)
        nxt = jnp.min(jnp.where(mind == mx, idx3, N), axis=(1, 2),
                      keepdims=True).astype(jnp.int32)
        idxs = jnp.where(midx == i, nxt, idxs)
        return (mind, idxs, nxt)

    _, idxs, _ = lax.fori_loop(1, M, body, (mind0, idxs0, last0))
    out_ref[...] = idxs


def _run_fps(px, py, pz, M):
    B, N = px.shape
    nc = N // _SL
    pos4 = jnp.stack([px, py, pz], axis=1).reshape(B, 3, _SL, nc)
    out = pl.pallas_call(
        _fps_body,
        out_shape=jax.ShapeDtypeStruct((B, _SL, M // _SL), jnp.int32),
    )(pos4)
    return out.reshape(B, M)


_BR = 2048


def _linstat_body(x_ref, w_ref, b_ref, gamma_ref, beta_ref,
                  h_ref, g_ref, c_ref, acc1, acc2):
    i = pl.program_id(0)
    nb = pl.num_programs(0)
    br = x_ref.shape[0]
    h = jnp.dot(x_ref[...], w_ref[...]) + b_ref[...]
    h_ref[...] = h
    ones = jnp.ones((1, br), dtype=jnp.float32)
    s1 = jnp.dot(ones, h)
    s2 = jnp.dot(ones, h * h)

    @pl.when(i == 0)
    def _init():
        acc1[...] = s1
        acc2[...] = s2

    @pl.when(i > 0)
    def _acc():
        acc1[...] += s1
        acc2[...] += s2

    @pl.when(i == nb - 1)
    def _fin():
        R = br * nb
        mean = acc1[...] / R
        var = acc2[...] / R - mean * mean
        g = gamma_ref[...] * lax.rsqrt(var + _EPS)
        g_ref[...] = g
        c_ref[...] = beta_ref[...] - mean * g


def _norm_body(h_ref, g_ref, c_ref, out_ref):
    out_ref[...] = h_ref[...] * g_ref[...] + c_ref[...]


def _run_mlp(x, w, b, gamma, beta):
    R, FIN = x.shape
    FOUT = w.shape[1]
    nb = R // _BR
    vec = pl.BlockSpec((1, FOUT), lambda i: (0, 0))
    h, g, c = pl.pallas_call(
        _linstat_body,
        grid=(nb,),
        in_specs=[
            pl.BlockSpec((_BR, FIN), lambda i: (i, 0)),
            pl.BlockSpec((FIN, FOUT), lambda i: (0, 0)),
            vec, vec, vec,
        ],
        out_specs=[pl.BlockSpec((_BR, FOUT), lambda i: (i, 0)), vec, vec],
        out_shape=[
            jax.ShapeDtypeStruct((R, FOUT), jnp.float32),
            jax.ShapeDtypeStruct((1, FOUT), jnp.float32),
            jax.ShapeDtypeStruct((1, FOUT), jnp.float32),
        ],
        scratch_shapes=[
            pltpu.VMEM((1, FOUT), jnp.float32),
            pltpu.VMEM((1, FOUT), jnp.float32),
        ],
    )(x, w, b[None, :], gamma[None, :], beta[None, :])
    return pl.pallas_call(
        _norm_body,
        grid=(nb,),
        in_specs=[pl.BlockSpec((_BR, FOUT), lambda i: (i, 0)), vec, vec],
        out_specs=pl.BlockSpec((_BR, FOUT), lambda i: (i, 0)),
        out_shape=jax.ShapeDtypeStruct((R, FOUT), jnp.float32),
    )(h, g, c)


def _knn_body(feat_ref, fps_ref, x2_ref, samp_ref, nbr_ref):
    b = pl.program_id(0)
    feat = feat_ref[0]
    idx_col = fps_ref[0, 0]
    x2 = x2_ref[0]
    samp = samp_ref[0, 0]
    N, FIN = feat.shape
    BM = idx_col.shape[0]
    lane = lax.broadcasted_iota(jnp.int32, (BM, N), 1)
    onehot = jnp.where(idx_col == lane, 1.0, 0.0).astype(jnp.float32)
    s2 = lax.dot_general(onehot, x2, (((1,), (1,)), ((), ())),
                         precision="highest")
    dots = lax.dot_general(samp, feat, (((1,), (1,)), ((), ())))
    work = (s2 + x2) - 2.0 * dots
    cols = []
    for _ in range(_K):
        mn = jnp.min(work, axis=1, keepdims=True)
        sel = jnp.min(jnp.where(work == mn, lane, N), axis=1, keepdims=True)
        cols.append(sel.astype(jnp.int32))
        work = jnp.where(lane == sel, jnp.inf, work)
    nbr_ref[0] = jnp.concatenate(cols, axis=1) + b * N


def _run_knn(features, fps_local, x2, samp):
    B, N, FIN = features.shape
    M = fps_local.shape[1]
    fps4 = fps_local.reshape(B, M // _BM, _BM, 1)
    samp4 = samp.reshape(B, M // _BM, _BM, FIN)
    return pl.pallas_call(
        _knn_body,
        grid=(B, M // _BM),
        in_specs=[
            pl.BlockSpec((1, N, FIN), lambda b, j: (b, 0, 0)),
            pl.BlockSpec((1, 1, _BM, 1), lambda b, j: (b, j, 0, 0)),
            pl.BlockSpec((1, 1, N), lambda b, j: (b, 0, 0)),
            pl.BlockSpec((1, 1, _BM, FIN), lambda b, j: (b, j, 0, 0)),
        ],
        out_specs=pl.BlockSpec((1, _BM, _K), lambda b, j: (b, j, 0)),
        out_shape=jax.ShapeDtypeStruct((B, M, _K), jnp.int32),
    )(features, fps4, x2[:, None, :], samp4)


def _run_sc_gather(table, idx):
    R, D = table.shape
    S = idx.shape[0]
    info = plsc.get_sparse_core_info()
    NW = info.num_cores * info.num_subcores
    rows_w = S // NW
    mesh = plsc.VectorSubcoreMesh(core_axis_name="c", subcore_axis_name="s")

    @functools.partial(
        pl.kernel,
        out_type=jax.ShapeDtypeStruct((S, D), jnp.float32),
        mesh=mesh,
        scratch_types=[
            pltpu.VMEM((rows_w,), jnp.int32),
            pltpu.VMEM((rows_w, D), jnp.float32),
            pltpu.SemaphoreType.DMA,
        ],
    )
    def k(table_hbm, idx_hbm, out_hbm, idx_v, rows_v, sem):
        wid = lax.axis_index("s") * info.num_cores + lax.axis_index("c")
        base = wid * rows_w
        pltpu.sync_copy(idx_hbm.at[pl.ds(base, rows_w)], idx_v)
        pltpu.async_copy(table_hbm.at[idx_v], rows_v, sem).wait()
        pltpu.sync_copy(rows_v, out_hbm.at[pl.ds(base, rows_w)])

    return k(table, idx)


def _run_sc_pool(hnorm, nbr_flat, fpsg, posb):
    R, FOUT = hnorm.shape
    S = fpsg.shape[0]
    info = plsc.get_sparse_core_info()
    NW = info.num_cores * info.num_subcores
    rows_w = S // NW
    CH = 8
    NCH = rows_w // CH
    IDX_W = rows_w * _K
    LANES = info.num_lanes
    mesh = plsc.VectorSubcoreMesh(core_axis_name="c", subcore_axis_name="s")

    @functools.partial(
        pl.kernel,
        out_type=(
            jax.ShapeDtypeStruct((S, FOUT), jnp.float32),
            jax.ShapeDtypeStruct((S, 128), jnp.float32),
        ),
        mesh=mesh,
        scratch_types=[
            pltpu.VMEM((IDX_W,), jnp.int32),
            pltpu.VMEM((CH * _K, FOUT), jnp.float32),
            pltpu.VMEM((rows_w, FOUT), jnp.float32),
            pltpu.VMEM((rows_w,), jnp.int32),
            pltpu.VMEM((rows_w, 128), jnp.float32),
            pltpu.SemaphoreType.DMA,
            pltpu.SemaphoreType.DMA,
        ],
    )
    def k(hnorm_hbm, nbr_hbm, fpsg_hbm, posb_hbm, out_hbm, pos_out_hbm,
          idx_v, buf, outb, fps_v, posb_v, sem, semp):
        wid = lax.axis_index("s") * info.num_cores + lax.axis_index("c")
        base = wid * rows_w
        pltpu.sync_copy(nbr_hbm.at[pl.ds(wid * IDX_W, IDX_W)], idx_v)
        pltpu.sync_copy(fpsg_hbm.at[pl.ds(base, rows_w)], fps_v)
        cpos = pltpu.async_copy(posb_hbm.at[fps_v], posb_v, semp)

        def chunk(c, _):
            cp = pltpu.async_copy(
                hnorm_hbm.at[idx_v.at[pl.ds(c * CH * _K, CH * _K)]], buf, sem)
            cp.wait()

            def rbody(r, _):
                row0 = r * _K
                for j in range(FOUT // LANES):
                    sl = pl.ds(j * LANES, LANES)
                    acc = buf[row0, sl]
                    for kk in range(1, _K):
                        acc = jnp.maximum(acc, buf[row0 + kk, sl])
                    outb[c * CH + r, sl] = acc
                return 0

            lax.fori_loop(0, CH, rbody, 0)
            return 0

        lax.fori_loop(0, NCH, chunk, 0)
        cpos.wait()
        pltpu.sync_copy(outb, out_hbm.at[pl.ds(base, rows_w)])
        pltpu.sync_copy(posb_v, pos_out_hbm.at[pl.ds(base, rows_w)])

    return k(hnorm, nbr_flat, fpsg, posb)


def kernel(features, positions, batch, W, b, gamma, beta):
    B, N, FIN = features.shape
    FOUT = W.shape[1]
    M = int(N * _RATIO)
    R = B * N

    px = positions[:, :, 0]
    py = positions[:, :, 1]
    pz = positions[:, :, 2]
    fps_local = _run_fps(px, py, pz, M)
    offs = (jnp.arange(B, dtype=jnp.int32) * N)[:, None]
    fpsg = (fps_local + offs).reshape(-1)

    hnorm = _run_mlp(features.reshape(R, FIN), W, b, gamma, beta)

    x2 = jnp.sum(features ** 2, axis=-1)
    samp = _run_sc_gather(features.reshape(R, FIN), fpsg)
    nbr = _run_knn(features, fps_local, x2, samp)

    posb = jnp.concatenate(
        [positions.reshape(R, 3),
         batch.astype(jnp.float32)[:, None],
         jnp.zeros((R, 124), jnp.float32)], axis=1)

    pooled, posbo = _run_sc_pool(hnorm, nbr.reshape(-1), fpsg, posb)

    new_features = pooled.reshape(B, M, FOUT)
    new_positions = posbo[:, :3].reshape(B, M, 3)
    new_batch = posbo[:, 3].astype(jnp.int32)
    return (new_features, new_positions, new_batch)

# --- scband reference (transcript-rebuilt; emitter-appended) ---
"""Pipeline reference for scband-transition-down-73839077753155 (READ-ONLY COPY).

The authoritative reference and input builder live on the scoring server;
editing this copy changes nothing except your own understanding.
"""

import jax, jax.numpy as jnp
import numpy as np

B, N, FIN, FOUT, K = 4, 4096, 128, 256, 16
RATIO = 0.25
M = int(N * RATIO)
EPS = 1e-5


def setup_inputs(seed: int = 0) -> dict:
    key = jax.random.key(seed)
    k1, k2, k3 = jax.random.split(key, 3)
    features = jax.random.normal(k1, (B, N, FIN), dtype=jnp.float32)
    positions = jax.random.normal(k2, (B, N, 3), dtype=jnp.float32)
    # batch indices: each of the B examples contributes N consecutive points
    batch = jnp.repeat(jnp.arange(B, dtype=jnp.int32), N)
    W = jax.random.normal(k3, (FIN, FOUT), dtype=jnp.float32) * (1.0 / np.sqrt(FIN))
    b = jnp.zeros((FOUT,), dtype=jnp.float32)
    gamma = jnp.ones((FOUT,), dtype=jnp.float32)
    beta = jnp.zeros((FOUT,), dtype=jnp.float32)
    return {"features": features, "positions": positions, "batch": batch,
            "W": W, "b": b, "gamma": gamma, "beta": beta}


def _fps_one(pos):
    # farthest point sampling on one example, deterministic start at index 0
    n = pos.shape[0]
    idxs = jnp.zeros((M,), dtype=jnp.int32)
    mind = jnp.full((n,), jnp.inf, dtype=pos.dtype)

    def body(i, carry):
        idxs, mind = carry
        last = idxs[i - 1]
        d = jnp.sum((pos - pos[last]) ** 2, axis=-1)
        mind = jnp.minimum(mind, d)
        nxt = jnp.argmax(mind).astype(jnp.int32)
        idxs = idxs.at[i].set(nxt)
        return (idxs, mind)

    idxs, _ = jax.lax.fori_loop(1, M, body, (idxs, mind))
    return idxs


def reference(features, positions, batch, W, b, gamma, beta):
    Bq, Nq, C = positions.shape
    flat_pos = positions.reshape(-1, C)

    # fps(flatten_positions, batch, ratio) -> M samples per example
    fps_local = jax.vmap(_fps_one)(positions)                      # [B, M]
    offsets = (jnp.arange(Bq, dtype=jnp.int32) * Nq)[:, None]
    fps_indices = (fps_local + offsets).reshape(-1)                # [B*M]

    # mlp = LinearBN(in_features, out_features): Linear + BatchNorm1d (training stats)
    h = features @ W + b                                           # [B, N, FOUT]
    h2 = h.reshape(-1, FOUT)
    mean = jnp.mean(h2, axis=0)
    var = jnp.var(h2, axis=0)
    out_flat = gamma * (h2 - mean) * jax.lax.rsqrt(var + EPS) + beta  # [B*N, FOUT]

    # knn in *feature* space: for each sampled point find K nearest within its example
    flat_feat = features.reshape(-1, FIN)
    samp = flat_feat[fps_indices].reshape(Bq, M, FIN)              # [B, M, FIN]
    x2 = jnp.sum(features ** 2, axis=-1)                           # [B, N]
    s2 = jnp.sum(samp ** 2, axis=-1)                               # [B, M]
    dist = s2[:, :, None] + x2[:, None, :] - 2.0 * jnp.einsum('bmf,bnf->bmn', samp, features)
    _, nbr = jax.lax.top_k(-dist, K)                               # [B, M, K] local indices
    nbr_global = nbr + (jnp.arange(Bq, dtype=nbr.dtype) * Nq)[:, None, None]

    # max_pool_x over each cluster of K neighbors
    gathered = out_flat[nbr_global.reshape(-1)].reshape(Bq, M, K, FOUT)
    new_features = jnp.max(gathered, axis=2)                       # [B, M, FOUT]

    new_positions = flat_pos[fps_indices].reshape(Bq, M, C)
    new_batch = batch[fps_indices]
    return (new_features, new_positions, new_batch)

if __name__ == "__main__":
    import jax
    _d = setup_inputs()
    print(jax.jit(kernel)(*tuple(_d.values())))

</pallas_src>

<mosaic_0001>
#map = affine_map<(d0, d1) -> (0, 0)>
#map1 = affine_map<(d0, d1) -> (0)>
module attributes {stable_mosaic.version = 14 : i64} {
  func.func @k(%arg0: i32, %arg1: i32, %arg2: memref<16384x128xf32, #tpu.memory_space<hbm>>, %arg3: memref<4096xi32, #tpu.memory_space<hbm>>, %arg4: memref<4096x128xf32, #tpu.memory_space<hbm>>, %arg5: memref<128xi32, #tpu.memory_space<vmem>>, %arg6: memref<128x128xf32, #tpu.memory_space<vmem>>, %arg7: memref<!tpu.dma_semaphore, #tpu.memory_space<semaphore_mem>>) attributes {dimension_semantics = [#tpu.dimension_semantics<core_parallel>, #tpu.dimension_semantics<subcore_parallel>], iteration_bounds = array<i64: 2, 16>, scalar_prefetch = 0 : i64, scratch_operands = 3 : i64, tpu.core_type = #tpu.core_type<sc_vector_subcore>, window_params = [{transform_indices = #map}, {transform_indices = #map1}, {transform_indices = #map}]} {
    %mul3A = arith.constant 2 : i32
    %mul3A_0 = arith.muli %arg1, %mul3A : i32
    %add3A = arith.addi %mul3A_0, %arg0 : i32
    %mul3A_1 = arith.constant 128 : i32
    %mul3A_2 = arith.muli %add3A, %mul3A_1 : i32
    "tpu.region"() ({
      %run_scoped3A = tpu.sem_alloc : memref<!tpu.dma_semaphore, #tpu.memory_space<semaphore_mem>>
      %dma_start3A_7 = tpu.memref_slice %arg3[%mul3A_2] : memref<4096xi32, #tpu.memory_space<hbm>> -> memref<128xi32, #tpu.memory_space<hbm>>
      %dma_start3A_8 = tpu.memref_slice %arg3[%mul3A_2] : memref<4096xi32, #tpu.memory_space<hbm>> -> memref<128xi32, #tpu.memory_space<hbm>>
      tpu.enqueue_dma source(%dma_start3A_8 : memref<128xi32, #tpu.memory_space<hbm>>) target(%arg5 : memref<128xi32, #tpu.memory_space<vmem>>) target_semaphore(%run_scoped3A : memref<!tpu.dma_semaphore, #tpu.memory_space<semaphore_mem>>)
      %dma_wait3A_9 = tpu.memref_slice %arg3[%mul3A_2] : memref<4096xi32, #tpu.memory_space<hbm>> -> memref<128xi32, #tpu.memory_space<hbm>>
      %dma_wait3A_10 = tpu.memref_slice %arg3[%mul3A_2] : memref<4096xi32, #tpu.memory_space<hbm>> -> memref<128xi32, #tpu.memory_space<hbm>>
      tpu.wait_dma2 semaphore(%run_scoped3A : memref<!tpu.dma_semaphore, #tpu.memory_space<semaphore_mem>>) src(%dma_wait3A_10 : memref<128xi32, #tpu.memory_space<hbm>>) dst(%arg5 : memref<128xi32, #tpu.memory_space<vmem>>)
      tpu.yield
    }) : () -> ()
    %dma_start3A = arith.constant 0 : i32
    %dma_start3A_3 = arith.constant 0 : i32
    %dma_start3A_4 = tpu.memref_slice %arg2[%dma_start3A, %dma_start3A_3] : memref<16384x128xf32, #tpu.memory_space<hbm>> -> memref<16384x128xf32, #tpu.memory_space<hbm>>
    tpu.enqueue_indirect_dma source(%dma_start3A_4 : memref<16384x128xf32, #tpu.memory_space<hbm>>) target(%arg6 : memref<128x128xf32, #tpu.memory_space<vmem>>) offsets(%arg5 : memref<128xi32, #tpu.memory_space<vmem>>) semaphore(%arg7 : memref<!tpu.dma_semaphore, #tpu.memory_space<semaphore_mem>>)
    %dma_wait3A = arith.constant 0 : i32
    %dma_wait3A_5 = arith.constant 0 : i32
    %dma_wait3A_6 = tpu.memref_slice %arg2[%dma_wait3A, %dma_wait3A_5] : memref<16384x128xf32, #tpu.memory_space<hbm>> -> memref<16384x128xf32, #tpu.memory_space<hbm>>
    tpu.wait_indirect_dma semaphore(%arg7 : memref<!tpu.dma_semaphore, #tpu.memory_space<semaphore_mem>>) src(%dma_wait3A_6 : memref<16384x128xf32, #tpu.memory_space<hbm>>) dst(%arg6 : memref<128x128xf32, #tpu.memory_space<vmem>>)
    "tpu.region"() ({
      %run_scoped3A = tpu.sem_alloc : memref<!tpu.dma_semaphore, #tpu.memory_space<semaphore_mem>>
      %dma_start3A_7 = arith.constant 0 : i32
      %dma_start3A_8 = tpu.memref_slice %arg4[%mul3A_2, %dma_start3A_7] : memref<4096x128xf32, #tpu.memory_space<hbm>> -> memref<128x128xf32, #tpu.memory_space<hbm>>
      %dma_start3A_9 = arith.constant 0 : i32
      %dma_start3A_10 = tpu.memref_slice %arg4[%mul3A_2, %dma_start3A_9] : memref<4096x128xf32, #tpu.memory_space<hbm>> -> memref<128x128xf32, #tpu.memory_space<hbm>>
      tpu.enqueue_dma source(%arg6 : memref<128x128xf32, #tpu.memory_space<vmem>>) target(%dma_start3A_10 : memref<128x128xf32, #tpu.memory_space<hbm>>) target_semaphore(%run_scoped3A : memref<!tpu.dma_semaphore, #tpu.memory_space<semaphore_mem>>)
      %dma_wait3A_11 = arith.constant 0 : i32
      %dma_wait3A_12 = tpu.memref_slice %arg4[%mul3A_2, %dma_wait3A_11] : memref<4096x128xf32, #tpu.memory_space<hbm>> -> memref<128x128xf32, #tpu.memory_space<hbm>>
      %dma_wait3A_13 = arith.constant 0 : i32
      %dma_wait3A_14 = tpu.memref_slice %arg4[%mul3A_2, %dma_wait3A_13] : memref<4096x128xf32, #tpu.memory_space<hbm>> -> memref<128x128xf32, #tpu.memory_space<hbm>>
      tpu.wait_dma2 semaphore(%run_scoped3A : memref<!tpu.dma_semaphore, #tpu.memory_space<semaphore_mem>>) src(%arg6 : memref<128x128xf32, #tpu.memory_space<vmem>>) dst(%dma_wait3A_14 : memref<128x128xf32, #tpu.memory_space<hbm>>)
      tpu.yield
    }) : () -> ()
    return
  }
}

#map = affine_map<(d0, d1) -> (0, 0)>
#map1 = affine_map<(d0, d1) -> (0)>
module attributes {stable_mosaic.version = 14 : i64} {
  func.func @k(%arg0: i32, %arg1: i32, %arg2: memref<16384x256xf32, #tpu.memory_space<hbm>>, %arg3: memref<65536xi32, #tpu.memory_space<hbm>>, %arg4: memref<4096xi32, #tpu.memory_space<hbm>>, %arg5: memref<16384x128xf32, #tpu.memory_space<hbm>>, %arg6: memref<4096x256xf32, #tpu.memory_space<hbm>>, %arg7: memref<4096x128xf32, #tpu.memory_space<hbm>>, %arg8: memref<2048xi32, #tpu.memory_space<vmem>>, %arg9: memref<128x256xf32, #tpu.memory_space<vmem>>, %arg10: memref<128x256xf32, #tpu.memory_space<vmem>>, %arg11: memref<128xi32, #tpu.memory_space<vmem>>, %arg12: memref<128x128xf32, #tpu.memory_space<vmem>>, %arg13: memref<!tpu.dma_semaphore, #tpu.memory_space<semaphore_mem>>, %arg14: memref<!tpu.dma_semaphore, #tpu.memory_space<semaphore_mem>>) attributes {dimension_semantics = [#tpu.dimension_semantics<core_parallel>, #tpu.dimension_semantics<subcore_parallel>], iteration_bounds = array<i64: 2, 16>, scalar_prefetch = 0 : i64, scratch_operands = 7 : i64, tpu.core_type = #tpu.core_type<sc_vector_subcore>, window_params = [{transform_indices = #map}, {transform_indices = #map1}, {transform_indices = #map1}, {transform_indices = #map}, {transform_indices = #map}, {transform_indices = #map}]} {
    %mul3A = arith.constant 2 : i32
    %mul3A_0 = arith.muli %arg1, %mul3A : i32
    %add3A = arith.addi %mul3A_0, %arg0 : i32
    %mul3A_1 = arith.constant 128 : i32
    %mul3A_2 = arith.muli %add3A, %mul3A_1 : i32
    %mul3A_3 = arith.constant 2048 : i32
    %mul3A_4 = arith.muli %add3A, %mul3A_3 : i32
    "tpu.region"() ({
      %run_scoped3A = tpu.sem_alloc : memref<!tpu.dma_semaphore, #tpu.memory_space<semaphore_mem>>
      %dma_start3A_15 = tpu.memref_slice %arg3[%mul3A_4] : memref<65536xi32, #tpu.memory_space<hbm>> -> memref<2048xi32, #tpu.memory_space<hbm>>
      %dma_start3A_16 = tpu.memref_slice %arg3[%mul3A_4] : memref<65536xi32, #tpu.memory_space<hbm>> -> memref<2048xi32, #tpu.memory_space<hbm>>
      tpu.enqueue_dma source(%dma_start3A_16 : memref<2048xi32, #tpu.memory_space<hbm>>) target(%arg8 : memref<2048xi32, #tpu.memory_space<vmem>>) target_semaphore(%run_scoped3A : memref<!tpu.dma_semaphore, #tpu.memory_space<semaphore_mem>>)
      %dma_wait3A_17 = tpu.memref_slice %arg3[%mul3A_4] : memref<65536xi32, #tpu.memory_space<hbm>> -> memref<2048xi32, #tpu.memory_space<hbm>>
      %dma_wait3A_18 = tpu.memref_slice %arg3[%mul3A_4] : memref<65536xi32, #tpu.memory_space<hbm>> -> memref<2048xi32, #tpu.memory_space<hbm>>
      tpu.wait_dma2 semaphore(%run_scoped3A : memref<!tpu.dma_semaphore, #tpu.memory_space<semaphore_mem>>) src(%dma_wait3A_18 : memref<2048xi32, #tpu.memory_space<hbm>>) dst(%arg8 : memref<2048xi32, #tpu.memory_space<vmem>>)
      tpu.yield
    }) : () -> ()
    "tpu.region"() ({
      %run_scoped3A = tpu.sem_alloc : memref<!tpu.dma_semaphore, #tpu.memory_space<semaphore_mem>>
      %dma_start3A_15 = tpu.memref_slice %arg4[%mul3A_2] : memref<4096xi32, #tpu.memory_space<hbm>> -> memref<128xi32, #tpu.memory_space<hbm>>
      %dma_start3A_16 = tpu.memref_slice %arg4[%mul3A_2] : memref<4096xi32, #tpu.memory_space<hbm>> -> memref<128xi32, #tpu.memory_space<hbm>>
      tpu.enqueue_dma source(%dma_start3A_16 : memref<128xi32, #tpu.memory_space<hbm>>) target(%arg11 : memref<128xi32, #tpu.memory_space<vmem>>) target_semaphore(%run_scoped3A : memref<!tpu.dma_semaphore, #tpu.memory_space<semaphore_mem>>)
      %dma_wait3A_17 = tpu.memref_slice %arg4[%mul3A_2] : memref<4096xi32, #tpu.memory_space<hbm>> -> memref<128xi32, #tpu.memory_space<hbm>>
      %dma_wait3A_18 = tpu.memref_slice %arg4[%mul3A_2] : memref<4096xi32, #tpu.memory_space<hbm>> -> memref<128xi32, #tpu.memory_space<hbm>>
      tpu.wait_dma2 semaphore(%run_scoped3A : memref<!tpu.dma_semaphore, #tpu.memory_space<semaphore_mem>>) src(%dma_wait3A_18 : memref<128xi32, #tpu.memory_space<hbm>>) dst(%arg11 : memref<128xi32, #tpu.memory_space<vmem>>)
      tpu.yield
    }) : () -> ()
    %dma_start3A = arith.constant 0 : i32
    %dma_start3A_5 = arith.constant 0 : i32
    %dma_start3A_6 = tpu.memref_slice %arg5[%dma_start3A, %dma_start3A_5] : memref<16384x128xf32, #tpu.memory_space<hbm>> -> memref<16384x128xf32, #tpu.memory_space<hbm>>
    tpu.enqueue_indirect_dma source(%dma_start3A_6 : memref<16384x128xf32, #tpu.memory_space<hbm>>) target(%arg12 : memref<128x128xf32, #tpu.memory_space<vmem>>) offsets(%arg11 : memref<128xi32, #tpu.memory_space<vmem>>) semaphore(%arg14 : memref<!tpu.dma_semaphore, #tpu.memory_space<semaphore_mem>>)
    %scan3A = arith.constant 0 : i32
    %scan3A_7 = arith.constant 0 : i32
    %scan3A_8 = arith.constant 16 : i32
    %scan3A_9 = arith.addi %scan3A_7, %scan3A_8 : i32
    %scan3A_10 = arith.constant 1 : i32
    %scan3A_11 = scf.for %scan3A_15 = %scan3A_7 to %scan3A_9 step %scan3A_10 iter_args(%scan3A_16 = %scan3A) -> (i32)  : i32 {
      %mul3A_17 = arith.constant 8 : i32
      %mul3A_18 = arith.muli %scan3A_15, %mul3A_17 : i32
      %mul3A_19 = arith.constant 16 : i32
      %mul3A_20 = arith.muli %mul3A_18, %mul3A_19 : i32
      %dma_start3A_21 = tpu.memref_slice %arg8[%mul3A_20] : memref<2048xi32, #tpu.memory_space<vmem>> -> memref<128xi32, #tpu.memory_space<vmem>>
      %dma_start3A_22 = arith.constant 0 : i32
      %dma_start3A_23 = arith.constant 0 : i32
      %dma_start3A_24 = tpu.memref_slice %arg2[%dma_start3A_22, %dma_start3A_23] : memref<16384x256xf32, #tpu.memory_space<hbm>> -> memref<16384x256xf32, #tpu.memory_space<hbm>>
      tpu.enqueue_indirect_dma source(%dma_start3A_24 : memref<16384x256xf32, #tpu.memory_space<hbm>>) target(%arg9 : memref<128x256xf32, #tpu.memory_space<vmem>>) offsets(%dma_start3A_21 : memref<128xi32, #tpu.memory_space<vmem>>) semaphore(%arg13 : memref<!tpu.dma_semaphore, #tpu.memory_space<semaphore_mem>>)
      %dma_wait3A_25 = tpu.memref_slice %arg8[%mul3A_20] : memref<2048xi32, #tpu.memory_space<vmem>> -> memref<128xi32, #tpu.memory_space<vmem>>
      %dma_wait3A_26 = arith.constant 0 : i32
      %dma_wait3A_27 = arith.constant 0 : i32
      %dma_wait3A_28 = tpu.memref_slice %arg2[%dma_wait3A_26, %dma_wait3A_27] : memref<16384x256xf32, #tpu.memory_space<hbm>> -> memref<16384x256xf32, #tpu.memory_space<hbm>>
      tpu.wait_indirect_dma semaphore(%arg13 : memref<!tpu.dma_semaphore, #tpu.memory_space<semaphore_mem>>) src(%dma_wait3A_28 : memref<16384x256xf32, #tpu.memory_space<hbm>>) dst(%arg9 : memref<128x256xf32, #tpu.memory_space<vmem>>)
      %scan3A_29 = arith.constant 0 : i32
      %scan3A_30 = arith.constant 0 : i32
      %scan3A_31 = arith.constant 8 : i32
      %scan3A_32 = arith.addi %scan3A_30, %scan3A_31 : i32
      %scan3A_33 = arith.constant 1 : i32
      %scan3A_34 = scf.for %scan3A_37 = %scan3A_30 to %scan3A_32 step %scan3A_33 iter_args(%scan3A_38 = %scan3A_29) -> (i32)  : i32 {
        %mul3A_39 = arith.constant 16 : i32
        %mul3A_40 = arith.muli %scan3A_37, %mul3A_39 : i32
        %get3A = arith.index_cast %mul3A_40 : i32 to index
        %get3A_41 = arith.constant 0 : index
        %get3A_42 = tpu.vector_load %arg9[%get3A, %get3A_41] {strides = array<i32>} : memref<128x256xf32, #tpu.memory_space<vmem>>, vector<1x16xf32>,
        %get3A_43 = vector.shape_cast %get3A_42 : vector<1x16xf32> to vector<16xf32>
        %add3A_44 = arith.constant 1 : i32
        %add3A_45 = arith.addi %mul3A_40, %add3A_44 : i32
        %get3A_46 = arith.index_cast %add3A_45 : i32 to index
        %get3A_47 = arith.constant 0 : index
        %get3A_48 = tpu.vector_load %arg9[%get3A_46, %get3A_47] {strides = array<i32>} : memref<128x256xf32, #tpu.memory_space<vmem>>, vector<1x16xf32>,
        %get3A_49 = vector.shape_cast %get3A_48 : vector<1x16xf32> to vector<16xf32>
        %max3A = arith.maximumf %get3A_43, %get3A_49 : vector<16xf32>
        %add3A_50 = arith.constant 2 : i32
        %add3A_51 = arith.addi %mul3A_40, %add3A_50 : i32
        %get3A_52 = arith.index_cast %add3A_51 : i32 to index
        %get3A_53 = arith.constant 0 : index
        %get3A_54 = tpu.vector_load %arg9[%get3A_52, %get3A_53] {strides = array<i32>} : memref<128x256xf32, #tpu.memory_space<vmem>>, vector<1x16xf32>,
        %get3A_55 = vector.shape_cast %get3A_54 : vector<1x16xf32> to vector<16xf32>
        %max3A_56 = arith.maximumf %max3A, %get3A_55 : vector<16xf32>
        %add3A_57 = arith.constant 3 : i32
        %add3A_58 = arith.addi %mul3A_40, %add3A_57 : i32
        %get3A_59 = arith.index_cast %add3A_58 : i32 to index
        %get3A_60 = arith.constant 0 : index
        %get3A_61 = tpu.vector_load %arg9[%get3A_59, %get3A_60] {strides = array<i32>} : memref<128x256xf32, #tpu.memory_space<vmem>>, vector<1x16xf32>,
        %get3A_62 = vector.shape_cast %get3A_61 : vector<1x16xf32> to vector<16xf32>
        %max3A_63 = arith.maximumf %max3A_56, %get3A_62 : vector<16xf32>
        %add3A_64 = arith.constant 4 : i32
        %add3A_65 = arith.addi %mul3A_40, %add3A_64 : i32
        %get3A_66 = arith.index_cast %add3A_65 : i32 to index
        %get3A_67 = arith.constant 0 : index
        %get3A_68 = tpu.vector_load %arg9[%get3A_66, %get3A_67] {strides = array<i32>} : memref<128x256xf32, #tpu.memory_space<vmem>>, vector<1x16xf32>,
        %get3A_69 = vector.shape_cast %get3A_68 : vector<1x16xf32> to vector<16xf32>
        %max3A_70 = arith.maximumf %max3A_63, %get3A_69 : vector<16xf32>
        %add3A_71 = arith.constant 5 : i32
        %add3A_72 = arith.addi %mul3A_40, %add3A_71 : i32
        %get3A_73 = arith.index_cast %add3A_72 : i32 to index
        %get3A_74 = arith.constant 0 : index
        %get3A_75 = tpu.vector_load %arg9[%get3A_73, %get3A_74] {strides = array<i32>} : memref<128x256xf32, #tpu.memory_space<vmem>>, vector<1x16xf32>,
        %get3A_76 = vector.shape_cast %get3A_75 : vector<1x16xf32> to vector<16xf32>
        %max3A_77 = arith.maximumf %max3A_70, %get3A_76 : vector<16xf32>
        %add3A_78 = arith.constant 6 : i32
        %add3A_79 = arith.addi %mul3A_40, %add3A_78 : i32
        %get3A_80 = arith.index_cast %add3A_79 : i32 to index
        %get3A_81 = arith.constant 0 : index
        %get3A_82 = tpu.vector_load %arg9[%get3A_80, %get3A_81] {strides = array<i32>} : memref<128x256xf32, #tpu.memory_space<vmem>>, vector<1x16xf32>,
        %get3A_83 = vector.shape_cast %get3A_82 : vector<1x16xf32> to vector<16xf32>
        %max3A_84 = arith.maximumf %max3A_77, %get3A_83 : vector<16xf32>
        %add3A_85 = arith.constant 7 : i32
        %add3A_86 = arith.addi %mul3A_40, %add3A_85 : i32
        %get3A_87 = arith.index_cast %add3A_86 : i32 to index
        %get3A_88 = arith.constant 0 : index
        %get3A_89 = tpu.vector_load %arg9[%get3A_87, %get3A_88] {strides = array<i32>} : memref<128x256xf32, #tpu.memory_space<vmem>>, vector<1x16xf32>,
        %get3A_90 = vector.shape_cast %get3A_89 : vector<1x16xf32> to vector<16xf32>
        %max3A_91 = arith.maximumf %max3A_84, %get3A_90 : vector<16xf32>
        %add3A_92 = arith.constant 8 : i32
        %add3A_93 = arith.addi %mul3A_40, %add3A_92 : i32
        %get3A_94 = arith.index_cast %add3A_93 : i32 to index
        %get3A_95 = arith.constant 0 : index
        %get3A_96 = tpu.vector_load %arg9[%get3A_94, %get3A_95] {strides = array<i32>} : memref<128x256xf32, #tpu.memory_space<vmem>>, vector<1x16xf32>,
        %get3A_97 = vector.shape_cast %get3A_96 : vector<1x16xf32> to vector<16xf32>
        %max3A_98 = arith.maximumf %max3A_91, %get3A_97 : vector<16xf32>
        %add3A_99 = arith.constant 9 : i32
        %add3A_100 = arith.addi %mul3A_40, %add3A_99 : i32
        %get3A_101 = arith.index_cast %add3A_100 : i32 to index
        %get3A_102 = arith.constant 0 : index
        %get3A_103 = tpu.vector_load %arg9[%get3A_101, %get3A_102] {strides = array<i32>} : memref<128x256xf32, #tpu.memory_space<vmem>>, vector<1x16xf32>,
        %get3A_104 = vector.shape_cast %get3A_103 : vector<1x16xf32> to vector<16xf32>
        %max3A_105 = arith.maximumf %max3A_98, %get3A_104 : vector<16xf32>
        %add3A_106 = arith.constant 10 : i32
        %add3A_107 = arith.addi %mul3A_40, %add3A_106 : i32
        %get3A_108 = arith.index_cast %add3A_107 : i32 to index
        %get3A_109 = arith.constant 0 : index
        %get3A_110 = tpu.vector_load %arg9[%get3A_108, %get3A_109] {strides = array<i32>} : memref<128x256xf32, #tpu.memory_space<vmem>>, vector<1x16xf32>,
        %get3A_111 = vector.shape_cast %get3A_110 : vector<1x16xf32> to vector<16xf32>
        %max3A_112 = arith.maximumf %max3A_105, %get3A_111 : vector<16xf32>
        %add3A_113 = arith.constant 11 : i32
        %add3A_114 = arith.addi %mul3A_40, %add3A_113 : i32
        %get3A_115 = arith.index_cast %add3A_114 : i32 to index
        %get3A_116 = arith.constant 0 : index
        %get3A_117 = tpu.vector_load %arg9[%get3A_115, %get3A_116] {strides = array<i32>} : memref<128x256xf32, #tpu.memory_space<vmem>>, vector<1x16xf32>,
        %get3A_118 = vector.shape_cast %get3A_117 : vector<1x16xf32> to vector<16xf32>
        %max3A_119 = arith.maximumf %max3A_112, %get3A_118 : vector<16xf32>
        %add3A_120 = arith.constant 12 : i32
        %add3A_121 = arith.addi %mul3A_40, %add3A_120 : i32
        %get3A_122 = arith.index_cast %add3A_121 : i32 to index
        %get3A_123 = arith.constant 0 : index
        %get3A_124 = tpu.vector_load %arg9[%get3A_122, %get3A_123] {strides = array<i32>} : memref<128x256xf32, #tpu.memory_space<vmem>>, vector<1x16xf32>,
        %get3A_125 = vector.shape_cast %get3A_124 : vector<1x16xf32> to vector<16xf32>
        %max3A_126 = arith.maximumf %max3A_119, %get3A_125 : vector<16xf32>
        %add3A_127 = arith.constant 13 : i32
        %add3A_128 = arith.addi %mul3A_40, %add3A_127 : i32
        %get3A_129 = arith.index_cast %add3A_128 : i32 to index
        %get3A_130 = arith.constant 0 : index
        %get3A_131 = tpu.vector_load %arg9[%get3A_129, %get3A_130] {strides = array<i32>} : memref<128x256xf32, #tpu.memory_space<vmem>>, vector<1x16xf32>,
        %get3A_132 = vector.shape_cast %get3A_131 : vector<1x16xf32> to vector<16xf32>
        %max3A_133 = arith.maximumf %max3A_126, %get3A_132 : vector<16xf32>
        %add3A_134 = arith.constant 14 : i32
        %add3A_135 = arith.addi %mul3A_40, %add3A_134 : i32
        %get3A_136 = arith.index_cast %add3A_135 : i32 to index
        %get3A_137 = arith.constant 0 : index
        %get3A_138 = tpu.vector_load %arg9[%get3A_136, %get3A_137] {strides = array<i32>} : memref<128x256xf32, #tpu.memory_space<vmem>>, vector<1x16xf32>,
        %get3A_139 = vector.shape_cast %get3A_138 : vector<1x16xf32> to vector<16xf32>
        %max3A_140 = arith.maximumf %max3A_133, %get3A_139 : vector<16xf32>
        %add3A_141 = arith.constant 15 : i32
        %add3A_142 = arith.addi %mul3A_40, %add3A_141 : i32
        %get3A_143 = arith.index_cast %add3A_142 : i32 to index
        %get3A_144 = arith.constant 0 : index
        %get3A_145 = tpu.vector_load %arg9[%get3A_143, %get3A_144] {strides = array<i32>} : memref<128x256xf32, #tpu.memory_space<vmem>>, vector<1x16xf32>,
        %get3A_146 = vector.shape_cast %get3A_145 : vector<1x16xf32> to vector<16xf32>
        %max3A_147 = arith.maximumf %max3A_140, %get3A_146 : vector<16xf32>
        %mul3A_148 = arith.constant 8 : i32
        %mul3A_149 = arith.muli %scan3A_15, %mul3A_148 : i32
        %add3A_150 = arith.addi %mul3A_149, %scan3A_37 : i32
        %swap3A = arith.index_cast %add3A_150 : i32 to index
        %swap3A_151 = arith.constant 0 : index
        %swap3A_152 = tpu.vector_load %arg10[%swap3A, %swap3A_151] {strides = array<i32>} : memref<128x256xf32, #tpu.memory_space<vmem>>, vector<1x16xf32>,
        %swap3A_153 = vector.shape_cast %swap3A_152 : vector<1x16xf32> to vector<16xf32>
        %swap3A_154 = vector.shape_cast %max3A_147 : vector<16xf32> to vector<1x16xf32>
        tpu.vector_store %arg10[%swap3A, %swap3A_151], %swap3A_154 {strides = array<i32>} : memref<128x256xf32, #tpu.memory_space<vmem>>, vector<1x16xf32>,
        %get3A_155 = arith.index_cast %mul3A_40 : i32 to index
        %get3A_156 = arith.constant 16 : index
        %get3A_157 = tpu.vector_load %arg9[%get3A_155, %get3A_156] {strides = array<i32>} : memref<128x256xf32, #tpu.memory_space<vmem>>, vector<1x16xf32>,
        %get3A_158 = vector.shape_cast %get3A_157 : vector<1x16xf32> to vector<16xf32>
        %add3A_159 = arith.constant 1 : i32
        %add3A_160 = arith.addi %mul3A_40, %add3A_159 : i32
        %get3A_161 = arith.index_cast %add3A_160 : i32 to index
        %get3A_162 = arith.constant 16 : index
        %get3A_163 = tpu.vector_load %arg9[%get3A_161, %get3A_162] {strides = array<i32>} : memref<128x256xf32, #tpu.memory_space<vmem>>, vector<1x16xf32>,
        %get3A_164 = vector.shape_cast %get3A_163 : vector<1x16xf32> to vector<16xf32>
        %max3A_165 = arith.maximumf %get3A_158, %get3A_164 : vector<16xf32>
        %add3A_166 = arith.constant 2 : i32
        %add3A_167 = arith.addi %mul3A_40, %add3A_166 : i32
        %get3A_168 = arith.index_cast %add3A_167 : i32 to index
        %get3A_169 = arith.constant 16 : index
        %get3A_170 = tpu.vector_load %arg9[%get3A_168, %get3A_169] {strides = array<i32>} : memref<128x256xf32, #tpu.memory_space<vmem>>, vector<1x16xf32>,
        %get3A_171 = vector.shape_cast %get3A_170 : vector<1x16xf32> to vector<16xf32>
        %max3A_172 = arith.maximumf %max3A_165, %get3A_171 : vector<16xf32>
        %add3A_173 = arith.constant 3 : i32
        %add3A_174 = arith.addi %mul3A_40, %add3A_173 : i32
        %get3A_175 = arith.index_cast %add3A_174 : i32 to index
        %get3A_176 = arith.constant 16 : index
        %get3A_177 = tpu.vector_load %arg9[%get3A_175, %get3A_176] {strides = array<i32>} : memref<128x256xf32, #tpu.memory_space<vmem>>, vector<1x16xf32>,
        %get3A_178 = vector.shape_cast %get3A_177 : vector<1x16xf32> to vector<16xf32>
        %max3A_179 = arith.maximumf %max3A_172, %get3A_178 : vector<16xf32>
        %add3A_180 = arith.constant 4 : i32
        %add3A_181 = arith.addi %mul3A_40, %add3A_180 : i32
        %get3A_182 = arith.index_cast %add3A_181 : i32 to index
        %get3A_183 = arith.constant 16 : index
        %get3A_184 = tpu.vector_load %arg9[%get3A_182, %get3A_183] {strides = array<i32>} : memref<128x256xf32, #tpu.memory_space<vmem>>, vector<1x16xf32>,
        %get3A_185 = vector.shape_cast %get3A_184 : vector<1x16xf32> to vector<16xf32>
        %max3A_186 = arith.maximumf %max3A_179, %get3A_185 : vector<16xf32>
        %add3A_187 = arith.constant 5 : i32
        %add3A_188 = arith.addi %mul3A_40, %add3A_187 : i32
        %get3A_189 = arith.index_cast %add3A_188 : i32 to index
        %get3A_190 = arith.constant 16 : index
        %get3A_191 = tpu.vector_load %arg9[%get3A_189, %get3A_190] {strides = array<i32>} : memref<128x256xf32, #tpu.memory_space<vmem>>, vector<1x16xf32>,
        %get3A_192 = vector.shape_cast %get3A_191 : vector<1x16xf32> to vector<16xf32>
        %max3A_193 = arith.maximumf %max3A_186, %get3A_192 : vector<16xf32>
        %add3A_194 = arith.constant 6 : i32
        %add3A_195 = arith.addi %mul3A_40, %add3A_194 : i32
        %get3A_196 = arith.index_cast %add3A_195 : i32 to index
        %get3A_197 = arith.constant 16 : index
        %get3A_198 = tpu.vector_load %arg9[%get3A_196, %get3A_197] {strides = array<i32>} : memref<128x256xf32, #tpu.memory_space<vmem>>, vector<1x16xf32>,
        %get3A_199 = vector.shape_cast %get3A_198 : vector<1x16xf32> to vector<16xf32>
        %max3A_200 = arith.maximumf %max3A_193, %get3A_199 : vector<16xf32>
        %add3A_201 = arith.constant 7 : i32
        %add3A_202 = arith.addi %mul3A_40, %add3A_201 : i32
        %get3A_203 = arith.index_cast %add3A_202 : i32 to index
        %get3A_204 = arith.constant 16 : index
        %get3A_205 = tpu.vector_load %arg9[%get3A_203, %get3A_204] {strides = array<i32>} : memref<128x256xf32, #tpu.memory_space<vmem>>, vector<1x16xf32>,
        %get3A_206 = vector.shape_cast %get3A_205 : vector<1x16xf32> to vector<16xf32>
        %max3A_207 = arith.maximumf %max3A_200, %get3A_206 : vector<16xf32>
        %add3A_208 = arith.constant 8 : i32
        %add3A_209 = arith.addi %mul3A_40, %add3A_208 : i32
        %get3A_210 = arith.index_cast %add3A_209 : i32 to index
        %get3A_211 = arith.constant 16 : index
        %get3A_212 = tpu.vector_load %arg9[%get3A_210, %get3A_211] {strides = array<i32>} : memref<128x256xf32, #tpu.memory_space<vmem>>, vector<1x16xf32>,
        %get3A_213 = vector.shape_cast %get3A_212 : vector<1x16xf32> to vector<16xf32>
        %max3A_214 = arith.maximumf %max3A_207, %get3A_213 : vector<16xf32>
        %add3A_215 = arith.constant 9 : i32
        %add3A_216 = arith.addi %mul3A_40, %add3A_215 : i32
        %get3A_217 = arith.index_cast %add3A_216 : i32 to index
        %get3A_218 = arith.constant 16 : index
        %get3A_219 = tpu.vector_load %arg9[%get3A_217, %get3A_218] {strides = array<i32>} : memref<128x256xf32, #tpu.memory_space<vmem>>, vector<1x16xf32>,
        %get3A_220 = vector.shape_cast %get3A_219 : vector<1x16xf32> to vector<16xf32>
        %max3A_221 = arith.maximumf %max3A_214, %get3A_220 : vector<16xf32>
        %add3A_222 = arith.constant 10 : i32
        %add3A_223 = arith.addi %mul3A_40, %add3A_222 : i32
        %get3A_224 = arith.index_cast %add3A_223 : i32 to index
        %get3A_225 = arith.constant 16 : index
        %get3A_226 = tpu.vector_load %arg9[%get3A_224, %get3A_225] {strides = array<i32>} : memref<128x256xf32, #tpu.memory_space<vmem>>, vector<1x16xf32>,
        %get3A_227 = vector.shape_cast %get3A_226 : vector<1x16xf32> to vector<16xf32>
        %max3A_228 = arith.maximumf %max3A_221, %get3A_227 : vector<16xf32>
        %add3A_229 = arith.constant 11 : i32
        %add3A_230 = arith.addi %mul3A_40, %add3A_229 : i32
        %get3A_231 = arith.index_cast %add3A_230 : i32 to index
        %get3A_232 = arith.constant 16 : index
        %get3A_233 = tpu.vector_load %arg9[%get3A_231, %get3A_232] {strides = array<i32>} : memref<128x256xf32, #tpu.memory_space<vmem>>, vector<1x16xf32>,
        %get3A_234 = vector.shape_cast %get3A_233 : vector<1x16xf32> to vector<16xf32>
        %max3A_235 = arith.maximumf %max3A_228, %get3A_234 : vector<16xf32>
        %add3A_236 = arith.constant 12 : i32
        %add3A_237 = arith.addi %mul3A_40, %add3A_236 : i32
        %get3A_238 = arith.index_cast %add3A_237 : i32 to index
        %get3A_239 = arith.constant 16 : index
        %get3A_240 = tpu.vector_load %arg9[%get3A_238, %get3A_239] {strides = array<i32>} : memref<128x256xf32, #tpu.memory_space<vmem>>, vector<1x16xf32>,
        %get3A_241 = vector.shape_cast %get3A_240 : vector<1x16xf32> to vector<16xf32>
        %max3A_242 = arith.maximumf %max3A_235, %get3A_241 : vector<16xf32>
        %add3A_243 = arith.constant 13 : i32
        %add3A_244 = arith.addi %mul3A_40, %add3A_243 : i32
        %get3A_245 = arith.index_cast %add3A_244 : i32 to index
        %get3A_246 = arith.constant 16 : index
        %get3A_247 = tpu.vector_load %arg9[%get3A_245, %get3A_246] {strides = array<i32>} : memref<128x256xf32, #tpu.memory_space<vmem>>, vector<1x16xf32>,
        %get3A_248 = vector.shape_cast %get3A_247 : vector<1x16xf32> to vector<16xf32>
        %max3A_249 = arith.maximumf %max3A_242, %get3A_248 : vector<16xf32>
        %add3A_250 = arith.constant 14 : i32
        %add3A_251 = arith.addi %mul3A_40, %add3A_250 : i32
        %get3A_252 = arith.index_cast %add3A_251 : i32 to index
        %get3A_253 = arith.constant 16 : index
        %get3A_254 = tpu.vector_load %arg9[%get3A_252, %get3A_253] {strides = array<i32>} : memref<128x256xf32, #tpu.memory_space<vmem>>, vector<1x16xf32>,
        %get3A_255 = vector.shape_cast %get3A_254 : vector<1x16xf32> to vector<16xf32>
        %max3A_256 = arith.maximumf %max3A_249, %get3A_255 : vector<16xf32>
        %add3A_257 = arith.constant 15 : i32
        %add3A_258 = arith.addi %mul3A_40, %add3A_257 : i32
        %get3A_259 = arith.index_cast %add3A_258 : i32 to index
        %get3A_260 = arith.constant 16 : index
        %get3A_261 = tpu.vector_load %arg9[%get3A_259, %get3A_260] {strides = array<i32>} : memref<128x256xf32, #tpu.memory_space<vmem>>, vector<1x16xf32>,
        %get3A_262 = vector.shape_cast %get3A_261 : vector<1x16xf32> to vector<16xf32>
        %max3A_263 = arith.maximumf %max3A_256, %get3A_262 : vector<16xf32>
        %mul3A_264 = arith.constant 8 : i32
        %mul3A_265 = arith.muli %scan3A_15, %mul3A_264 : i32
        %add3A_266 = arith.addi %mul3A_265, %scan3A_37 : i32
        %swap3A_267 = arith.index_cast %add3A_266 : i32 to index
        %swap3A_268 = arith.constant 16 : index
        %swap3A_269 = tpu.vector_load %arg10[%swap3A_267, %swap3A_268] {strides = array<i32>} : memref<128x256xf32, #tpu.memory_space<vmem>>, vector<1x16xf32>,
        %swap3A_270 = vector.shape_cast %swap3A_269 : vector<1x16xf32> to vector<16xf32>
        %swap3A_271 = vector.shape_cast %max3A_263 : vector<16xf32> to vector<1x16xf32>
        tpu.vector_store %arg10[%swap3A_267, %swap3A_268], %swap3A_271 {strides = array<i32>} : memref<128x256xf32, #tpu.memory_space<vmem>>, vector<1x16xf32>,
        %get3A_272 = arith.index_cast %mul3A_40 : i32 to index
        %get3A_273 = arith.constant 32 : index
        %get3A_274 = tpu.vector_load %arg9[%get3A_272, %get3A_273] {strides = array<i32>} : memref<128x256xf32, #tpu.memory_space<vmem>>, vector<1x16xf32>,
        %get3A_275 = vector.shape_cast %get3A_274 : vector<1x16xf32> to vector<16xf32>
        %add3A_276 = arith.constant 1 : i32
        %add3A_277 = arith.addi %mul3A_40, %add3A_276 : i32
        %get3A_278 = arith.index_cast %add3A_277 : i32 to index
        %get3A_279 = arith.constant 32 : index
        %get3A_280 = tpu.vector_load %arg9[%get3A_278, %get3A_279] {strides = array<i32>} : memref<128x256xf32, #tpu.memory_space<vmem>>, vector<1x16xf32>,
        %get3A_281 = vector.shape_cast %get3A_280 : vector<1x16xf32> to vector<16xf32>
        %max3A_282 = arith.maximumf %get3A_275, %get3A_281 : vector<16xf32>
        %add3A_283 = arith.constant 2 : i32
        %add3A_284 = arith.addi %mul3A_40, %add3A_283 : i32
        %get3A_285 = arith.index_cast %add3A_284 : i32 to index
        %get3A_286 = arith.constant 32 : index
        %get3A_287 = tpu.vector_load %arg9[%get3A_285, %get3A_286] {strides = array<i32>} : memref<128x256xf32, #tpu.memory_space<vmem>>, vector<1x16xf32>,
        %get3A_288 = vector.shape_cast %get3A_287 : vector<1x16xf32> to vector<16xf32>
        %max3A_289 = arith.maximumf %max3A_282, %get3A_288 : vector<16xf32>
        %add3A_290 = arith.constant 3 : i32
        %add3A_291 = arith.addi %mul3A_40, %add3A_290 : i32
        %get3A_292 = arith.index_cast %add3A_291 : i32 to index
        %get3A_293 = arith.constant 32 : index
        %get3A_294 = tpu.vector_load %arg9[%get3A_292, %get3A_293] {strides = array<i32>} : memref<128x256xf32, #tpu.memory_space<vmem>>, vector<1x16xf32>,
        %get3A_295 = vector.shape_cast %get3A_294 : vector<1x16xf32> to vector<16xf32>
        %max3A_296 = arith.maximumf %max3A_289, %get3A_295 : vector<16xf32>
        %add3A_297 = arith.constant 4 : i32
        %add3A_298 = arith.addi %mul3A_40, %add3A_297 : i32
        %get3A_299 = arith.index_cast %add3A_298 : i32 to index
        %get3A_300 = arith.constant 32 : index
        %get3A_301 = tpu.vector_load %arg9[%get3A_299, %get3A_300] {strides = array<i32>} : memref<128x256xf32, #tpu.memory_space<vmem>>, vector<1x16xf32>,
        %get3A_302 = vector.shape_cast %get3A_301 : vector<1x16xf32> to vector<16xf32>
        %max3A_303 = arith.maximumf %max3A_296, %get3A_302 : vector<16xf32>
        %add3A_304 = arith.constant 5 : i32
        %add3A_305 = arith.addi %mul3A_40, %add3A_304 : i32
        %get3A_306 = arith.index_cast %add3A_305 : i32 to index
        %get3A_307 = arith.constant 32 : index
        %get3A_308 = tpu.vector_load %arg9[%get3A_306, %get3A_307] {strides = array<i32>} : memref<128x256xf32, #tpu.memory_space<vmem>>, vector<1x16xf32>,
        %get3A_309 = vector.shape_cast %get3A_308 : vector<1x16xf32> to vector<16xf32>
        %max3A_310 = arith.maximumf %max3A_303, %get3A_309 : vector<16xf32>
        %add3A_311 = arith.constant 6 : i32
        %add3A_312 = arith.addi %mul3A_40, %add3A_311 : i32
        %get3A_313 = arith.index_cast %add3A_312 : i32 to index
        %get3A_314 = arith.constant 32 : index
        %get3A_315 = tpu.vector_load %arg9[%get3A_313, %get3A_314] {strides = array<i32>} : memref<128x256xf32, #tpu.memory_space<vmem>>, vector<1x16xf32>,
        %get3A_316 = vector.shape_cast %get3A_315 : vector<1x16xf32> to vector<16xf32>
        %max3A_317 = arith.maximumf %max3A_310, %get3A_316 : vector<16xf32>
        %add3A_318 = arith.constant 7 : i32
        %add3A_319 = arith.addi %mul3A_40, %add3A_318 : i32
        %get3A_320 = arith.index_cast %add3A_319 : i32 to index
        %get3A_321 = arith.constant 32 : index
        %get3A_322 = tpu.vector_load %arg9[%get3A_320, %get3A_321] {strides = array<i32>} : memref<128x256xf32, #tpu.memory_space<vmem>>, vector<1x16xf32>,
        %get3A_323 = vector.shape_cast %get3A_322 : vector<1x16xf32> to vector<16xf32>
        %max3A_324 = arith.maximumf %max3A_317, %get3A_323 : vector<16xf32>
        %add3A_325 = arith.constant 8 : i32
        %add3A_326 = arith.addi %mul3A_40, %add3A_325 : i32
        %get3A_327 = arith.index_cast %add3A_326 : i32 to index
        %get3A_328 = arith.constant 32 : index
        %get3A_329 = tpu.vector_load %arg9[%get3A_327, %get3A_328] {strides = array<i32>} : memref<128x256xf32, #tpu.memory_space<vmem>>, vector<1x16xf32>,
        %get3A_330 = vector.shape_cast %get3A_329 : vector<1x16xf32> to vector<16xf32>
        %max3A_331 = arith.maximumf %max3A_324, %get3A_330 : vector<16xf32>
        %add3A_332 = arith.constant 9 : i32
        %add3A_333 = arith.addi %mul3A_40, %add3A_332 : i32
        %get3A_334 = arith.index_cast %add3A_333 : i32 to index
        %get3A_335 = arith.constant 32 : index
        %get3A_336 = tpu.vector_load %arg9[%get3A_334, %get3A_335] {strides = array<i32>} : memref<128x256xf32, #tpu.memory_space<vmem>>, vector<1x16xf32>,
        %get3A_337 = vector.shape_cast %get3A_336 : vector<1x16xf32> to vector<16xf32>
        %max3A_338 = arith.maximumf %max3A_331, %get3A_337 : vector<16xf32>
        %add3A_339 = arith.constant 10 : i32
        %add3A_340 = arith.addi %mul3A_40, %add3A_339 : i32
        %get3A_341 = arith.index_cast %add3A_340 : i32 to index
        %get3A_342 = arith.constant 32 : index
        %get3A_343 = tpu.vector_load %arg9[%get3A_341, %get3A_342] {strides = array<i32>} : memref<128x256xf32, #tpu.memory_space<vmem>>, vector<1x16xf32>,
        %get3A_344 = vector.shape_cast %get3A_343 : vector<1x16xf32> to vector<16xf32>
        %max3A_345 = arith.maximumf %max3A_338, %get3A_344 : vector<16xf32>
        %add3A_346 = arith.constant 11 : i32
        %add3A_347 = arith.addi %mul3A_40, %add3A_346 : i32
        %get3A_348 = arith.index_cast %add3A_347 : i32 to index
        %get3A_349 = arith.constant 32 : index
        %get3A_350 = tpu.vector_load %arg9[%get3A_348, %get3A_349] {strides = array<i32>} : memref<128x256xf32, #tpu.memory_space<vmem>>, vector<1x16xf32>,
        %get3A_351 = vector.shape_cast %get3A_350 : vector<1x16xf32> to vector<16xf32>
        %max3A_352 = arith.maximumf %max3A_345, %get3A_351 : vector<16xf32>
        %add3A_353 = arith.constant 12 : i32
        %add3A_354 = arith.addi %mul3A_40, %add3A_353 : i32
        %get3A_355 = arith.index_cast %add3A_354 : i32 to index
        %get3A_356 = arith.constant 32 : index
        %get3A_357 = tpu.vector_load %arg9[%get3A_355, %get3A_356] {strides = array<i32>} : memref<128x256xf32, #tpu.memory_space<vmem>>, vector<1x16xf32>,
        %get3A_358 = vector.shape_cast %get3A_357 : vector<1x16xf32> to vector<16xf32>
        %max3A_359 = arith.maximumf %max3A_352, %get3A_358 : vector<16xf32>
        %add3A_360 = arith.constant 13 : i32
        %add3A_361 = arith.addi %mul3A_40, %add3A_360 : i32
        %get3A_362 = arith.index_cast %add3A_361 : i32 to index
        %get3A_363 = arith.constant 32 : index
        %get3A_364 = tpu.vector_load %arg9[%get3A_362, %get3A_363] {strides = array<i32>} : memref<128x256xf32, #tpu.memory_space<vmem>>, vector<1x16xf32>,
        %get3A_365 = vector.shape_cast %get3A_364 : vector<1x16xf32> to vector<16xf32>
        %max3A_366 = arith.maximumf %max3A_359, %get3A_365 : vector<16xf32>
        %add3A_367 = arith.constant 14 : i32
        %add3A_368 = arith.addi %mul3A_40, %add3A_367 : i32
        %get3A_369 = arith.index_cast %add3A_368 : i32 to index
        %get3A_370 = arith.constant 32 : index
        %get3A_371 = tpu.vector_load %arg9[%get3A_369, %get3A_370] {strides = array<i32>} : memref<128x256xf32, #tpu.memory_space<vmem>>, vector<1x16xf32>,
        %get3A_372 = vector.shape_cast %get3A_371 : vector<1x16xf32> to vector<16xf32>
        %max3A_373 = arith.maximumf %max3A_366, %get3A_372 : vector<16xf32>
        %add3A_374 = arith.constant 15 : i32
        %add3A_375 = arith.addi %mul3A_40, %add3A_374 : i32
        %get3A_376 = arith.index_cast %add3A_375 : i32 to index
        %get3A_377 = arith.constant 32 : index
        %get3A_378 = tpu.vector_load %arg9[%get3A_376, %get3A_377] {strides = array<i32>} : memref<128x256xf32, #tpu.memory_space<vmem>>, vector<1x16xf32>,
        %get3A_379 = vector.shape_cast %get3A_378 : vector<1x16xf32> to vector<16xf32>
        %max3A_380 = arith.maximumf %max3A_373, %get3A_379 : vector<16xf32>
        %mul3A_381 = arith.constant 8 : i32
        %mul3A_382 = arith.muli %scan3A_15, %mul3A_381 : i32
        %add3A_383 = arith.addi %mul3A_382, %scan3A_37 : i32
        %swap3A_384 = arith.index_cast %add3A_383 : i32 to index
        %swap3A_385 = arith.constant 32 : index
        %swap3A_386 = tpu.vector_load %arg10[%swap3A_384, %swap3A_385] {strides = array<i32>} : memref<128x256xf32, #tpu.memory_space<vmem>>, vector<1x16xf32>,
        %swap3A_387 = vector.shape_cast %swap3A_386 : vector<1x16xf32> to vector<16xf32>
        %swap3A_388 = vector.shape_cast %max3A_380 : vector<16xf32> to vector<1x16xf32>
        tpu.vector_store %arg10[%swap3A_384, %swap3A_385], %swap3A_388 {strides = array<i32>} : memref<128x256xf32, #tpu.memory_space<vmem>>, vector<1x16xf32>,
        %get3A_389 = arith.index_cast %mul3A_40 : i32 to index
        %get3A_390 = arith.constant 48 : index
        %get3A_391 = tpu.vector_load %arg9[%get3A_389, %get3A_390] {strides = array<i32>} : memref<128x256xf32, #tpu.memory_space<vmem>>, vector<1x16xf32>,
        %get3A_392 = vector.shape_cast %get3A_391 : vector<1x16xf32> to vector<16xf32>
        %add3A_393 = arith.constant 1 : i32
        %add3A_394 = arith.addi %mul3A_40, %add3A_393 : i32
        %get3A_395 = arith.index_cast %add3A_394 : i32 to index
        %get3A_396 = arith.constant 48 : index
        %get3A_397 = tpu.vector_load %arg9[%get3A_395, %get3A_396] {strides = array<i32>} : memref<128x256xf32, #tpu.memory_space<vmem>>, vector<1x16xf32>,
        %get3A_398 = vector.shape_cast %get3A_397 : vector<1x16xf32> to vector<16xf32>
        %max3A_399 = arith.maximumf %get3A_392, %get3A_398 : vector<16xf32>
        %add3A_400 = arith.constant 2 : i32
        %add3A_401 = arith.addi %mul3A_40, %add3A_400 : i32
        %get3A_402 = arith.index_cast %add3A_401 : i32 to index
        %get3A_403 = arith.constant 48 : index
        %get3A_404 = tpu.vector_load %arg9[%get3A_402, %get3A_403] {strides = array<i32>} : memref<128x256xf32, #tpu.memory_space<vmem>>, vector<1x16xf32>,
        %get3A_405 = vector.shape_cast %get3A_404 : vector<1x16xf32> to vector<16xf32>
        %max3A_406 = arith.maximumf %max3A_399, %get3A_405 : vector<16xf32>
        %add3A_407 = arith.constant 3 : i32
        %add3A_408 = arith.addi %mul3A_40, %add3A_407 : i32
        %get3A_409 = arith.index_cast %add3A_408 : i32 to index
        %get3A_410 = arith.constant 48 : index
        %get3A_411 = tpu.vector_load %arg9[%get3A_409, %get3A_410] {strides = array<i32>} : memref<128x256xf32, #tpu.memory_space<vmem>>, vector<1x16xf32>,
        %get3A_412 = vector.shape_cast %get3A_411 : vector<1x16xf32> to vector<16xf32>
        %max3A_413 = arith.maximumf %max3A_406, %get3A_412 : vector<16xf32>
        %add3A_414 = arith.constant 4 : i32
        %add3A_415 = arith.addi %mul3A_40, %add3A_414 : i32
        %get3A_416 = arith.index_cast %add3A_415 : i32 to index
        %get3A_417 = arith.constant 48 : index
        %get3A_418 = tpu.vector_load %arg9[%get3A_416, %get3A_417] {strides = array<i32>} : memref<128x256xf32, #tpu.memory_space<vmem>>, vector<1x16xf32>,
        %get3A_419 = vector.shape_cast %get3A_418 : vector<1x16xf32> to vector<16xf32>
        %max3A_420 = arith.maximumf %max3A_413, %get3A_419 : vector<16xf32>
        %add3A_421 = arith.constant 5 : i32
        %add3A_422 = arith.addi %mul3A_40, %add3A_421 : i32
        %get3A_423 = arith.index_cast %add3A_422 : i32 to index
        %get3A_424 = arith.constant 48 : index
        %get3A_425 = tpu.vector_load %arg9[%get3A_423, %get3A_424] {strides = array<i32>} : memref<128x256xf32, #tpu.memory_space<vmem>>, vector<1x16xf32>,
        %get3A_426 = vector.shape_cast %get3A_425 : vector<1x16xf32> to vector<16xf32>
        %max3A_427 = arith.maximumf %max3A_420, %get3A_426 : vector<16xf32>
        %add3A_428 = arith.constant 6 : i32
        %add3A_429 = arith.addi %mul3A_40, %add3A_428 : i32
        %get3A_430 = arith.index_cast %add3A_429 : i32 to index
        %get3A_431 = arith.constant 48 : index
        %get3A_432 = tpu.vector_load %arg9[%get3A_430, %get3A_431] {strides = array<i32>} : memref<128x256xf32, #tpu.memory_space<vmem>>, vector<1x16xf32>,
        %get3A_433 = vector.shape_cast %get3A_432 : vector<1x16xf32> to vector<16xf32>
        %max3A_434 = arith.maximumf %max3A_427, %get3A_433 : vector<16xf32>
        %add3A_435 = arith.constant 7 : i32
        %add3A_436 = arith.addi %mul3A_40, %add3A_435 : i32
        %get3A_437 = arith.index_cast %add3A_436 : i32 to index
        %get3A_438 = arith.constant 48 : index
        %get3A_439 = tpu.vector_load %arg9[%get3A_437, %get3A_438] {strides = array<i32>} : memref<128x256xf32, #tpu.memory_space<vmem>>, vector<1x16xf32>,
        %get3A_440 = vector.shape_cast %get3A_439 : vector<1x16xf32> to vector<16xf32>
        %max3A_441 = arith.maximumf %max3A_434, %get3A_440 : vector<16xf32>
        %add3A_442 = arith.constant 8 : i32
        %add3A_443 = arith.addi %mul3A_40, %add3A_442 : i32
        %get3A_444 = arith.index_cast %add3A_443 : i32 to index
        %get3A_445 = arith.constant 48 : index
        %get3A_446 = tpu.vector_load %arg9[%get3A_444, %get3A_445] {strides = array<i32>} : memref<128x256xf32, #tpu.memory_space<vmem>>, vector<1x16xf32>,
        %get3A_447 = vector.shape_cast %get3A_446 : vector<1x16xf32> to vector<16xf32>
        %max3A_448 = arith.maximumf %max3A_441, %get3A_447 : vector<16xf32>
        %add3A_449 = arith.constant 9 : i32
        %add3A_450 = arith.addi %mul3A_40, %add3A_449 : i32
        %get3A_451 = arith.index_cast %add3A_450 : i32 to index
        %get3A_452 = arith.constant 48 : index
        %get3A_453 = tpu.vector_load %arg9[%get3A_451, %get3A_452] {strides = array<i32>} : memref<128x256xf32, #tpu.memory_space<vmem>>, vector<1x16xf32>,
        %get3A_454 = vector.shape_cast %get3A_453 : vector<1x16xf32> to vector<16xf32>
        %max3A_455 = arith.maximumf %max3A_448, %get3A_454 : vector<16xf32>
        %add3A_456 = arith.constant 10 : i32
        %add3A_457 = arith.addi %mul3A_40, %add3A_456 : i32
        %get3A_458 = arith.index_cast %add3A_457 : i32 to index
        %get3A_459 = arith.constant 48 : index
        %get3A_460 = tpu.vector_load %arg9[%get3A_458, %get3A_459] {strides = array<i32>} : memref<128x256xf32, #tpu.memory_space<vmem>>, vector<1x16xf32>,
        %get3A_461 = vector.shape_cast %get3A_460 : vector<1x16xf32> to vector<16xf32>
        %max3A_462 = arith.maximumf %max3A_455, %get3A_461 : vector<16xf32>
        %add3A_463 = arith.constant 11 : i32
        %add3A_464 = arith.addi %mul3A_40, %add3A_463 : i32
        %get3A_465 = arith.index_cast %add3A_464 : i32 to index
        %get3A_466 = arith.constant 48 : index
        %get3A_467 = tpu.vector_load %arg9[%get3A_465, %get3A_466] {strides = array<i32>} : memref<128x256xf32, #tpu.memory_space<vmem>>, vector<1x16xf32>,
        %get3A_468 = vector.shape_cast %get3A_467 : vector<1x16xf32> to vector<16xf32>
        %max3A_469 = arith.maximumf %max3A_462, %get3A_468 : vector<16xf32>
        %add3A_470 = arith.constant 12 : i32
        %add3A_471 = arith.addi %mul3A_40, %add3A_470 : i32
        %get3A_472 = arith.index_cast %add3A_471 : i32 to index
        %get3A_473 = arith.constant 48 : index
        %get3A_474 = tpu.vector_load %arg9[%get3A_472, %get3A_473] {strides = array<i32>} : memref<128x256xf32, #tpu.memory_space<vmem>>, vector<1x16xf32>,
        %get3A_475 = vector.shape_cast %get3A_474 : vector<1x16xf32> to vector<16xf32>
        %max3A_476 = arith.maximumf %max3A_469, %get3A_475 : vector<16xf32>
        %add3A_477 = arith.constant 13 : i32
        %add3A_478 = arith.addi %mul3A_40, %add3A_477 : i32
        %get3A_479 = arith.index_cast %add3A_478 : i32 to index
        %get3A_480 = arith.constant 48 : index
        %get3A_481 = tpu.vector_load %arg9[%get3A_479, %get3A_480] {strides = array<i32>} : memref<128x256xf32, #tpu.memory_space<vmem>>, vector<1x16xf32>,
        %get3A_482 = vector.shape_cast %get3A_481 : vector<1x16xf32> to vector<16xf32>
        %max3A_483 = arith.maximumf %max3A_476, %get3A_482 : vector<16xf32>
        %add3A_484 = arith.constant 14 : i32
        %add3A_485 = arith.addi %mul3A_40, %add3A_484 : i32
        %get3A_486 = arith.index_cast %add3A_485 : i32 to index
        %get3A_487 = arith.constant 48 : index
        %get3A_488 = tpu.vector_load %arg9[%get3A_486, %get3A_487] {strides = array<i32>} : memref<128x256xf32, #tpu.memory_space<vmem>>, vector<1x16xf32>,
        %get3A_489 = vector.shape_cast %get3A_488 : vector<1x16xf32> to vector<16xf32>
        %max3A_490 = arith.maximumf %max3A_483, %get3A_489 : vector<16xf32>
        %add3A_491 = arith.constant 15 : i32
        %add3A_492 = arith.addi %mul3A_40, %add3A_491 : i32
        %get3A_493 = arith.index_cast %add3A_492 : i32 to index
        %get3A_494 = arith.constant 48 : index
        %get3A_495 = tpu.vector_load %arg9[%get3A_493, %get3A_494] {strides = array<i32>} : memref<128x256xf32, #tpu.memory_space<vmem>>, vector<1x16xf32>,
        %get3A_496 = vector.shape_cast %get3A_495 : vector<1x16xf32> to vector<16xf32>
        %max3A_497 = arith.maximumf %max3A_490, %get3A_496 : vector<16xf32>
        %mul3A_498 = arith.constant 8 : i32
        %mul3A_499 = arith.muli %scan3A_15, %mul3A_498 : i32
        %add3A_500 = arith.addi %mul3A_499, %scan3A_37 : i32
        %swap3A_501 = arith.index_cast %add3A_500 : i32 to index
        %swap3A_502 = arith.constant 48 : index
        %swap3A_503 = tpu.vector_load %arg10[%swap3A_501, %swap3A_502] {strides = array<i32>} : memref<128x256xf32, #tpu.memory_space<vmem>>, vector<1x16xf32>,
        %swap3A_504 = vector.shape_cast %swap3A_503 : vector<1x16xf32> to vector<16xf32>
        %swap3A_505 = vector.shape_cast %max3A_497 : vector<16xf32> to vector<1x16xf32>
        tpu.vector_store %arg10[%swap3A_501, %swap3A_502], %swap3A_505 {strides = array<i32>} : memref<128x256xf32, #tpu.memory_space<vmem>>, vector<1x16xf32>,
        %get3A_506 = arith.index_cast %mul3A_40 : i32 to index
        %get3A_507 = arith.constant 64 : index
        %get3A_508 = tpu.vector_load %arg9[%get3A_506, %get3A_507] {strides = array<i32>} : memref<128x256xf32, #tpu.memory_space<vmem>>, vector<1x16xf32>,
        %get3A_509 = vector.shape_cast %get3A_508 : vector<1x16xf32> to vector<16xf32>
        %add3A_510 = arith.constant 1 : i32
        %add3A_511 = arith.addi %mul3A_40, %add3A_510 : i32
        %get3A_512 = arith.index_cast %add3A_511 : i32 to index
        %get3A_513 = arith.constant 64 : index
        %get3A_514 = tpu.vector_load %arg9[%get3A_512, %get3A_513] {strides = array<i32>} : memref<128x256xf32, #tpu.memory_space<vmem>>, vector<1x16xf32>,
        %get3A_515 = vector.shape_cast %get3A_514 : vector<1x16xf32> to vector<16xf32>
        %max3A_516 = arith.maximumf %get3A_509, %get3A_515 : vector<16xf32>
        %add3A_517 = arith.constant 2 : i32
        %add3A_518 = arith.addi %mul3A_40, %add3A_517 : i32
        %get3A_519 = arith.index_cast %add3A_518 : i32 to index
        %get3A_520 = arith.constant 64 : index
        %get3A_521 = tpu.vector_load %arg9[%get3A_519, %get3A_520] {strides = array<i32>} : memref<128x256xf32, #tpu.memory_space<vmem>>, vector<1x16xf32>,
        %get3A_522 = vector.shape_cast %get3A_521 : vector<1x16xf32> to vector<16xf32>
        %max3A_523 = arith.maximumf %max3A_516, %get3A_522 : vector<16xf32>
        %add3A_524 = arith.constant 3 : i32
        %add3A_525 = arith.addi %mul3A_40, %add3A_524 : i32
        %get3A_526 = arith.index_cast %add3A_525 : i32 to index
        %get3A_527 = arith.constant 64 : index
        %get3A_528 = tpu.vector_load %arg9[%get3A_526, %get3A_527] {strides = array<i32>} : memref<128x256xf32, #tpu.memory_space<vmem>>, vector<1x16xf32>,
        %get3A_529 = vector.shape_cast %get3A_528 : vector<1x16xf32> to vector<16xf32>
        %max3A_530 = arith.maximumf %max3A_523, %get3A_529 : vector<16xf32>
        %add3A_531 = arith.constant 4 : i32
        %add3A_532 = arith.addi %mul3A_40, %add3A_531 : i32
        %get3A_533 = arith.index_cast %add3A_532 : i32 to index
        %get3A_534 = arith.constant 64 : index
        %get3A_535 = tpu.vector_load %arg9[%get3A_533, %get3A_534] {strides = array<i32>} : memref<128x256xf32, #tpu.memory_space<vmem>>, vector<1x16xf32>,
        %get3A_536 = vector.shape_cast %get3A_535 : vector<1x16xf32> to vector<16xf32>
        %max3A_537 = arith.maximumf %max3A_530, %get3A_536 : vector<16xf32>
        %add3A_538 = arith.constant 5 : i32
        %add3A_539 = arith.addi %mul3A_40, %add3A_538 : i32
        %get3A_540 = arith.index_cast %add3A_539 : i32 to index
        %get3A_541 = arith.constant 64 : index
        %get3A_542 = tpu.vector_load %arg9[%get3A_540, %get3A_541] {strides = array<i32>} : memref<128x256xf32, #tpu.memory_space<vmem>>, vector<1x16xf32>,
        %get3A_543 = vector.shape_cast %get3A_542 : vector<1x16xf32> to vector<16xf32>
        %max3A_544 = arith.maximumf %max3A_537, %get3A_543 : vector<16xf32>
        %add3A_545 = arith.constant 6 : i32
        %add3A_546 = arith.addi %mul3A_40, %add3A_545 : i32
        %get3A_547 = arith.index_cast %add3A_546 : i32 to index
        %get3A_548 = arith.constant 64 : index
        %get3A_549 = tpu.vector_load %arg9[%get3A_547, %get3A_548] {strides = array<i32>} : memref<128x256xf32, #tpu.memory_space<vmem>>, vector<1x16xf32>,
        %get3A_550 = vector.shape_cast %get3A_549 : vector<1x16xf32> to vector<16xf32>
        %max3A_551 = arith.maximumf %max3A_544, %get3A_550 : vector<16xf32>
        %add3A_552 = arith.constant 7 : i32
        %add3A_553 = arith.addi %mul3A_40, %add3A_552 : i32
        %get3A_554 = arith.index_cast %add3A_553 : i32 to index
        %get3A_555 = arith.constant 64 : index
        %get3A_556 = tpu.vector_load %arg9[%get3A_554, %get3A_555] {strides = array<i32>} : memref<128x256xf32, #tpu.memory_space<vmem>>, vector<1x16xf32>,
        %get3A_557 = vector.shape_cast %get3A_556 : vector<1x16xf32> to vector<16xf32>
        %max3A_558 = arith.maximumf %max3A_551, %get3A_557 : vector<16xf32>
        %add3A_559 = arith.constant 8 : i32
        %add3A_560 = arith.addi %mul3A_40, %add3A_559 : i32
        %get3A_561 = arith.index_cast %add3A_560 : i32 to index
        %get3A_562 = arith.constant 64 : index
        %get3A_563 = tpu.vector_load %arg9[%get3A_561, %get3A_562] {strides = array<i32>} : memref<128x256xf32, #tpu.memory_space<vmem>>, vector<1x16xf32>,
        %get3A_564 = vector.shape_cast %get3A_563 : vector<1x16xf32> to vector<16xf32>
        %max3A_565 = arith.maximumf %max3A_558, %get3A_564 : vector<16xf32>
        %add3A_566 = arith.constant 9 : i32
        %add3A_567 = arith.addi %mul3A_40, %add3A_566 : i32
        %get3A_568 = arith.index_cast %add3A_567 : i32 to index
        %get3A_569 = arith.constant 64 : index
        %get3A_570 = tpu.vector_load %arg9[%get3A_568, %get3A_569] {strides = array<i32>} : memref<128x256xf32, #tpu.memory_space<vmem>>, vector<1x16xf32>,
        %get3A_571 = vector.shape_cast %get3A_570 : vector<1x16xf32> to vector<16xf32>
        %max3A_572 = arith.maximumf %max3A_565, %get3A_571 : vector<16xf32>
        %add3A_573 = arith.constant 10 : i32
        %add3A_574 = arith.addi %mul3A_40, %add3A_573 : i32
        %get3A_575 = arith.index_cast %add3A_574 : i32 to index
        %get3A_576 = arith.constant 64 : index
        %get3A_577 = tpu.vector_load %arg9[%get3A_575, %get3A_576] {strides = array<i32>} : memref<128x256xf32, #tpu.memory_space<vmem>>, vector<1x16xf32>,
        %get3A_578 = vector.shape_cast %get3A_577 : vector<1x16xf32> to vector<16xf32>
        %max3A_579 = arith.maximumf %max3A_572, %get3A_578 : vector<16xf32>
        %add3A_580 = arith.constant 11 : i32
        %add3A_581 = arith.addi %mul3A_40, %add3A_580 : i32
        %get3A_582 = arith.index_cast %add3A_581 : i32 to index
        %get3A_583 = arith.constant 64 : index
        %get3A_584 = tpu.vector_load %arg9[%get3A_582, %get3A_583] {strides = array<i32>} : memref<128x256xf32, #tpu.memory_space<vmem>>, vector<1x16xf32>,
        %get3A_585 = vector.shape_cast %get3A_584 : vector<1x16xf32> to vector<16xf32>
        %max3A_586 = arith.maximumf %max3A_579, %get3A_585 : vector<16xf32>
        %add3A_587 = arith.constant 12 : i32
        %add3A_588 = arith.addi %mul3A_40, %add3A_587 : i32
        %get3A_589 = arith.index_cast %add3A_588 : i32 to index
        %get3A_590 = arith.constant 64 : index
        %get3A_591 = tpu.vector_load %arg9[%get3A_589, %get3A_590] {strides = array<i32>} : memref<128x256xf32, #tpu.memory_space<vmem>>, vector<1x16xf32>,
        %get3A_592 = vector.shape_cast %get3A_591 : vector<1x16xf32> to vector<16xf32>
        %max3A_593 = arith.maximumf %max3A_586, %get3A_592 : vector<16xf32>
        %add3A_594 = arith.constant 13 : i32
        %add3A_595 = arith.addi %mul3A_40, %add3A_594 : i32
        %get3A_596 = arith.index_cast %add3A_595 : i32 to index
        %get3A_597 = arith.constant 64 : index
        %get3A_598 = tpu.vector_load %arg9[%get3A_596, %get3A_597] {strides = array<i32>} : memref<128x256xf32, #tpu.memory_space<vmem>>, vector<1x16xf32>,
        %get3A_599 = vector.shape_cast %get3A_598 : vector<1x16xf32> to vector<16xf32>
        %max3A_600 = arith.maximumf %max3A_593, %get3A_599 : vector<16xf32>
        %add3A_601 = arith.constant 14 : i32
        %add3A_602 = arith.addi %mul3A_40, %add3A_601 : i32
        %get3A_603 = arith.index_cast %add3A_602 : i32 to index
        %get3A_604 = arith.constant 64 : index
        %get3A_605 = tpu.vector_load %arg9[%get3A_603, %get3A_604] {strides = array<i32>} : memref<128x256xf32, #tpu.memory_space<vmem>>, vector<1x16xf32>,
        %get3A_606 = vector.shape_cast %get3A_605 : vector<1x16xf32> to vector<16xf32>
        %max3A_607 = arith.maximumf %max3A_600, %get3A_606 : vector<16xf32>
        %add3A_608 = arith.constant 15 : i32
        %add3A_609 = arith.addi %mul3A_40, %add3A_608 : i32
        %get3A_610 = arith.index_cast %add3A_609 : i32 to index
        %get3A_611 = arith.constant 64 : index
        %get3A_612 = tpu.vector_load %arg9[%get3A_610, %get3A_611] {strides = array<i32>} : memref<128x256xf32, #tpu.memory_space<vmem>>, vector<1x16xf32>,
        %get3A_613 = vector.shape_cast %get3A_612 : vector<1x16xf32> to vector<16xf32>
        %max3A_614 = arith.maximumf %max3A_607, %get3A_613 : vector<16xf32>
        %mul3A_615 = arith.constant 8 : i32
        %mul3A_616 = arith.muli %scan3A_15, %mul3A_615 : i32
        %add3A_617 = arith.addi %mul3A_616, %scan3A_37 : i32
        %swap3A_618 = arith.index_cast %add3A_617 : i32 to index
        %swap3A_619 = arith.constant 64 : index
        %swap3A_620 = tpu.vector_load %arg10[%swap3A_618, %swap3A_619] {strides = array<i32>} : memref<128x256xf32, #tpu.memory_space<vmem>>, vector<1x16xf32>,
        %swap3A_621 = vector.shape_cast %swap3A_620 : vector<1x16xf32> to vector<16xf32>
        %swap3A_622 = vector.shape_cast %max3A_614 : vector<16xf32> to vector<1x16xf32>
        tpu.vector_store %arg10[%swap3A_618, %swap3A_619], %swap3A_622 {strides = array<i32>} : memref<128x256xf32, #tpu.memory_space<vmem>>, vector<1x16xf32>,
        %get3A_623 = arith.index_cast %mul3A_40 : i32 to index
        %get3A_624 = arith.constant 80 : index
        %get3A_625 = tpu.vector_load %arg9[%get3A_623, %get3A_624] {strides = array<i32>} : memref<128x256xf32, #tpu.memory_space<vmem>>, vector<1x16xf32>,
        %get3A_626 = vector.shape_cast %get3A_625 : vector<1x16xf32> to vector<16xf32>
        %add3A_627 = arith.constant 1 : i32
        %add3A_628 = arith.addi %mul3A_40, %add3A_627 : i32
        %get3A_629 = arith.index_cast %add3A_628 : i32 to index
        %get3A_630 = arith.constant 80 : index
        %get3A_631 = tpu.vector_load %arg9[%get3A_629, %get3A_630] {strides = array<i32>} : memref<128x256xf32, #tpu.memory_space<vmem>>, vector<1x16xf32>,
        %get3A_632 = vector.shape_cast %get3A_631 : vector<1x16xf32> to vector<16xf32>
        %max3A_633 = arith.maximumf %get3A_626, %get3A_632 : vector<16xf32>
        %add3A_634 = arith.constant 2 : i32
        %add3A_635 = arith.addi %mul3A_40, %add3A_634 : i32
        %get3A_636 = arith.index_cast %add3A_635 : i32 to index
        %get3A_637 = arith.constant 80 : index
        %get3A_638 = tpu.vector_load %arg9[%get3A_636, %get3A_637] {strides = array<i32>} : memref<128x256xf32, #tpu.memory_space<vmem>>, vector<1x16xf32>,
        %get3A_639 = vector.shape_cast %get3A_638 : vector<1x16xf32> to vector<16xf32>
        %max3A_640 = arith.maximumf %max3A_633, %get3A_639 : vector<16xf32>
        %add3A_641 = arith.constant 3 : i32
        %add3A_642 = arith.addi %mul3A_40, %add3A_641 : i32
        %get3A_643 = arith.index_cast %add3A_642 : i32 to index
        %get3A_644 = arith.constant 80 : index
        %get3A_645 = tpu.vector_load %arg9[%get3A_643, %get3A_644] {strides = array<i32>} : memref<128x256xf32, #tpu.memory_space<vmem>>, vector<1x16xf32>,
        %get3A_646 = vector.shape_cast %get3A_645 : vector<1x16xf32> to vector<16xf32>
        %max3A_647 = arith.maximumf %max3A_640, %get3A_646 : vector<16xf32>
        %add3A_648 = arith.constant 4 : i32
        %add3A_649 = arith.addi %mul3A_40, %add3A_648 : i32
        %get3A_650 = arith.index_cast %add3A_649 : i32 to index
        %get3A_651 = arith.constant 80 : index
        %get3A_652 = tpu.vector_load %arg9[%get3A_650, %get3A_651] {strides = array<i32>} : memref<128x256xf32, #tpu.memory_space<vmem>>, vector<1x16xf32>,
        %get3A_653 = vector.shape_cast %get3A_652 : vector<1x16xf32> to vector<16xf32>
        %max3A_654 = arith.maximumf %max3A_647, %get3A_653 : vector<16xf32>
        %add3A_655 = arith.constant 5 : i32
        %add3A_656 = arith.addi %mul3A_40, %add3A_655 : i32
        %get3A_657 = arith.index_cast %add3A_656 : i32 to index
        %get3A_658 = arith.constant 80 : index
        %get3A_659 = tpu.vector_load %arg9[%get3A_657, %get3A_658] {strides = array<i32>} : memref<128x256xf32, #tpu.memory_space<vmem>>, vector<1x16xf32>,
        %get3A_660 = vector.shape_cast %get3A_659 : vector<1x16xf32> to vector<16xf32>
        %max3A_661 = arith.maximumf %max3A_654, %get3A_660 : vector<16xf32>
        %add3A_662 = arith.constant 6 : i32
        %add3A_663 = arith.addi %mul3A_40, %add3A_662 : i32
        %get3A_664 = arith.index_cast %add3A_663 : i32 to index
        %get3A_665 = arith.constant 80 : index
        %get3A_666 = tpu.vector_load %arg9[%get3A_664, %get3A_665] {strides = array<i32>} : memref<128x256xf32, #tpu.memory_space<vmem>>, vector<1x16xf32>,
        %get3A_667 = vector.shape_cast %get3A_666 : vector<1x16xf32> to vector<16xf32>
        %max3A_668 = arith.maximumf %max3A_661, %get3A_667 : vector<16xf32>
        %add3A_669 = arith.constant 7 : i32
        %add3A_670 = arith.addi %mul3A_40, %add3A_669 : i32
        %get3A_671 = arith.index_cast %add3A_670 : i32 to index
        %get3A_672 = arith.constant 80 : index
        %get3A_673 = tpu.vector_load %arg9[%get3A_671, %get3A_672] {strides = array<i32>} : memref<128x256xf32, #tpu.memory_space<vmem>>, vector<1x16xf32>,
        %get3A_674 = vector.shape_cast %get3A_673 : vector<1x16xf32> to vector<16xf32>
        %max3A_675 = arith.maximumf %max3A_668, %get3A_674 : vector<16xf32>
        %add3A_676 = arith.constant 8 : i32
        %add3A_677 = arith.addi %mul3A_40, %add3A_676 : i32
        %get3A_678 = arith.index_cast %add3A_677 : i32 to index
        %get3A_679 = arith.constant 80 : index
        %get3A_680 = tpu.vector_load %arg9[%get3A_678, %get3A_679] {strides = array<i32>} : memref<128x256xf32, #tpu.memory_space<vmem>>, vector<1x16xf32>,
        %get3A_681 = vector.shape_cast %get3A_680 : vector<1x16xf32> to vector<16xf32>
        %max3A_682 = arith.maximumf %max3A_675, %get3A_681 : vector<16xf32>
        %add3A_683 = arith.constant 9 : i32
        %add3A_684 = arith.addi %mul3A_40, %add3A_683 : i32
        %get3A_685 = arith.index_cast %add3A_684 : i32 to index
        %get3A_686 = arith.constant 80 : index
        %get3A_687 = tpu.vector_load %arg9[%get3A_685, %get3A_686] {strides = array<i32>} : memref<128x256xf32, #tpu.memory_space<vmem>>, vector<1x16xf32>,
        %get3A_688 = vector.shape_cast %get3A_687 : vector<1x16xf32> to vector<16xf32>
        %max3A_689 = arith.maximumf %max3A_682, %get3A_688 : vector<16xf32>
        %add3A_690 = arith.constant 10 : i32
        %add3A_691 = arith.addi %mul3A_40, %add3A_690 : i32
        %get3A_692 = arith.index_cast %add3A_691 : i32 to index
        %get3A_693 = arith.constant 80 : index
        %get3A_694 = tpu.vector_load %arg9[%get3A_692, %get3A_693] {strides = array<i32>} : memref<128x256xf32, #tpu.memory_space<vmem>>, vector<1x16xf32>,
        %get3A_695 = vector.shape_cast %get3A_694 : vector<1x16xf32> to vector<16xf32>
        %max3A_696 = arith.maximumf %max3A_689, %get3A_695 : vector<16xf32>
        %add3A_697 = arith.constant 11 : i32
        %add3A_698 = arith.addi %mul3A_40, %add3A_697 : i32
        %get3A_699 = arith.index_cast %add3A_698 : i32 to index
        %get3A_700 = arith.constant 80 : index
        %get3A_701 = tpu.vector_load %arg9[%get3A_699, %get3A_700] {strides = array<i32>} : memref<128x256xf32, #tpu.memory_space<vmem>>, vector<1x16xf32>,
        %get3A_702 = vector.shape_cast %get3A_701 : vector<1x16xf32> to vector<16xf32>
        %max3A_703 = arith.maximumf %max3A_696, %get3A_702 : vector<16xf32>
        %add3A_704 = arith.constant 12 : i32
        %add3A_705 = arith.addi %mul3A_40, %add3A_704 : i32
        %get3A_706 = arith.index_cast %add3A_705 : i32 to index
        %get3A_707 = arith.constant 80 : index
        %get3A_708 = tpu.vector_load %arg9[%get3A_706, %get3A_707] {strides = array<i32>} : memref<128x256xf32, #tpu.memory_space<vmem>>, vector<1x16xf32>,
        %get3A_709 = vector.shape_cast %get3A_708 : vector<1x16xf32> to vector<16xf32>
        %max3A_710 = arith.maximumf %max3A_703, %get3A_709 : vector<16xf32>
        %add3A_711 = arith.constant 13 : i32
        %add3A_712 = arith.addi %mul3A_40, %add3A_711 : i32
        %get3A_713 = arith.index_cast %add3A_712 : i32 to index
        %get3A_714 = arith.constant 80 : index
        %get3A_715 = tpu.vector_load %arg9[%get3A_713, %get3A_714] {strides = array<i32>} : memref<128x256xf32, #tpu.memory_space<vmem>>, vector<1x16xf32>,
        %get3A_716 = vector.shape_cast %get3A_715 : vector<1x16xf32> to vector<16xf32>
        %max3A_717 = arith.maximumf %max3A_710, %get3A_716 : vector<16xf32>
        %add3A_718 = arith.constant 14 : i32
        %add3A_719 = arith.addi %mul3A_40, %add3A_718 : i32
        %get3A_720 = arith.index_cast %add3A_719 : i32 to index
        %get3A_721 = arith.constant 80 : index
        %get3A_722 = tpu.vector_load %arg9[%get3A_720, %get3A_721] {strides = array<i32>} : memref<128x256xf32, #tpu.memory_space<vmem>>, vector<1x16xf32>,
        %get3A_723 = vector.shape_cast %get3A_722 : vector<1x16xf32> to vector<16xf32>
        %max3A_724 = arith.maximumf %max3A_717, %get3A_723 : vector<16xf32>
        %add3A_725 = arith.constant 15 : i32
        %add3A_726 = arith.addi %mul3A_40, %add3A_725 : i32
        %get3A_727 = arith.index_cast %add3A_726 : i32 to index
        %get3A_728 = arith.constant 80 : index
        %get3A_729 = tpu.vector_load %arg9[%get3A_727, %get3A_728] {strides = array<i32>} : memref<128x256xf32, #tpu.memory_space<vmem>>, vector<1x16xf32>,
        %get3A_730 = vector.shape_cast %get3A_729 : vector<1x16xf32> to vector<16xf32>
        %max3A_731 = arith.maximumf %max3A_724, %get3A_730 : vector<16xf32>
        %mul3A_732 = arith.constant 8 : i32
        %mul3A_733 = arith.muli %scan3A_15, %mul3A_732 : i32
        %add3A_734 = arith.addi %mul3A_733, %scan3A_37 : i32
        %swap3A_735 = arith.index_cast %add3A_734 : i32 to index
        %swap3A_736 = arith.constant 80 : index
        %swap3A_737 = tpu.vector_load %arg10[%swap3A_735, %swap3A_736] {strides = array<i32>} : memref<128x256xf32, #tpu.memory_space<vmem>>, vector<1x16xf32>,
        %swap3A_738 = vector.shape_cast %swap3A_737 : vector<1x16xf32> to vector<16xf32>
        %swap3A_739 = vector.shape_cast %max3A_731 : vector<16xf32> to vector<1x16xf32>
        tpu.vector_store %arg10[%swap3A_735, %swap3A_736], %swap3A_739 {strides = array<i32>} : memref<128x256xf32, #tpu.memory_space<vmem>>, vector<1x16xf32>,
        %get3A_740 = arith.index_cast %mul3A_40 : i32 to index
        %get3A_741 = arith.constant 96 : index
        %get3A_742 = tpu.vector_load %arg9[%get3A_740, %get3A_741] {strides = array<i32>} : memref<128x256xf32, #tpu.memory_space<vmem>>, vector<1x16xf32>,
        %get3A_743 = vector.shape_cast %get3A_742 : vector<1x16xf32> to vector<16xf32>
        %add3A_744 = arith.constant 1 : i32
        %add3A_745 = arith.addi %mul3A_40, %add3A_744 : i32
        %get3A_746 = arith.index_cast %add3A_745 : i32 to index
        %get3A_747 = arith.constant 96 : index
        %get3A_748 = tpu.vector_load %arg9[%get3A_746, %get3A_747] {strides = array<i32>} : memref<128x256xf32, #tpu.memory_space<vmem>>, vector<1x16xf32>,
        %get3A_749 = vector.shape_cast %get3A_748 : vector<1x16xf32> to vector<16xf32>
        %max3A_750 = arith.maximumf %get3A_743, %get3A_749 : vector<16xf32>
        %add3A_751 = arith.constant 2 : i32
        %add3A_752 = arith.addi %mul3A_40, %add3A_751 : i32
        %get3A_753 = arith.index_cast %add3A_752 : i32 to index
        %get3A_754 = arith.constant 96 : index
        %get3A_755 = tpu.vector_load %arg9[%get3A_753, %get3A_754] {strides = array<i32>} : memref<128x256xf32, #tpu.memory_space<vmem>>, vector<1x16xf32>,
        %get3A_756 = vector.shape_cast %get3A_755 : vector<1x16xf32> to vector<16xf32>
        %max3A_757 = arith.maximumf %max3A_750, %get3A_756 : vector<16xf32>
        %add3A_758 = arith.constant 3 : i32
        %add3A_759 = arith.addi %mul3A_40, %add3A_758 : i32
        %get3A_760 = arith.index_cast %add3A_759 : i32 to index
        %get3A_761 = arith.constant 96 : index
        %get3A_762 = tpu.vector_load %arg9[%get3A_760, %get3A_761] {strides = array<i32>} : memref<128x256xf32, #tpu.memory_space<vmem>>, vector<1x16xf32>,
        %get3A_763 = vector.shape_cast %get3A_762 : vector<1x16xf32> to vector<16xf32>
        %max3A_764 = arith.maximumf %max3A_757, %get3A_763 : vector<16xf32>
        %add3A_765 = arith.constant 4 : i32
        %add3A_766 = arith.addi %mul3A_40, %add3A_765 : i32
        %get3A_767 = arith.index_cast %add3A_766 : i32 to index
        %get3A_768 = arith.constant 96 : index
        %get3A_769 = tpu.vector_load %arg9[%get3A_767, %get3A_768] {strides = array<i32>} : memref<128x256xf32, #tpu.memory_space<vmem>>, vector<1x16xf32>,
        %get3A_770 = vector.shape_cast %get3A_769 : vector<1x16xf32> to vector<16xf32>
        %max3A_771 = arith.maximumf %max3A_764, %get3A_770 : vector<16xf32>
        %add3A_772 = arith.constant 5 : i32
        %add3A_773 = arith.addi %mul3A_40, %add3A_772 : i32
        %get3A_774 = arith.index_cast %add3A_773 : i32 to index
        %get3A_775 = arith.constant 96 : index
        %get3A_776 = tpu.vector_load %arg9[%get3A_774, %get3A_775] {strides = array<i32>} : memref<128x256xf32, #tpu.memory_space<vmem>>, vector<1x16xf32>,
        %get3A_777 = vector.shape_cast %get3A_776 : vector<1x16xf32> to vector<16xf32>
        %max3A_778 = arith.maximumf %max3A_771, %get3A_777 : vector<16xf32>
        %add3A_779 = arith.constant 6 : i32
        %add3A_780 = arith.addi %mul3A_40, %add3A_779 : i32
        %get3A_781 = arith.index_cast %add3A_780 : i32 to index
        %get3A_782 = arith.constant 96 : index
        %get3A_783 = tpu.vector_load %arg9[%get3A_781, %get3A_782] {strides = array<i32>} : memref<128x256xf32, #tpu.memory_space<vmem>>, vector<1x16xf32>,
        %get3A_784 = vector.shape_cast %get3A_783 : vector<1x16xf32> to vector<16xf32>
        %max3A_785 = arith.maximumf %max3A_778, %get3A_784 : vector<16xf32>
        %add3A_786 = arith.constant 7 : i32
        %add3A_787 = arith.addi %mul3A_40, %add3A_786 : i32
        %get3A_788 = arith.index_cast %add3A_787 : i32 to index
        %get3A_789 = arith.constant 96 : index
        %get3A_790 = tpu.vector_load %arg9[%get3A_788, %get3A_789] {strides = array<i32>} : memref<128x256xf32, #tpu.memory_space<vmem>>, vector<1x16xf32>,
        %get3A_791 = vector.shape_cast %get3A_790 : vector<1x16xf32> to vector<16xf32>
        %max3A_792 = arith.maximumf %max3A_785, %get3A_791 : vector<16xf32>
        %add3A_793 = arith.constant 8 : i32
        %add3A_794 = arith.addi %mul3A_40, %add3A_793 : i32
        %get3A_795 = arith.index_cast %add3A_794 : i32 to index
        %get3A_796 = arith.constant 96 : index
        %get3A_797 = tpu.vector_load %arg9[%get3A_795, %get3A_796] {strides = array<i32>} : memref<128x256xf32, #tpu.memory_space<vmem>>, vector<1x16xf32>,
        %get3A_798 = vector.shape_cast %get3A_797 : vector<1x16xf32> to vector<16xf32>
        %max3A_799 = arith.maximumf %max3A_792, %get3A_798 : vector<16xf32>
        %add3A_800 = arith.constant 9 : i32
        %add3A_801 = arith.addi %mul3A_40, %add3A_800 : i32
        %get3A_802 = arith.index_cast %add3A_801 : i32 to index
        %get3A_803 = arith.constant 96 : index
        %get3A_804 = tpu.vector_load %arg9[%get3A_802, %get3A_803] {strides = array<i32>} : memref<128x256xf32, #tpu.memory_space<vmem>>, vector<1x16xf32>,
        %get3A_805 = vector.shape_cast %get3A_804 : vector<1x16xf32> to vector<16xf32>
        %max3A_806 = arith.maximumf %max3A_799, %get3A_805 : vector<16xf32>
        %add3A_807 = arith.constant 10 : i32
        %add3A_808 = arith.addi %mul3A_40, %add3A_807 : i32
        %get3A_809 = arith.index_cast %add3A_808 : i32 to index
        %get3A_810 = arith.constant 96 : index
        %get3A_811 = tpu.vector_load %arg9[%get3A_809, %get3A_810] {strides = array<i32>} : memref<128x256xf32, #tpu.memory_space<vmem>>, vector<1x16xf32>,
        %get3A_812 = vector.shape_cast %get3A_811 : vector<1x16xf32> to vector<16xf32>
        %max3A_813 = arith.maximumf %max3A_806, %get3A_812 : vector<16xf32>
        %add3A_814 = arith.constant 11 : i32
        %add3A_815 = arith.addi %mul3A_40, %add3A_814 : i32
        %get3A_816 = arith.index_cast %add3A_815 : i32 to index
        %get3A_817 = arith.constant 96 : index
        %get3A_818 = tpu.vector_load %arg9[%get3A_816, %get3A_817] {strides = array<i32>} : memref<128x256xf32, #tpu.memory_space<vmem>>, vector<1x16xf32>,
        %get3A_819 = vector.shape_cast %get3A_818 : vector<1x16xf32> to vector<16xf32>
        %max3A_820 = arith.maximumf %max3A_813, %get3A_819 : vector<16xf32>
        %add3A_821 = arith.constant 12 : i32
        %add3A_822 = arith.addi %mul3A_40, %add3A_821 : i32
        %get3A_823 = arith.index_cast %add3A_822 : i32 to index
        %get3A_824 = arith.constant 96 : index
        %get3A_825 = tpu.vector_load %arg9[%get3A_823, %get3A_824] {strides = array<i32>} : memref<128x256xf32, #tpu.memory_space<vmem>>, vector<1x16xf32>,
        %get3A_826 = vector.shape_cast %get3A_825 : vector<1x16xf32> to vector<16xf32>
        %max3A_827 = arith.maximumf %max3A_820, %get3A_826 : vector<16xf32>
        %add3A_828 = arith.constant 13 : i32
        %add3A_829 = arith.addi %mul3A_40, %add3A_828 : i32
        %get3A_830 = arith.index_cast %add3A_829 : i32 to index
        %get3A_831 = arith.constant 96 : index
        %get3A_832 = tpu.vector_load %arg9[%get3A_830, %get3A_831] {strides = array<i32>} : memref<128x256xf32, #tpu.memory_space<vmem>>, vector<1x16xf32>,
        %get3A_833 = vector.shape_cast %get3A_832 : vector<1x16xf32> to vector<16xf32>
        %max3A_834 = arith.maximumf %max3A_827, %get3A_833 : vector<16xf32>
        %add3A_835 = arith.constant 14 : i32
        %add3A_836 = arith.addi %mul3A_40, %add3A_835 : i32
        %get3A_837 = arith.index_cast %add3A_836 : i32 to index
        %get3A_838 = arith.constant 96 : index
        %get3A_839 = tpu.vector_load %arg9[%get3A_837, %get3A_838] {strides = array<i32>} : memref<128x256xf32, #tpu.memory_space<vmem>>, vector<1x16xf32>,
        %get3A_840 = vector.shape_cast %get3A_839 : vector<1x16xf32> to vector<16xf32>
        %max3A_841 = arith.maximumf %max3A_834, %get3A_840 : vector<16xf32>
        %add3A_842 = arith.constant 15 : i32
        %add3A_843 = arith.addi %mul3A_40, %add3A_842 : i32
        %get3A_844 = arith.index_cast %add3A_843 : i32 to index
        %get3A_845 = arith.constant 96 : index
        %get3A_846 = tpu.vector_load %arg9[%get3A_844, %get3A_845] {strides = array<i32>} : memref<128x256xf32, #tpu.memory_space<vmem>>, vector<1x16xf32>,
        %get3A_847 = vector.shape_cast %get3A_846 : vector<1x16xf32> to vector<16xf32>
        %max3A_848 = arith.maximumf %max3A_841, %get3A_847 : vector<16xf32>
        %mul3A_849 = arith.constant 8 : i32
        %mul3A_850 = arith.muli %scan3A_15, %mul3A_849 : i32
        %add3A_851 = arith.addi %mul3A_850, %scan3A_37 : i32
        %swap3A_852 = arith.index_cast %add3A_851 : i32 to index
        %swap3A_853 = arith.constant 96 : index
        %swap3A_854 = tpu.vector_load %arg10[%swap3A_852, %swap3A_853] {strides = array<i32>} : memref<128x256xf32, #tpu.memory_space<vmem>>, vector<1x16xf32>,
        %swap3A_855 = vector.shape_cast %swap3A_854 : vector<1x16xf32> to vector<16xf32>
        %swap3A_856 = vector.shape_cast %max3A_848 : vector<16xf32> to vector<1x16xf32>
        tpu.vector_store %arg10[%swap3A_852, %swap3A_853], %swap3A_856 {strides = array<i32>} : memref<128x256xf32, #tpu.memory_space<vmem>>, vector<1x16xf32>,
        %get3A_857 = arith.index_cast %mul3A_40 : i32 to index
        %get3A_858 = arith.constant 112 : index
        %get3A_859 = tpu.vector_load %arg9[%get3A_857, %get3A_858] {strides = array<i32>} : memref<128x256xf32, #tpu.memory_space<vmem>>, vector<1x16xf32>,
        %get3A_860 = vector.shape_cast %get3A_859 : vector<1x16xf32> to vector<16xf32>
        %add3A_861 = arith.constant 1 : i32
        %add3A_862 = arith.addi %mul3A_40, %add3A_861 : i32
        %get3A_863 = arith.index_cast %add3A_862 : i32 to index
        %get3A_864 = arith.constant 112 : index
        %get3A_865 = tpu.vector_load %arg9[%get3A_863, %get3A_864] {strides = array<i32>} : memref<128x256xf32, #tpu.memory_space<vmem>>, vector<1x16xf32>,
        %get3A_866 = vector.shape_cast %get3A_865 : vector<1x16xf32> to vector<16xf32>
        %max3A_867 = arith.maximumf %get3A_860, %get3A_866 : vector<16xf32>
        %add3A_868 = arith.constant 2 : i32
        %add3A_869 = arith.addi %mul3A_40, %add3A_868 : i32
        %get3A_870 = arith.index_cast %add3A_869 : i32 to index
        %get3A_871 = arith.constant 112 : index
        %get3A_872 = tpu.vector_load %arg9[%get3A_870, %get3A_871] {strides = array<i32>} : memref<128x256xf32, #tpu.memory_space<vmem>>, vector<1x16xf32>,
        %get3A_873 = vector.shape_cast %get3A_872 : vector<1x16xf32> to vector<16xf32>
        %max3A_874 = arith.maximumf %max3A_867, %get3A_873 : vector<16xf32>
        %add3A_875 = arith.constant 3 : i32
        %add3A_876 = arith.addi %mul3A_40, %add3A_875 : i32
        %get3A_877 = arith.index_cast %add3A_876 : i32 to index
        %get3A_878 = arith.constant 112 : index
        %get3A_879 = tpu.vector_load %arg9[%get3A_877, %get3A_878] {strides = array<i32>} : memref<128x256xf32, #tpu.memory_space<vmem>>, vector<1x16xf32>,
        %get3A_880 = vector.shape_cast %get3A_879 : vector<1x16xf32> to vector<16xf32>
        %max3A_881 = arith.maximumf %max3A_874, %get3A_880 : vector<16xf32>
        %add3A_882 = arith.constant 4 : i32
        %add3A_883 = arith.addi %mul3A_40, %add3A_882 : i32
        %get3A_884 = arith.index_cast %add3A_883 : i32 to index
        %get3A_885 = arith.constant 112 : index
        %get3A_886 = tpu.vector_load %arg9[%get3A_884, %get3A_885] {strides = array<i32>} : memref<128x256xf32, #tpu.memory_space<vmem>>, vector<1x16xf32>,
        %get3A_887 = vector.shape_cast %get3A_886 : vector<1x16xf32> to vector<16xf32>
        %max3A_888 = arith.maximumf %max3A_881, %get3A_887 : vector<16xf32>
        %add3A_889 = arith.constant 5 : i32
        %add3A_890 = arith.addi %mul3A_40, %add3A_889 : i32
        %get3A_891 = arith.index_cast %add3A_890 : i32 to index
        %get3A_892 = arith.constant 112 : index
        %get3A_893 = tpu.vector_load %arg9[%get3A_891, %get3A_892] {strides = array<i32>} : memref<128x256xf32, #tpu.memory_space<vmem>>, vector<1x16xf32>,
        %get3A_894 = vector.shape_cast %get3A_893 : vector<1x16xf32> to vector<16xf32>
        %max3A_895 = arith.maximumf %max3A_888, %get3A_894 : vector<16xf32>
        %add3A_896 = arith.constant 6 : i32
        %add3A_897 = arith.addi %mul3A_40, %add3A_896 : i32
        %get3A_898 = arith.index_cast %add3A_897 : i32 to index
        %get3A_899 = arith.constant 112 : index
        %get3A_900 = tpu.vector_load %arg9[%get3A_898, %get3A_899] {strides = array<i32>} : memref<128x256xf32, #tpu.memory_space<vmem>>, vector<1x16xf32>,
        %get3A_901 = vector.shape_cast %get3A_900 : vector<1x16xf32> to vector<16xf32>
        %max3A_902 = arith.maximumf %max3A_895, %get3A_901 : vector<16xf32>
        %add3A_903 = arith.constant 7 : i32
        %add3A_904 = arith.addi %mul3A_40, %add3A_903 : i32
        %get3A_905 = arith.index_cast %add3A_904 : i32 to index
        %get3A_906 = arith.constant 112 : index
        %get3A_907 = tpu.vector_load %arg9[%get3A_905, %get3A_906] {strides = array<i32>} : memref<128x256xf32, #tpu.memory_space<vmem>>, vector<1x16xf32>,
        %get3A_908 = vector.shape_cast %get3A_907 : vector<1x16xf32> to vector<16xf32>
        %max3A_909 = arith.maximumf %max3A_902, %get3A_908 : vector<16xf32>
        %add3A_910 = arith.constant 8 : i32
        %add3A_911 = arith.addi %mul3A_40, %add3A_910 : i32
        %get3A_912 = arith.index_cast %add3A_911 : i32 to index
        %get3A_913 = arith.constant 112 : index
        %get3A_914 = tpu.vector_load %arg9[%get3A_912, %get3A_913] {strides = array<i32>} : memref<128x256xf32, #tpu.memory_space<vmem>>, vector<1x16xf32>,
        %get3A_915 = vector.shape_cast %get3A_914 : vector<1x16xf32> to vector<16xf32>
        %max3A_916 = arith.maximumf %max3A_909, %get3A_915 : vector<16xf32>
        %add3A_917 = arith.constant 9 : i32
        %add3A_918 = arith.addi %mul3A_40, %add3A_917 : i32
        %get3A_919 = arith.index_cast %add3A_918 : i32 to index
        %get3A_920 = arith.constant 112 : index
        %get3A_921 = tpu.vector_load %arg9[%get3A_919, %get3A_920] {strides = array<i32>} : memref<128x256xf32, #tpu.memory_space<vmem>>, vector<1x16xf32>,
        %get3A_922 = vector.shape_cast %get3A_921 : vector<1x16xf32> to vector<16xf32>
        %max3A_923 = arith.maximumf %max3A_916, %get3A_922 : vector<16xf32>
        %add3A_924 = arith.constant 10 : i32
        %add3A_925 = arith.addi %mul3A_40, %add3A_924 : i32
        %get3A_926 = arith.index_cast %add3A_925 : i32 to index
        %get3A_927 = arith.constant 112 : index
        %get3A_928 = tpu.vector_load %arg9[%get3A_926, %get3A_927] {strides = array<i32>} : memref<128x256xf32, #tpu.memory_space<vmem>>, vector<1x16xf32>,
        %get3A_929 = vector.shape_cast %get3A_928 : vector<1x16xf32> to vector<16xf32>
        %max3A_930 = arith.maximumf %max3A_923, %get3A_929 : vector<16xf32>
        %add3A_931 = arith.constant 11 : i32
        %add3A_932 = arith.addi %mul3A_40, %add3A_931 : i32
        %get3A_933 = arith.index_cast %add3A_932 : i32 to index
        %get3A_934 = arith.constant 112 : index
        %get3A_935 = tpu.vector_load %arg9[%get3A_933, %get3A_934] {strides = array<i32>} : memref<128x256xf32, #tpu.memory_space<vmem>>, vector<1x16xf32>,
        %get3A_936 = vector.shape_cast %get3A_935 : vector<1x16xf32> to vector<16xf32>
        %max3A_937 = arith.maximumf %max3A_930, %get3A_936 : vector<16xf32>
        %add3A_938 = arith.constant 12 : i32
        %add3A_939 = arith.addi %mul3A_40, %add3A_938 : i32
        %get3A_940 = arith.index_cast %add3A_939 : i32 to index
        %get3A_941 = arith.constant 112 : index
        %get3A_942 = tpu.vector_load %arg9[%get3A_940, %get3A_941] {strides = array<i32>} : memref<128x256xf32, #tpu.memory_space<vmem>>, vector<1x16xf32>,
        %get3A_943 = vector.shape_cast %get3A_942 : vector<1x16xf32> to vector<16xf32>
        %max3A_944 = arith.maximumf %max3A_937, %get3A_943 : vector<16xf32>
        %add3A_945 = arith.constant 13 : i32
        %add3A_946 = arith.addi %mul3A_40, %add3A_945 : i32
        %get3A_947 = arith.index_cast %add3A_946 : i32 to index
        %get3A_948 = arith.constant 112 : index
        %get3A_949 = tpu.vector_load %arg9[%get3A_947, %get3A_948] {strides = array<i32>} : memref<128x256xf32, #tpu.memory_space<vmem>>, vector<1x16xf32>,
        %get3A_950 = vector.shape_cast %get3A_949 : vector<1x16xf32> to vector<16xf32>
        %max3A_951 = arith.maximumf %max3A_944, %get3A_950 : vector<16xf32>
        %add3A_952 = arith.constant 14 : i32
        %add3A_953 = arith.addi %mul3A_40, %add3A_952 : i32
        %get3A_954 = arith.index_cast %add3A_953 : i32 to index
        %get3A_955 = arith.constant 112 : index
        %get3A_956 = tpu.vector_load %arg9[%get3A_954, %get3A_955] {strides = array<i32>} : memref<128x256xf32, #tpu.memory_space<vmem>>, vector<1x16xf32>,
        %get3A_957 = vector.shape_cast %get3A_956 : vector<1x16xf32> to vector<16xf32>
        %max3A_958 = arith.maximumf %max3A_951, %get3A_957 : vector<16xf32>
        %add3A_959 = arith.constant 15 : i32
        %add3A_960 = arith.addi %mul3A_40, %add3A_959 : i32
        %get3A_961 = arith.index_cast %add3A_960 : i32 to index
        %get3A_962 = arith.constant 112 : index
        %get3A_963 = tpu.vector_load %arg9[%get3A_961, %get3A_962] {strides = array<i32>} : memref<128x256xf32, #tpu.memory_space<vmem>>, vector<1x16xf32>,
        %get3A_964 = vector.shape_cast %get3A_963 : vector<1x16xf32> to vector<16xf32>
        %max3A_965 = arith.maximumf %max3A_958, %get3A_964 : vector<16xf32>
        %mul3A_966 = arith.constant 8 : i32
        %mul3A_967 = arith.muli %scan3A_15, %mul3A_966 : i32
        %add3A_968 = arith.addi %mul3A_967, %scan3A_37 : i32
        %swap3A_969 = arith.index_cast %add3A_968 : i32 to index
        %swap3A_970 = arith.constant 112 : index
        %swap3A_971 = tpu.vector_load %arg10[%swap3A_969, %swap3A_970] {strides = array<i32>} : memref<128x256xf32, #tpu.memory_space<vmem>>, vector<1x16xf32>,
        %swap3A_972 = vector.shape_cast %swap3A_971 : vector<1x16xf32> to vector<16xf32>
        %swap3A_973 = vector.shape_cast %max3A_965 : vector<16xf32> to vector<1x16xf32>
        tpu.vector_store %arg10[%swap3A_969, %swap3A_970], %swap3A_973 {strides = array<i32>} : memref<128x256xf32, #tpu.memory_space<vmem>>, vector<1x16xf32>,
        %get3A_974 = arith.index_cast %mul3A_40 : i32 to index
        %get3A_975 = arith.constant 128 : index
        %get3A_976 = tpu.vector_load %arg9[%get3A_974, %get3A_975] {strides = array<i32>} : memref<128x256xf32, #tpu.memory_space<vmem>>, vector<1x16xf32>,
        %get3A_977 = vector.shape_cast %get3A_976 : vector<1x16xf32> to vector<16xf32>
        %add3A_978 = arith.constant 1 : i32
        %add3A_979 = arith.addi %mul3A_40, %add3A_978 : i32
        %get3A_980 = arith.index_cast %add3A_979 : i32 to index
        %get3A_981 = arith.constant 128 : index
        %get3A_982 = tpu.vector_load %arg9[%get3A_980, %get3A_981] {strides = array<i32>} : memref<128x256xf32, #tpu.memory_space<vmem>>, vector<1x16xf32>,
        %get3A_983 = vector.shape_cast %get3A_982 : vector<1x16xf32> to vector<16xf32>
        %max3A_984 = arith.maximumf %get3A_977, %get3A_983 : vector<16xf32>
        %add3A_985 = arith.constant 2 : i32
        %add3A_986 = arith.addi %mul3A_40, %add3A_985 : i32
        %get3A_987 = arith.index_cast %add3A_986 : i32 to index
        %get3A_988 = arith.constant 128 : index
        %get3A_989 = tpu.vector_load %arg9[%get3A_987, %get3A_988] {strides = array<i32>} : memref<128x256xf32, #tpu.memory_space<vmem>>, vector<1x16xf32>,
        %get3A_990 = vector.shape_cast %get3A_989 : vector<1x16xf32> to vector<16xf32>
        %max3A_991 = arith.maximumf %max3A_984, %get3A_990 : vector<16xf32>
        %add3A_992 = arith.constant 3 : i32
        %add3A_993 = arith.addi %mul3A_40, %add3A_992 : i32
        %get3A_994 = arith.index_cast %add3A_993 : i32 to index
        %get3A_995 = arith.constant 128 : index
        %get3A_996 = tpu.vector_load %arg9[%get3A_994, %get3A_995] {strides = array<i32>} : memref<128x256xf32, #tpu.memory_space<vmem>>, vector<1x16xf32>,
        %get3A_997 = vector.shape_cast %get3A_996 : vector<1x16xf32> to vector<16xf32>
        %max3A_998 = arith.maximumf %max3A_991, %get3A_997 : vector<16xf32>
        %add3A_999 = arith.constant 4 : i32
        %add3A_1000 = arith.addi %mul3A_40, %add3A_999 : i32
        %get3A_1001 = arith.index_cast %add3A_1000 : i32 to index
        %get3A_1002 = arith.constant 128 : index
        %get3A_1003 = tpu.vector_load %arg9[%get3A_1001, %get3A_1002] {strides = array<i32>} : memref<128x256xf32, #tpu.memory_space<vmem>>, vector<1x16xf32>,
        %get3A_1004 = vector.shape_cast %get3A_1003 : vector<1x16xf32> to vector<16xf32>
        %max3A_1005 = arith.maximumf %max3A_998, %get3A_1004 : vector<16xf32>
        %add3A_1006 = arith.constant 5 : i32
        %add3A_1007 = arith.addi %mul3A_40, %add3A_1006 : i32
        %get3A_1008 = arith.index_cast %add3A_1007 : i32 to index
        %get3A_1009 = arith.constant 128 : index
        %get3A_1010 = tpu.vector_load %arg9[%get3A_1008, %get3A_1009] {strides = array<i32>} : memref<128x256xf32, #tpu.memory_space<vmem>>, vector<1x16xf32>,
        %get3A_1011 = vector.shape_cast %get3A_1010 : vector<1x16xf32> to vector<16xf32>
        %max3A_1012 = arith.maximumf %max3A_1005, %get3A_1011 : vector<16xf32>
        %add3A_1013 = arith.constant 6 : i32
        %add3A_1014 = arith.addi %mul3A_40, %add3A_1013 : i32
        %get3A_1015 = arith.index_cast %add3A_1014 : i32 to index
        %get3A_1016 = arith.constant 128 : index
        %get3A_1017 = tpu.vector_load %arg9[%get3A_1015, %get3A_1016] {strides = array<i32>} : memref<128x256xf32, #tpu.memory_space<vmem>>, vector<1x16xf32>,
        %get3A_1018 = vector.shape_cast %get3A_1017 : vector<1x16xf32> to vector<16xf32>
        %max3A_1019 = arith.maximumf %max3A_1012, %get3A_1018 : vector<16xf32>
        %add3A_1020 = arith.constant 7 : i32
        %add3A_1021 = arith.addi %mul3A_40, %add3A_1020 : i32
        %get3A_1022 = arith.index_cast %add3A_1021 : i32 to index
        %get3A_1023 = arith.constant 128 : index
        %get3A_1024 = tpu.vector_load %arg9[%get3A_1022, %get3A_1023] {strides = array<i32>} : memref<128x256xf32, #tpu.memory_space<vmem>>, vector<1x16xf32>,
        %get3A_1025 = vector.shape_cast %get3A_1024 : vector<1x16xf32> to vector<16xf32>
        %max3A_1026 = arith.maximumf %max3A_1019, %get3A_1025 : vector<16xf32>
        %add3A_1027 = arith.constant 8 : i32
        %add3A_1028 = arith.addi %mul3A_40, %add3A_1027 : i32
        %get3A_1029 = arith.index_cast %add3A_1028 : i32 to index
        %get3A_1030 = arith.constant 128 : index
        %get3A_1031 = tpu.vector_load %arg9[%get3A_1029, %get3A_1030] {strides = array<i32>} : memref<128x256xf32, #tpu.memory_space<vmem>>, vector<1x16xf32>,
        %get3A_1032 = vector.shape_cast %get3A_1031 : vector<1x16xf32> to vector<16xf32>
        %max3A_1033 = arith.maximumf %max3A_1026, %get3A_1032 : vector<16xf32>
        %add3A_1034 = arith.constant 9 : i32
        %add3A_1035 = arith.addi %mul3A_40, %add3A_1034 : i32
        %get3A_1036 = arith.index_cast %add3A_1035 : i32 to index
        %get3A_1037 = arith.constant 128 : index
        %get3A_1038 = tpu.vector_load %arg9[%get3A_1036, %get3A_1037] {strides = array<i32>} : memref<128x256xf32, #tpu.memory_space<vmem>>, vector<1x16xf32>,
        %get3A_1039 = vector.shape_cast %get3A_1038 : vector<1x16xf32> to vector<16xf32>
        %max3A_1040 = arith.maximumf %max3A_1033, %get3A_1039 : vector<16xf32>
        %add3A_1041 = arith.constant 10 : i32
        %add3A_1042 = arith.addi %mul3A_40, %add3A_1041 : i32
        %get3A_1043 = arith.index_cast %add3A_1042 : i32 to index
        %get3A_1044 = arith.constant 128 : index
        %get3A_1045 = tpu.vector_load %arg9[%get3A_1043, %get3A_1044] {strides = array<i32>} : memref<128x256xf32, #tpu.memory_space<vmem>>, vector<1x16xf32>,
        %get3A_1046 = vector.shape_cast %get3A_1045 : vector<1x16xf32> to vector<16xf32>
        %max3A_1047 = arith.maximumf %max3A_1040, %get3A_1046 : vector<16xf32>
        %add3A_1048 = arith.constant 11 : i32
        %add3A_1049 = arith.addi %mul3A_40, %add3A_1048 : i32
        %get3A_1050 = arith.index_cast %add3A_1049 : i32 to index
        %get3A_1051 = arith.constant 128 : index
        %get3A_1052 = tpu.vector_load %arg9[%get3A_1050, %get3A_1051] {strides = array<i32>} : memref<128x256xf32, #tpu.memory_space<vmem>>, vector<1x16xf32>,
        %get3A_1053 = vector.shape_cast %get3A_1052 : vector<1x16xf32> to vector<16xf32>
        %max3A_1054 = arith.maximumf %max3A_1047, %get3A_1053 : vector<16xf32>
        %add3A_1055 = arith.constant 12 : i32
        %add3A_1056 = arith.addi %mul3A_40, %add3A_1055 : i32
        %get3A_1057 = arith.index_cast %add3A_1056 : i32 to index
        %get3A_1058 = arith.constant 128 : index
        %get3A_1059 = tpu.vector_load %arg9[%get3A_1057, %get3A_1058] {strides = array<i32>} : memref<128x256xf32, #tpu.memory_space<vmem>>, vector<1x16xf32>,
        %get3A_1060 = vector.shape_cast %get3A_1059 : vector<1x16xf32> to vector<16xf32>
        %max3A_1061 = arith.maximumf %max3A_1054, %get3A_1060 : vector<16xf32>
        %add3A_1062 = arith.constant 13 : i32
        %add3A_1063 = arith.addi %mul3A_40, %add3A_1062 : i32
        %get3A_1064 = arith.index_cast %add3A_1063 : i32 to index
        %get3A_1065 = arith.constant 128 : index
        %get3A_1066 = tpu.vector_load %arg9[%get3A_1064, %get3A_1065] {strides = array<i32>} : memref<128x256xf32, #tpu.memory_space<vmem>>, vector<1x16xf32>,
        %get3A_1067 = vector.shape_cast %get3A_1066 : vector<1x16xf32> to vector<16xf32>
        %max3A_1068 = arith.maximumf %max3A_1061, %get3A_1067 : vector<16xf32>
        %add3A_1069 = arith.constant 14 : i32
        %add3A_1070 = arith.addi %mul3A_40, %add3A_1069 : i32
        %get3A_1071 = arith.index_cast %add3A_1070 : i32 to index
        %get3A_1072 = arith.constant 128 : index
        %get3A_1073 = tpu.vector_load %arg9[%get3A_1071, %get3A_1072] {strides = array<i32>} : memref<128x256xf32, #tpu.memory_space<vmem>>, vector<1x16xf32>,
        %get3A_1074 = vector.shape_cast %get3A_1073 : vector<1x16xf32> to vector<16xf32>
        %max3A_1075 = arith.maximumf %max3A_1068, %get3A_1074 : vector<16xf32>
        %add3A_1076 = arith.constant 15 : i32
        %add3A_1077 = arith.addi %mul3A_40, %add3A_1076 : i32
        %get3A_1078 = arith.index_cast %add3A_1077 : i32 to index
        %get3A_1079 = arith.constant 128 : index
        %get3A_1080 = tpu.vector_load %arg9[%get3A_1078, %get3A_1079] {strides = array<i32>} : memref<128x256xf32, #tpu.memory_space<vmem>>, vector<1x16xf32>,
        %get3A_1081 = vector.shape_cast %get3A_1080 : vector<1x16xf32> to vector<16xf32>
        %max3A_1082 = arith.maximumf %max3A_1075, %get3A_1081 : vector<16xf32>
        %mul3A_1083 = arith.constant 8 : i32
        %mul3A_1084 = arith.muli %scan3A_15, %mul3A_1083 : i32
        %add3A_1085 = arith.addi %mul3A_1084, %scan3A_37 : i32
        %swap3A_1086 = arith.index_cast %add3A_1085 : i32 to index
        %swap3A_1087 = arith.constant 128 : index
        %swap3A_1088 = tpu.vector_load %arg10[%swap3A_1086, %swap3A_1087] {strides = array<i32>} : memref<128x256xf32, #tpu.memory_space<vmem>>, vector<1x16xf32>,
        %swap3A_1089 = vector.shape_cast %swap3A_1088 : vector<1x16xf32> to vector<16xf32>
        %swap3A_1090 = vector.shape_cast %max3A_1082 : vector<16xf32> to vector<1x16xf32>
        tpu.vector_store %arg10[%swap3A_1086, %swap3A_1087], %swap3A_1090 {strides = array<i32>} : memref<128x256xf32, #tpu.memory_space<vmem>>, vector<1x16xf32>,
        %get3A_1091 = arith.index_cast %mul3A_40 : i32 to index
        %get3A_1092 = arith.constant 144 : index
        %get3A_1093 = tpu.vector_load %arg9[%get3A_1091, %get3A_1092] {strides = array<i32>} : memref<128x256xf32, #tpu.memory_space<vmem>>, vector<1x16xf32>,
        %get3A_1094 = vector.shape_cast %get3A_1093 : vector<1x16xf32> to vector<16xf32>
        %add3A_1095 = arith.constant 1 : i32
        %add3A_1096 = arith.addi %mul3A_40, %add3A_1095 : i32
        %get3A_1097 = arith.index_cast %add3A_1096 : i32 to index
        %get3A_1098 = arith.constant 144 : index
        %get3A_1099 = tpu.vector_load %arg9[%get3A_1097, %get3A_1098] {strides = array<i32>} : memref<128x256xf32, #tpu.memory_space<vmem>>, vector<1x16xf32>,
        %get3A_1100 = vector.shape_cast %get3A_1099 : vector<1x16xf32> to vector<16xf32>
        %max3A_1101 = arith.maximumf %get3A_1094, %get3A_1100 : vector<16xf32>
        %add3A_1102 = arith.constant 2 : i32
        %add3A_1103 = arith.addi %mul3A_40, %add3A_1102 : i32
        %get3A_1104 = arith.index_cast %add3A_1103 : i32 to index
        %get3A_1105 = arith.constant 144 : index
        %get3A_1106 = tpu.vector_load %arg9[%get3A_1104, %get3A_1105] {strides = array<i32>} : memref<128x256xf32, #tpu.memory_space<vmem>>, vector<1x16xf32>,
        %get3A_1107 = vector.shape_cast %get3A_1106 : vector<1x16xf32> to vector<16xf32>
        %max3A_1108 = arith.maximumf %max3A_1101, %get3A_1107 : vector<16xf32>
        %add3A_1109 = arith.constant 3 : i32
        %add3A_1110 = arith.addi %mul3A_40, %add3A_1109 : i32
        %get3A_1111 = arith.index_cast %add3A_1110 : i32 to index
        %get3A_1112 = arith.constant 144 : index
        %get3A_1113 = tpu.vector_load %arg9[%get3A_1111, %get3A_1112] {strides = array<i32>} : memref<128x256xf32, #tpu.memory_space<vmem>>, vector<1x16xf32>,
        %get3A_1114 = vector.shape_cast %get3A_1113 : vector<1x16xf32> to vector<16xf32>
        %max3A_1115 = arith.maximumf %max3A_1108, %get3A_1114 : vector<16xf32>
        %add3A_1116 = arith.constant 4 : i32
        %add3A_1117 = arith.addi %mul3A_40, %add3A_1116 : i32
        %get3A_1118 = arith.index_cast %add3A_1117 : i32 to index
        %get3A_1119 = arith.constant 144 : index
        %get3A_1120 = tpu.vector_load %arg9[%get3A_1118, %get3A_1119] {strides = array<i32>} : memref<128x256xf32, #tpu.memory_space<vmem>>, vector<1x16xf32>,
        %get3A_1121 = vector.shape_cast %get3A_1120 : vector<1x16xf32> to vector<16xf32>
        %max3A_1122 = arith.maximumf %max3A_1115, %get3A_1121 : vector<16xf32>
        %add3A_1123 = arith.constant 5 : i32
        %add3A_1124 = arith.addi %mul3A_40, %add3A_1123 : i32
        %get3A_1125 = arith.index_cast %add3A_1124 : i32 to index
        %get3A_1126 = arith.constant 144 : index
        %get3A_1127 = tpu.vector_load %arg9[%get3A_1125, %get3A_1126] {strides = array<i32>} : memref<128x256xf32, #tpu.memory_space<vmem>>, vector<1x16xf32>,
        %get3A_1128 = vector.shape_cast %get3A_1127 : vector<1x16xf32> to vector<16xf32>
        %max3A_1129 = arith.maximumf %max3A_1122, %get3A_1128 : vector<16xf32>
        %add3A_1130 = arith.constant 6 : i32
        %add3A_1131 = arith.addi %mul3A_40, %add3A_1130 : i32
        %get3A_1132 = arith.index_cast %add3A_1131 : i32 to index
        %get3A_1133 = arith.constant 144 : index
        %get3A_1134 = tpu.vector_load %arg9[%get3A_1132, %get3A_1133] {strides = array<i32>} : memref<128x256xf32, #tpu.memory_space<vmem>>, vector<1x16xf32>,
        %get3A_1135 = vector.shape_cast %get3A_1134 : vector<1x16xf32> to vector<16xf32>
        %max3A_1136 = arith.maximumf %max3A_1129, %get3A_1135 : vector<16xf32>
        %add3A_1137 = arith.constant 7 : i32
        %add3A_1138 = arith.addi %mul3A_40, %add3A_1137 : i32
        %get3A_1139 = arith.index_cast %add3A_1138 : i32 to index
        %get3A_1140 = arith.constant 144 : index
        %get3A_1141 = tpu.vector_load %arg9[%get3A_1139, %get3A_1140] {strides = array<i32>} : memref<128x256xf32, #tpu.memory_space<vmem>>, vector<1x16xf32>,
        %get3A_1142 = vector.shape_cast %get3A_1141 : vector<1x16xf32> to vector<16xf32>
        %max3A_1143 = arith.maximumf %max3A_1136, %get3A_1142 : vector<16xf32>
        %add3A_1144 = arith.constant 8 : i32
        %add3A_1145 = arith.addi %mul3A_40, %add3A_1144 : i32
        %get3A_1146 = arith.index_cast %add3A_1145 : i32 to index
        %get3A_1147 = arith.constant 144 : index
        %get3A_1148 = tpu.vector_load %arg9[%get3A_1146, %get3A_1147] {strides = array<i32>} : memref<128x256xf32, #tpu.memory_space<vmem>>, vector<1x16xf32>,
        %get3A_1149 = vector.shape_cast %get3A_1148 : vector<1x16xf32> to vector<16xf32>
        %max3A_1150 = arith.maximumf %max3A_1143, %get3A_1149 : vector<16xf32>
        %add3A_1151 = arith.constant 9 : i32
        %add3A_1152 = arith.addi %mul3A_40, %add3A_1151 : i32
        %get3A_1153 = arith.index_cast %add3A_1152 : i32 to index
        %get3A_1154 = arith.constant 144 : index
        %get3A_1155 = tpu.vector_load %arg9[%get3A_1153, %get3A_1154] {strides = array<i32>} : memref<128x256xf32, #tpu.memory_space<vmem>>, vector<1x16xf32>,
        %get3A_1156 = vector.shape_cast %get3A_1155 : vector<1x16xf32> to vector<16xf32>
        %max3A_1157 = arith.maximumf %max3A_1150, %get3A_1156 : vector<16xf32>
        %add3A_1158 = arith.constant 10 : i32
        %add3A_1159 = arith.addi %mul3A_40, %add3A_1158 : i32
        %get3A_1160 = arith.index_cast %add3A_1159 : i32 to index
        %get3A_1161 = arith.constant 144 : index
        %get3A_1162 = tpu.vector_load %arg9[%get3A_1160, %get3A_1161] {strides = array<i32>} : memref<128x256xf32, #tpu.memory_space<vmem>>, vector<1x16xf32>,
        %get3A_1163 = vector.shape_cast %get3A_1162 : vector<1x16xf32> to vector<16xf32>
        %max3A_1164 = arith.maximumf %max3A_1157, %get3A_1163 : vector<16xf32>
        %add3A_1165 = arith.constant 11 : i32
        %add3A_1166 = arith.addi %mul3A_40, %add3A_1165 : i32
        %get3A_1167 = arith.index_cast %add3A_1166 : i32 to index
        %get3A_1168 = arith.constant 144 : index
        %get3A_1169 = tpu.vector_load %arg9[%get3A_1167, %get3A_1168] {strides = array<i32>} : memref<128x256xf32, #tpu.memory_space<vmem>>, vector<1x16xf32>,
        %get3A_1170 = vector.shape_cast %get3A_1169 : vector<1x16xf32> to vector<16xf32>
        %max3A_1171 = arith.maximumf %max3A_1164, %get3A_1170 : vector<16xf32>
        %add3A_1172 = arith.constant 12 : i32
        %add3A_1173 = arith.addi %mul3A_40, %add3A_1172 : i32
        %get3A_1174 = arith.index_cast %add3A_1173 : i32 to index
        %get3A_1175 = arith.constant 144 : index
        %get3A_1176 = tpu.vector_load %arg9[%get3A_1174, %get3A_1175] {strides = array<i32>} : memref<128x256xf32, #tpu.memory_space<vmem>>, vector<1x16xf32>,
        %get3A_1177 = vector.shape_cast %get3A_1176 : vector<1x16xf32> to vector<16xf32>
        %max3A_1178 = arith.maximumf %max3A_1171, %get3A_1177 : vector<16xf32>
        %add3A_1179 = arith.constant 13 : i32
        %add3A_1180 = arith.addi %mul3A_40, %add3A_1179 : i32
        %get3A_1181 = arith.index_cast %add3A_1180 : i32 to index
        %get3A_1182 = arith.constant 144 : index
        %get3A_1183 = tpu.vector_load %arg9[%get3A_1181, %get3A_1182] {strides = array<i32>} : memref<128x256xf32, #tpu.memory_space<vmem>>, vector<1x16xf32>,
        %get3A_1184 = vector.shape_cast %get3A_1183 : vector<1x16xf32> to vector<16xf32>
        %max3A_1185 = arith.maximumf %max3A_1178, %get3A_1184 : vector<16xf32>
        %add3A_1186 = arith.constant 14 : i32
        %add3A_1187 = arith.addi %mul3A_40, %add3A_1186 : i32
        %get3A_1188 = arith.index_cast %add3A_1187 : i32 to index
        %get3A_1189 = arith.constant 144 : index
        %get3A_1190 = tpu.vector_load %arg9[%get3A_1188, %get3A_1189] {strides = array<i32>} : memref<128x256xf32, #tpu.memory_space<vmem>>, vector<1x16xf32>,
        %get3A_1191 = vector.shape_cast %get3A_1190 : vector<1x16xf32> to vector<16xf32>
        %max3A_1192 = arith.maximumf %max3A_1185, %get3A_1191 : vector<16xf32>
        %add3A_1193 = arith.constant 15 : i32
        %add3A_1194 = arith.addi %mul3A_40, %add3A_1193 : i32
        %get3A_1195 = arith.index_cast %add3A_1194 : i32 to index
        %get3A_1196 = arith.constant 144 : index
        %get3A_1197 = tpu.vector_load %arg9[%get3A_1195, %get3A_1196] {strides = array<i32>} : memref<128x256xf32, #tpu.memory_space<vmem>>, vector<1x16xf32>,
        %get3A_1198 = vector.shape_cast %get3A_1197 : vector<1x16xf32> to vector<16xf32>
        %max3A_1199 = arith.maximumf %max3A_1192, %get3A_1198 : vector<16xf32>
        %mul3A_1200 = arith.constant 8 : i32
        %mul3A_1201 = arith.muli %scan3A_15, %mul3A_1200 : i32
        %add3A_1202 = arith.addi %mul3A_1201, %scan3A_37 : i32
        %swap3A_1203 = arith.index_cast %add3A_1202 : i32 to index
        %swap3A_1204 = arith.constant 144 : index
        %swap3A_1205 = tpu.vector_load %arg10[%swap3A_1203, %swap3A_1204] {strides = array<i32>} : memref<128x256xf32, #tpu.memory_space<vmem>>, vector<1x16xf32>,
        %swap3A_1206 = vector.shape_cast %swap3A_1205 : vector<1x16xf32> to vector<16xf32>
        %swap3A_1207 = vector.shape_cast %max3A_1199 : vector<16xf32> to vector<1x16xf32>
        tpu.vector_store %arg10[%swap3A_1203, %swap3A_1204], %swap3A_1207 {strides = array<i32>} : memref<128x256xf32, #tpu.memory_space<vmem>>, vector<1x16xf32>,
        %get3A_1208 = arith.index_cast %mul3A_40 : i32 to index
        %get3A_1209 = arith.constant 160 : index
        %get3A_1210 = tpu.vector_load %arg9[%get3A_1208, %get3A_1209] {strides = array<i32>} : memref<128x256xf32, #tpu.memory_space<vmem>>, vector<1x16xf32>,
        %get3A_1211 = vector.shape_cast %get3A_1210 : vector<1x16xf32> to vector<16xf32>
        %add3A_1212 = arith.constant 1 : i32
        %add3A_1213 = arith.addi %mul3A_40, %add3A_1212 : i32
        %get3A_1214 = arith.index_cast %add3A_1213 : i32 to index
        %get3A_1215 = arith.constant 160 : index
        %get3A_1216 = tpu.vector_load %arg9[%get3A_1214, %get3A_1215] {strides = array<i32>} : memref<128x256xf32, #tpu.memory_space<vmem>>, vector<1x16xf32>,
        %get3A_1217 = vector.shape_cast %get3A_1216 : vector<1x16xf32> to vector<16xf32>
        %max3A_1218 = arith.maximumf %get3A_1211, %get3A_1217 : vector<16xf32>
        %add3A_1219 = arith.constant 2 : i32
        %add3A_1220 = arith.addi %mul3A_40, %add3A_1219 : i32
        %get3A_1221 = arith.index_cast %add3A_1220 : i32 to index
        %get3A_1222 = arith.constant 160 : index
        %get3A_1223 = tpu.vector_load %arg9[%get3A_1221, %get3A_1222] {strides = array<i32>} : memref<128x256xf32, #tpu.memory_space<vmem>>, vector<1x16xf32>,
        %get3A_1224 = vector.shape_cast %get3A_1223 : vector<1x16xf32> to vector<16xf32>
        %max3A_1225 = arith.maximumf %max3A_1218, %get3A_1224 : vector<16xf32>
        %add3A_1226 = arith.constant 3 : i32
        %add3A_1227 = arith.addi %mul3A_40, %add3A_1226 : i32
        %get3A_1228 = arith.index_cast %add3A_1227 : i32 to index
        %get3A_1229 = arith.constant 160 : index
        %get3A_1230 = tpu.vector_load %arg9[%get3A_1228, %get3A_1229] {strides = array<i32>} : memref<128x256xf32, #tpu.memory_space<vmem>>, vector<1x16xf32>,
        %get3A_1231 = vector.shape_cast %get3A_1230 : vector<1x16xf32> to vector<16xf32>
        %max3A_1232 = arith.maximumf %max3A_1225, %get3A_1231 : vector<16xf32>
        %add3A_1233 = arith.constant 4 : i32
        %add3A_1234 = arith.addi %mul3A_40, %add3A_1233 : i32
        %get3A_1235 = arith.index_cast %add3A_1234 : i32 to index
        %get3A_1236 = arith.constant 160 : index
        %get3A_1237 = tpu.vector_load %arg9[%get3A_1235, %get3A_1236] {strides = array<i32>} : memref<128x256xf32, #tpu.memory_space<vmem>>, vector<1x16xf32>,
        %get3A_1238 = vector.shape_cast %get3A_1237 : vector<1x16xf32> to vector<16xf32>
        %max3A_1239 = arith.maximumf %max3A_1232, %get3A_1238 : vector<16xf32>
        %add3A_1240 = arith.constant 5 : i32
        %add3A_1241 = arith.addi %mul3A_40, %add3A_1240 : i32
        %get3A_1242 = arith.index_cast %add3A_1241 : i32 to index
        %get3A_1243 = arith.constant 160 : index
        %get3A_1244 = tpu.vector_load %arg9[%get3A_1242, %get3A_1243] {strides = array<i32>} : memref<128x256xf32, #tpu.memory_space<vmem>>, vector<1x16xf32>,
        %get3A_1245 = vector.shape_cast %get3A_1244 : vector<1x16xf32> to vector<16xf32>
        %max3A_1246 = arith.maximumf %max3A_1239, %get3A_1245 : vector<16xf32>
        %add3A_1247 = arith.constant 6 : i32
        %add3A_1248 = arith.addi %mul3A_40, %add3A_1247 : i32
        %get3A_1249 = arith.index_cast %add3A_1248 : i32 to index
        %get3A_1250 = arith.constant 160 : index
        %get3A_1251 = tpu.vector_load %arg9[%get3A_1249, %get3A_1250] {strides = array<i32>} : memref<128x256xf32, #tpu.memory_space<vmem>>, vector<1x16xf32>,
        %get3A_1252 = vector.shape_cast %get3A_1251 : vector<1x16xf32> to vector<16xf32>
        %max3A_1253 = arith.maximumf %max3A_1246, %get3A_1252 : vector<16xf32>
        %add3A_1254 = arith.constant 7 : i32
        %add3A_1255 = arith.addi %mul3A_40, %add3A_1254 : i32
        %get3A_1256 = arith.index_cast %add3A_1255 : i32 to index
        %get3A_1257 = arith.constant 160 : index
        %get3A_1258 = tpu.vector_load %arg9[%get3A_1256, %get3A_1257] {strides = array<i32>} : memref<128x256xf32, #tpu.memory_space<vmem>>, vector<1x16xf32>,
        %get3A_1259 = vector.shape_cast %get3A_1258 : vector<1x16xf32> to vector<16xf32>
        %max3A_1260 = arith.maximumf %max3A_1253, %get3A_1259 : vector<16xf32>
        %add3A_1261 = arith.constant 8 : i32
        %add3A_1262 = arith.addi %mul3A_40, %add3A_1261 : i32
        %get3A_1263 = arith.index_cast %add3A_1262 : i32 to index
        %get3A_1264 = arith.constant 160 : index
        %get3A_1265 = tpu.vector_load %arg9[%get3A_1263, %get3A_1264] {strides = array<i32>} : memref<128x256xf32, #tpu.memory_space<vmem>>, vector<1x16xf32>,
        %get3A_1266 = vector.shape_cast %get3A_1265 : vector<1x16xf32> to vector<16xf32>
        %max3A_1267 = arith.maximumf %max3A_1260, %get3A_1266 : vector<16xf32>
        %add3A_1268 = arith.constant 9 : i32
        %add3A_1269 = arith.addi %mul3A_40, %add3A_1268 : i32
        %get3A_1270 = arith.index_cast %add3A_1269 : i32 to index
        %get3A_1271 = arith.constant 160 : index
        %get3A_1272 = tpu.vector_load %arg9[%get3A_1270, %get3A_1271] {strides = array<i32>} : memref<128x256xf32, #tpu.memory_space<vmem>>, vector<1x16xf32>,
        %get3A_1273 = vector.shape_cast %get3A_1272 : vector<1x16xf32> to vector<16xf32>
        %max3A_1274 = arith.maximumf %max3A_1267, %get3A_1273 : vector<16xf32>
        %add3A_1275 = arith.constant 10 : i32
        %add3A_1276 = arith.addi %mul3A_40, %add3A_1275 : i32
        %get3A_1277 = arith.index_cast %add3A_1276 : i32 to index
        %get3A_1278 = arith.constant 160 : index
        %get3A_1279 = tpu.vector_load %arg9[%get3A_1277, %get3A_1278] {strides = array<i32>} : memref<128x256xf32, #tpu.memory_space<vmem>>, vector<1x16xf32>,
        %get3A_1280 = vector.shape_cast %get3A_1279 : vector<1x16xf32> to vector<16xf32>
        %max3A_1281 = arith.maximumf %max3A_1274, %get3A_1280 : vector<16xf32>
        %add3A_1282 = arith.constant 11 : i32
        %add3A_1283 = arith.addi %mul3A_40, %add3A_1282 : i32
        %get3A_1284 = arith.index_cast %add3A_1283 : i32 to index
        %get3A_1285 = arith.constant 160 : index
        %get3A_1286 = tpu.vector_load %arg9[%get3A_1284, %get3A_1285] {strides = array<i32>} : memref<128x256xf32, #tpu.memory_space<vmem>>, vector<1x16xf32>,
        %get3A_1287 = vector.shape_cast %get3A_1286 : vector<1x16xf32> to vector<16xf32>
        %max3A_1288 = arith.maximumf %max3A_1281, %get3A_1287 : vector<16xf32>
        %add3A_1289 = arith.constant 12 : i32
        %add3A_1290 = arith.addi %mul3A_40, %add3A_1289 : i32
        %get3A_1291 = arith.index_cast %add3A_1290 : i32 to index
        %get3A_1292 = arith.constant 160 : index
        %get3A_1293 = tpu.vector_load %arg9[%get3A_1291, %get3A_1292] {strides = array<i32>} : memref<128x256xf32, #tpu.memory_space<vmem>>, vector<1x16xf32>,
        %get3A_1294 = vector.shape_cast %get3A_1293 : vector<1x16xf32> to vector<16xf32>
        %max3A_1295 = arith.maximumf %max3A_1288, %get3A_1294 : vector<16xf32>
        %add3A_1296 = arith.constant 13 : i32
        %add3A_1297 = arith.addi %mul3A_40, %add3A_1296 : i32
        %get3A_1298 = arith.index_cast %add3A_1297 : i32 to index
        %get3A_1299 = arith.constant 160 : index
        %get3A_1300 = tpu.vector_load %arg9[%get3A_1298, %get3A_1299] {strides = array<i32>} : memref<128x256xf32, #tpu.memory_space<vmem>>, vector<1x16xf32>,
        %get3A_1301 = vector.shape_cast %get3A_1300 : vector<1x16xf32> to vector<16xf32>
        %max3A_1302 = arith.maximumf %max3A_1295, %get3A_1301 : vector<16xf32>
        %add3A_1303 = arith.constant 14 : i32
        %add3A_1304 = arith.addi %mul3A_40, %add3A_1303 : i32
        %get3A_1305 = arith.index_cast %add3A_1304 : i32 to index
        %get3A_1306 = arith.constant 160 : index
        %get3A_1307 = tpu.vector_load %arg9[%get3A_1305, %get3A_1306] {strides = array<i32>} : memref<128x256xf32, #tpu.memory_space<vmem>>, vector<1x16xf32>,
        %get3A_1308 = vector.shape_cast %get3A_1307 : vector<1x16xf32> to vector<16xf32>
        %max3A_1309 = arith.maximumf %max3A_1302, %get3A_1308 : vector<16xf32>
        %add3A_1310 = arith.constant 15 : i32
        %add3A_1311 = arith.addi %mul3A_40, %add3A_1310 : i32
        %get3A_1312 = arith.index_cast %add3A_1311 : i32 to index
        %get3A_1313 = arith.constant 160 : index
        %get3A_1314 = tpu.vector_load %arg9[%get3A_1312, %get3A_1313] {strides = array<i32>} : memref<128x256xf32, #tpu.memory_space<vmem>>, vector<1x16xf32>,
        %get3A_1315 = vector.shape_cast %get3A_1314 : vector<1x16xf32> to vector<16xf32>
        %max3A_1316 = arith.maximumf %max3A_1309, %get3A_1315 : vector<16xf32>
        %mul3A_1317 = arith.constant 8 : i32
        %mul3A_1318 = arith.muli %scan3A_15, %mul3A_1317 : i32
        %add3A_1319 = arith.addi %mul3A_1318, %scan3A_37 : i32
        %swap3A_1320 = arith.index_cast %add3A_1319 : i32 to index
        %swap3A_1321 = arith.constant 160 : index
        %swap3A_1322 = tpu.vector_load %arg10[%swap3A_1320, %swap3A_1321] {strides = array<i32>} : memref<128x256xf32, #tpu.memory_space<vmem>>, vector<1x16xf32>,
        %swap3A_1323 = vector.shape_cast %swap3A_1322 : vector<1x16xf32> to vector<16xf32>
        %swap3A_1324 = vector.shape_cast %max3A_1316 : vector<16xf32> to vector<1x16xf32>
        tpu.vector_store %arg10[%swap3A_1320, %swap3A_1321], %swap3A_1324 {strides = array<i32>} : memref<128x256xf32, #tpu.memory_space<vmem>>, vector<1x16xf32>,
        %get3A_1325 = arith.index_cast %mul3A_40 : i32 to index
        %get3A_1326 = arith.constant 176 : index
        %get3A_1327 = tpu.vector_load %arg9[%get3A_1325, %get3A_1326] {strides = array<i32>} : memref<128x256xf32, #tpu.memory_space<vmem>>, vector<1x16xf32>,
        %get3A_1328 = vector.shape_cast %get3A_1327 : vector<1x16xf32> to vector<16xf32>
        %add3A_1329 = arith.constant 1 : i32
        %add3A_1330 = arith.addi %mul3A_40, %add3A_1329 : i32
        %get3A_1331 = arith.index_cast %add3A_1330 : i32 to index
        %get3A_1332 = arith.constant 176 : index
        %get3A_1333 = tpu.vector_load %arg9[%get3A_1331, %get3A_1332] {strides = array<i32>} : memref<128x256xf32, #tpu.memory_space<vmem>>, vector<1x16xf32>,
        %get3A_1334 = vector.shape_cast %get3A_1333 : vector<1x16xf32> to vector<16xf32>
        %max3A_1335 = arith.maximumf %get3A_1328, %get3A_1334 : vector<16xf32>
        %add3A_1336 = arith.constant 2 : i32
        %add3A_1337 = arith.addi %mul3A_40, %add3A_1336 : i32
        %get3A_1338 = arith.index_cast %add3A_1337 : i32 to index
        %get3A_1339 = arith.constant 176 : index
        %get3A_1340 = tpu.vector_load %arg9[%get3A_1338, %get3A_1339] {strides = array<i32>} : memref<128x256xf32, #tpu.memory_space<vmem>>, vector<1x16xf32>,
        %get3A_1341 = vector.shape_cast %get3A_1340 : vector<1x16xf32> to vector<16xf32>
        %max3A_1342 = arith.maximumf %max3A_1335, %get3A_1341 : vector<16xf32>
        %add3A_1343 = arith.constant 3 : i32
        %add3A_1344 = arith.addi %mul3A_40, %add3A_1343 : i32
        %get3A_1345 = arith.index_cast %add3A_1344 : i32 to index
        %get3A_1346 = arith.constant 176 : index
        %get3A_1347 = tpu.vector_load %arg9[%get3A_1345, %get3A_1346] {strides = array<i32>} : memref<128x256xf32, #tpu.memory_space<vmem>>, vector<1x16xf32>,
        %get3A_1348 = vector.shape_cast %get3A_1347 : vector<1x16xf32> to vector<16xf32>
        %max3A_1349 = arith.maximumf %max3A_1342, %get3A_1348 : vector<16xf32>
        %add3A_1350 = arith.constant 4 : i32
        %add3A_1351 = arith.addi %mul3A_40, %add3A_1350 : i32
        %get3A_1352 = arith.index_cast %add3A_1351 : i32 to index
        %get3A_1353 = arith.constant 176 : index
        %get3A_1354 = tpu.vector_load %arg9[%get3A_1352, %get3A_1353] {strides = array<i32>} : memref<128x256xf32, #tpu.memory_space<vmem>>, vector<1x16xf32>,
        %get3A_1355 = vector.shape_cast %get3A_1354 : vector<1x16xf32> to vector<16xf32>
        %max3A_1356 = arith.maximumf %max3A_1349, %get3A_1355 : vector<16xf32>
        %add3A_1357 = arith.constant 5 : i32
        %add3A_1358 = arith.addi %mul3A_40, %add3A_1357 : i32
        %get3A_1359 = arith.index_cast %add3A_1358 : i32 to index
        %get3A_1360 = arith.constant 176 : index
        %get3A_1361 = tpu.vector_load %arg9[%get3A_1359, %get3A_1360] {strides = array<i32>} : memref<128x256xf32, #tpu.memory_space<vmem>>, vector<1x16xf32>,
        %get3A_1362 = vector.shape_cast %get3A_1361 : vector<1x16xf32> to vector<16xf32>
        %max3A_1363 = arith.maximumf %max3A_1356, %get3A_1362 : vector<16xf32>
        %add3A_1364 = arith.constant 6 : i32
        %add3A_1365 = arith.addi %mul3A_40, %add3A_1364 : i32
        %get3A_1366 = arith.index_cast %add3A_1365 : i32 to index
        %get3A_1367 = arith.constant 176 : index
        %get3A_1368 = tpu.vector_load %arg9[%get3A_1366, %get3A_1367] {strides = array<i32>} : memref<128x256xf32, #tpu.memory_space<vmem>>, vector<1x16xf32>,
        %get3A_1369 = vector.shape_cast %get3A_1368 : vector<1x16xf32> to vector<16xf32>
        %max3A_1370 = arith.maximumf %max3A_1363, %get3A_1369 : vector<16xf32>
        %add3A_1371 = arith.constant 7 : i32
        %add3A_1372 = arith.addi %mul3A_40, %add3A_1371 : i32
        %get3A_1373 = arith.index_cast %add3A_1372 : i32 to index
        %get3A_1374 = arith.constant 176 : index
        %get3A_1375 = tpu.vector_load %arg9[%get3A_1373, %get3A_1374] {strides = array<i32>} : memref<128x256xf32, #tpu.memory_space<vmem>>, vector<1x16xf32>,
        %get3A_1376 = vector.shape_cast %get3A_1375 : vector<1x16xf32> to vector<16xf32>
        %max3A_1377 = arith.maximumf %max3A_1370, %get3A_1376 : vector<16xf32>
        %add3A_1378 = arith.constant 8 : i32
        %add3A_1379 = arith.addi %mul3A_40, %add3A_1378 : i32
        %get3A_1380 = arith.index_cast %add3A_1379 : i32 to index
        %get3A_1381 = arith.constant 176 : index
        %get3A_1382 = tpu.vector_load %arg9[%get3A_1380, %get3A_1381] {strides = array<i32>} : memref<128x256xf32, #tpu.memory_space<vmem>>, vector<1x16xf32>,
        %get3A_1383 = vector.shape_cast %get3A_1382 : vector<1x16xf32> to vector<16xf32>
        %max3A_1384 = arith.maximumf %max3A_1377, %get3A_1383 : vector<16xf32>
        %add3A_1385 = arith.constant 9 : i32
        %add3A_1386 = arith.addi %mul3A_40, %add3A_1385 : i32
        %get3A_1387 = arith.index_cast %add3A_1386 : i32 to index
        %get3A_1388 = arith.constant 176 : index
        %get3A_1389 = tpu.vector_load %arg9[%get3A_1387, %get3A_1388] {strides = array<i32>} : memref<128x256xf32, #tpu.memory_space<vmem>>, vector<1x16xf32>,
        %get3A_1390 = vector.shape_cast %get3A_1389 : vector<1x16xf32> to vector<16xf32>
        %max3A_1391 = arith.maximumf %max3A_1384, %get3A_1390 : vector<16xf32>
        %add3A_1392 = arith.constant 10 : i32
        %add3A_1393 = arith.addi %mul3A_40, %add3A_1392 : i32
        %get3A_1394 = arith.index_cast %add3A_1393 : i32 to index
        %get3A_1395 = arith.constant 176 : index
        %get3A_1396 = tpu.vector_load %arg9[%get3A_1394, %get3A_1395] {strides = array<i32>} : memref<128x256xf32, #tpu.memory_space<vmem>>, vector<1x16xf32>,
        %get3A_1397 = vector.shape_cast %get3A_1396 : vector<1x16xf32> to vector<16xf32>
        %max3A_1398 = arith.maximumf %max3A_1391, %get3A_1397 : vector<16xf32>
        %add3A_1399 = arith.constant 11 : i32
        %add3A_1400 = arith.addi %mul3A_40, %add3A_1399 : i32
        %get3A_1401 = arith.index_cast %add3A_1400 : i32 to index
        %get3A_1402 = arith.constant 176 : index
        %get3A_1403 = tpu.vector_load %arg9[%get3A_1401, %get3A_1402] {strides = array<i32>} : memref<128x256xf32, #tpu.memory_space<vmem>>, vector<1x16xf32>,
        %get3A_1404 = vector.shape_cast %get3A_1403 : vector<1x16xf32> to vector<16xf32>
        %max3A_1405 = arith.maximumf %max3A_1398, %get3A_1404 : vector<16xf32>
        %add3A_1406 = arith.constant 12 : i32
        %add3A_1407 = arith.addi %mul3A_40, %add3A_1406 : i32
        %get3A_1408 = arith.index_cast %add3A_1407 : i32 to index
        %get3A_1409 = arith.constant 176 : index
        %get3A_1410 = tpu.vector_load %arg9[%get3A_1408, %get3A_1409] {strides = array<i32>} : memref<128x256xf32, #tpu.memory_space<vmem>>, vector<1x16xf32>,
        %get3A_1411 = vector.shape_cast %get3A_1410 : vector<1x16xf32> to vector<16xf32>
        %max3A_1412 = arith.maximumf %max3A_1405, %get3A_1411 : vector<16xf32>
        %add3A_1413 = arith.constant 13 : i32
        %add3A_1414 = arith.addi %mul3A_40, %add3A_1413 : i32
        %get3A_1415 = arith.index_cast %add3A_1414 : i32 to index
        %get3A_1416 = arith.constant 176 : index
        %get3A_1417 = tpu.vector_load %arg9[%get3A_1415, %get3A_1416] {strides = array<i32>} : memref<128x256xf32, #tpu.memory_space<vmem>>, vector<1x16xf32>,
        %get3A_1418 = vector.shape_cast %get3A_1417 : vector<1x16xf32> to vector<16xf32>
        %max3A_1419 = arith.maximumf %max3A_1412, %get3A_1418 : vector<16xf32>
        %add3A_1420 = arith.constant 14 : i32
        %add3A_1421 = arith.addi %mul3A_40, %add3A_1420 : i32
        %get3A_1422 = arith.index_cast %add3A_1421 : i32 to index
        %get3A_1423 = arith.constant 176 : index
        %get3A_1424 = tpu.vector_load %arg9[%get3A_1422, %get3A_1423] {strides = array<i32>} : memref<128x256xf32, #tpu.memory_space<vmem>>, vector<1x16xf32>,
        %get3A_1425 = vector.shape_cast %get3A_1424 : vector<1x16xf32> to vector<16xf32>
        %max3A_1426 = arith.maximumf %max3A_1419, %get3A_1425 : vector<16xf32>
        %add3A_1427 = arith.constant 15 : i32
        %add3A_1428 = arith.addi %mul3A_40, %add3A_1427 : i32
        %get3A_1429 = arith.index_cast %add3A_1428 : i32 to index
        %get3A_1430 = arith.constant 176 : index
        %get3A_1431 = tpu.vector_load %arg9[%get3A_1429, %get3A_1430] {strides = array<i32>} : memref<128x256xf32, #tpu.memory_space<vmem>>, vector<1x16xf32>,
        %get3A_1432 = vector.shape_cast %get3A_1431 : vector<1x16xf32> to vector<16xf32>
        %max3A_1433 = arith.maximumf %max3A_1426, %get3A_1432 : vector<16xf32>
        %mul3A_1434 = arith.constant 8 : i32
        %mul3A_1435 = arith.muli %scan3A_15, %mul3A_1434 : i32
        %add3A_1436 = arith.addi %mul3A_1435, %scan3A_37 : i32
        %swap3A_1437 = arith.index_cast %add3A_1436 : i32 to index
        %swap3A_1438 = arith.constant 176 : index
        %swap3A_1439 = tpu.vector_load %arg10[%swap3A_1437, %swap3A_1438] {strides = array<i32>} : memref<128x256xf32, #tpu.memory_space<vmem>>, vector<1x16xf32>,
        %swap3A_1440 = vector.shape_cast %swap3A_1439 : vector<1x16xf32> to vector<16xf32>
        %swap3A_1441 = vector.shape_cast %max3A_1433 : vector<16xf32> to vector<1x16xf32>
        tpu.vector_store %arg10[%swap3A_1437, %swap3A_1438], %swap3A_1441 {strides = array<i32>} : memref<128x256xf32, #tpu.memory_space<vmem>>, vector<1x16xf32>,
        %get3A_1442 = arith.index_cast %mul3A_40 : i32 to index
        %get3A_1443 = arith.constant 192 : index
        %get3A_1444 = tpu.vector_load %arg9[%get3A_1442, %get3A_1443] {strides = array<i32>} : memref<128x256xf32, #tpu.memory_space<vmem>>, vector<1x16xf32>,
        %get3A_1445 = vector.shape_cast %get3A_1444 : vector<1x16xf32> to vector<16xf32>
        %add3A_1446 = arith.constant 1 : i32
        %add3A_1447 = arith.addi %mul3A_40, %add3A_1446 : i32
        %get3A_1448 = arith.index_cast %add3A_1447 : i32 to index
        %get3A_1449 = arith.constant 192 : index
        %get3A_1450 = tpu.vector_load %arg9[%get3A_1448, %get3A_1449] {strides = array<i32>} : memref<128x256xf32, #tpu.memory_space<vmem>>, vector<1x16xf32>,
        %get3A_1451 = vector.shape_cast %get3A_1450 : vector<1x16xf32> to vector<16xf32>
        %max3A_1452 = arith.maximumf %get3A_1445, %get3A_1451 : vector<16xf32>
        %add3A_1453 = arith.constant 2 : i32
        %add3A_1454 = arith.addi %mul3A_40, %add3A_1453 : i32
        %get3A_1455 = arith.index_cast %add3A_1454 : i32 to index
        %get3A_1456 = arith.constant 192 : index
        %get3A_1457 = tpu.vector_load %arg9[%get3A_1455, %get3A_1456] {strides = array<i32>} : memref<128x256xf32, #tpu.memory_space<vmem>>, vector<1x16xf32>,
        %get3A_1458 = vector.shape_cast %get3A_1457 : vector<1x16xf32> to vector<16xf32>
        %max3A_1459 = arith.maximumf %max3A_1452, %get3A_1458 : vector<16xf32>
        %add3A_1460 = arith.constant 3 : i32
        %add3A_1461 = arith.addi %mul3A_40, %add3A_1460 : i32
        %get3A_1462 = arith.index_cast %add3A_1461 : i32 to index
        %get3A_1463 = arith.constant 192 : index
        %get3A_1464 = tpu.vector_load %arg9[%get3A_1462, %get3A_1463] {strides = array<i32>} : memref<128x256xf32, #tpu.memory_space<vmem>>, vector<1x16xf32>,
        %get3A_1465 = vector.shape_cast %get3A_1464 : vector<1x16xf32> to vector<16xf32>
        %max3A_1466 = arith.maximumf %max3A_1459, %get3A_1465 : vector<16xf32>
        %add3A_1467 = arith.constant 4 : i32
        %add3A_1468 = arith.addi %mul3A_40, %add3A_1467 : i32
        %get3A_1469 = arith.index_cast %add3A_1468 : i32 to index
        %get3A_1470 = arith.constant 192 : index
        %get3A_1471 = tpu.vector_load %arg9[%get3A_1469, %get3A_1470] {strides = array<i32>} : memref<128x256xf32, #tpu.memory_space<vmem>>, vector<1x16xf32>,
        %get3A_1472 = vector.shape_cast %get3A_1471 : vector<1x16xf32> to vector<16xf32>
        %max3A_1473 = arith.maximumf %max3A_1466, %get3A_1472 : vector<16xf32>
        %add3A_1474 = arith.constant 5 : i32
        %add3A_1475 = arith.addi %mul3A_40, %add3A_1474 : i32
        %get3A_1476 = arith.index_cast %add3A_1475 : i32 to index
        %get3A_1477 = arith.constant 192 : index
        %get3A_1478 = tpu.vector_load %arg9[%get3A_1476, %get3A_1477] {strides = array<i32>} : memref<128x256xf32, #tpu.memory_space<vmem>>, vector<1x16xf32>,
        %get3A_1479 = vector.shape_cast %get3A_1478 : vector<1x16xf32> to vector<16xf32>
        %max3A_1480 = arith.maximumf %max3A_1473, %get3A_1479 : vector<16xf32>
        %add3A_1481 = arith.constant 6 : i32
        %add3A_1482 = arith.addi %mul3A_40, %add3A_1481 : i32
        %get3A_1483 = arith.index_cast %add3A_1482 : i32 to index
        %get3A_1484 = arith.constant 192 : index
        %get3A_1485 = tpu.vector_load %arg9[%get3A_1483, %get3A_1484] {strides = array<i32>} : memref<128x256xf32, #tpu.memory_space<vmem>>, vector<1x16xf32>,
        %get3A_1486 = vector.shape_cast %get3A_1485 : vector<1x16xf32> to vector<16xf32>
        %max3A_1487 = arith.maximumf %max3A_1480, %get3A_1486 : vector<16xf32>
        %add3A_1488 = arith.constant 7 : i32
        %add3A_1489 = arith.addi %mul3A_40, %add3A_1488 : i32
        %get3A_1490 = arith.index_cast %add3A_1489 : i32 to index
        %get3A_1491 = arith.constant 192 : index
        %get3A_1492 = tpu.vector_load %arg9[%get3A_1490, %get3A_1491] {strides = array<i32>} : memref<128x256xf32, #tpu.memory_space<vmem>>, vector<1x16xf32>,
        %get3A_1493 = vector.shape_cast %get3A_1492 : vector<1x16xf32> to vector<16xf32>
        %max3A_1494 = arith.maximumf %max3A_1487, %get3A_1493 : vector<16xf32>
        %add3A_1495 = arith.constant 8 : i32
        %add3A_1496 = arith.addi %mul3A_40, %add3A_1495 : i32
        %get3A_1497 = arith.index_cast %add3A_1496 : i32 to index
        %get3A_1498 = arith.constant 192 : index
        %get3A_1499 = tpu.vector_load %arg9[%get3A_1497, %get3A_1498] {strides = array<i32>} : memref<128x256xf32, #tpu.memory_space<vmem>>, vector<1x16xf32>,
        %get3A_1500 = vector.shape_cast %get3A_1499 : vector<1x16xf32> to vector<16xf32>
        %max3A_1501 = arith.maximumf %max3A_1494, %get3A_1500 : vector<16xf32>
        %add3A_1502 = arith.constant 9 : i32
        %add3A_1503 = arith.addi %mul3A_40, %add3A_1502 : i32
        %get3A_1504 = arith.index_cast %add3A_1503 : i32 to index
        %get3A_1505 = arith.constant 192 : index
        %get3A_1506 = tpu.vector_load %arg9[%get3A_1504, %get3A_1505] {strides = array<i32>} : memref<128x256xf32, #tpu.memory_space<vmem>>, vector<1x16xf32>,
        %get3A_1507 = vector.shape_cast %get3A_1506 : vector<1x16xf32> to vector<16xf32>
        %max3A_1508 = arith.maximumf %max3A_1501, %get3A_1507 : vector<16xf32>
        %add3A_1509 = arith.constant 10 : i32
        %add3A_1510 = arith.addi %mul3A_40, %add3A_1509 : i32
        %get3A_1511 = arith.index_cast %add3A_1510 : i32 to index
        %get3A_1512 = arith.constant 192 : index
        %get3A_1513 = tpu.vector_load %arg9[%get3A_1511, %get3A_1512] {strides = array<i32>} : memref<128x256xf32, #tpu.memory_space<vmem>>, vector<1x16xf32>,
        %get3A_1514 = vector.shape_cast %get3A_1513 : vector<1x16xf32> to vector<16xf32>
        %max3A_1515 = arith.maximumf %max3A_1508, %get3A_1514 : vector<16xf32>
        %add3A_1516 = arith.constant 11 : i32
        %add3A_1517 = arith.addi %mul3A_40, %add3A_1516 : i32
        %get3A_1518 = arith.index_cast %add3A_1517 : i32 to index
        %get3A_1519 = arith.constant 192 : index
        %get3A_1520 = tpu.vector_load %arg9[%get3A_1518, %get3A_1519] {strides = array<i32>} : memref<128x256xf32, #tpu.memory_space<vmem>>, vector<1x16xf32>,
        %get3A_1521 = vector.shape_cast %get3A_1520 : vector<1x16xf32> to vector<16xf32>
        %max3A_1522 = arith.maximumf %max3A_1515, %get3A_1521 : vector<16xf32>
        %add3A_1523 = arith.constant 12 : i32
        %add3A_1524 = arith.addi %mul3A_40, %add3A_1523 : i32
        %get3A_1525 = arith.index_cast %add3A_1524 : i32 to index
        %get3A_1526 = arith.constant 192 : index
        %get3A_1527 = tpu.vector_load %arg9[%get3A_1525, %get3A_1526] {strides = array<i32>} : memref<128x256xf32, #tpu.memory_space<vmem>>, vector<1x16xf32>,
        %get3A_1528 = vector.shape_cast %get3A_1527 : vector<1x16xf32> to vector<16xf32>
        %max3A_1529 = arith.maximumf %max3A_1522, %get3A_1528 : vector<16xf32>
        %add3A_1530 = arith.constant 13 : i32
        %add3A_1531 = arith.addi %mul3A_40, %add3A_1530 : i32
        %get3A_1532 = arith.index_cast %add3A_1531 : i32 to index
        %get3A_1533 = arith.constant 192 : index
        %get3A_1534 = tpu.vector_load %arg9[%get3A_1532, %get3A_1533] {strides = array<i32>} : memref<128x256xf32, #tpu.memory_space<vmem>>, vector<1x16xf32>,
        %get3A_1535 = vector.shape_cast %get3A_1534 : vector<1x16xf32> to vector<16xf32>
        %max3A_1536 = arith.maximumf %max3A_1529, %get3A_1535 : vector<16xf32>
        %add3A_1537 = arith.constant 14 : i32
        %add3A_1538 = arith.addi %mul3A_40, %add3A_1537 : i32
        %get3A_1539 = arith.index_cast %add3A_1538 : i32 to index
        %get3A_1540 = arith.constant 192 : index
        %get3A_1541 = tpu.vector_load %arg9[%get3A_1539, %get3A_1540] {strides = array<i32>} : memref<128x256xf32, #tpu.memory_space<vmem>>, vector<1x16xf32>,
        %get3A_1542 = vector.shape_cast %get3A_1541 : vector<1x16xf32> to vector<16xf32>
        %max3A_1543 = arith.maximumf %max3A_1536, %get3A_1542 : vector<16xf32>
        %add3A_1544 = arith.constant 15 : i32
        %add3A_1545 = arith.addi %mul3A_40, %add3A_1544 : i32
        %get3A_1546 = arith.index_cast %add3A_1545 : i32 to index
        %get3A_1547 = arith.constant 192 : index
        %get3A_1548 = tpu.vector_load %arg9[%get3A_1546, %get3A_1547] {strides = array<i32>} : memref<128x256xf32, #tpu.memory_space<vmem>>, vector<1x16xf32>,
        %get3A_1549 = vector.shape_cast %get3A_1548 : vector<1x16xf32> to vector<16xf32>
        %max3A_1550 = arith.maximumf %max3A_1543, %get3A_1549 : vector<16xf32>
        %mul3A_1551 = arith.constant 8 : i32
        %mul3A_1552 = arith.muli %scan3A_15, %mul3A_1551 : i32
        %add3A_1553 = arith.addi %mul3A_1552, %scan3A_37 : i32
        %swap3A_1554 = arith.index_cast %add3A_1553 : i32 to index
        %swap3A_1555 = arith.constant 192 : index
        %swap3A_1556 = tpu.vector_load %arg10[%swap3A_1554, %swap3A_1555] {strides = array<i32>} : memref<128x256xf32, #tpu.memory_space<vmem>>, vector<1x16xf32>,
        %swap3A_1557 = vector.shape_cast %swap3A_1556 : vector<1x16xf32> to vector<16xf32>
        %swap3A_1558 = vector.shape_cast %max3A_1550 : vector<16xf32> to vector<1x16xf32>
        tpu.vector_store %arg10[%swap3A_1554, %swap3A_1555], %swap3A_1558 {strides = array<i32>} : memref<128x256xf32, #tpu.memory_space<vmem>>, vector<1x16xf32>,
        %get3A_1559 = arith.index_cast %mul3A_40 : i32 to index
        %get3A_1560 = arith.constant 208 : index
        %get3A_1561 = tpu.vector_load %arg9[%get3A_1559, %get3A_1560] {strides = array<i32>} : memref<128x256xf32, #tpu.memory_space<vmem>>, vector<1x16xf32>,
        %get3A_1562 = vector.shape_cast %get3A_1561 : vector<1x16xf32> to vector<16xf32>
        %add3A_1563 = arith.constant 1 : i32
        %add3A_1564 = arith.addi %mul3A_40, %add3A_1563 : i32
        %get3A_1565 = arith.index_cast %add3A_1564 : i32 to index
        %get3A_1566 = arith.constant 208 : index
        %get3A_1567 = tpu.vector_load %arg9[%get3A_1565, %get3A_1566] {strides = array<i32>} : memref<128x256xf32, #tpu.memory_space<vmem>>, vector<1x16xf32>,
        %get3A_1568 = vector.shape_cast %get3A_1567 : vector<1x16xf32> to vector<16xf32>
        %max3A_1569 = arith.maximumf %get3A_1562, %get3A_1568 : vector<16xf32>
        %add3A_1570 = arith.constant 2 : i32
        %add3A_1571 = arith.addi %mul3A_40, %add3A_1570 : i32
        %get3A_1572 = arith.index_cast %add3A_1571 : i32 to index
        %get3A_1573 = arith.constant 208 : index
        %get3A_1574 = tpu.vector_load %arg9[%get3A_1572, %get3A_1573] {strides = array<i32>} : memref<128x256xf32, #tpu.memory_space<vmem>>, vector<1x16xf32>,
        %get3A_1575 = vector.shape_cast %get3A_1574 : vector<1x16xf32> to vector<16xf32>
        %max3A_1576 = arith.maximumf %max3A_1569, %get3A_1575 : vector<16xf32>
        %add3A_1577 = arith.constant 3 : i32
        %add3A_1578 = arith.addi %mul3A_40, %add3A_1577 : i32
        %get3A_1579 = arith.index_cast %add3A_1578 : i32 to index
        %get3A_1580 = arith.constant 208 : index
        %get3A_1581 = tpu.vector_load %arg9[%get3A_1579, %get3A_1580] {strides = array<i32>} : memref<128x256xf32, #tpu.memory_space<vmem>>, vector<1x16xf32>,
        %get3A_1582 = vector.shape_cast %get3A_1581 : vector<1x16xf32> to vector<16xf32>
        %max3A_1583 = arith.maximumf %max3A_1576, %get3A_1582 : vector<16xf32>
        %add3A_1584 = arith.constant 4 : i32
        %add3A_1585 = arith.addi %mul3A_40, %add3A_1584 : i32
        %get3A_1586 = arith.index_cast %add3A_1585 : i32 to index
        %get3A_1587 = arith.constant 208 : index
        %get3A_1588 = tpu.vector_load %arg9[%get3A_1586, %get3A_1587] {strides = array<i32>} : memref<128x256xf32, #tpu.memory_space<vmem>>, vector<1x16xf32>,
        %get3A_1589 = vector.shape_cast %get3A_1588 : vector<1x16xf32> to vector<16xf32>
        %max3A_1590 = arith.maximumf %max3A_1583, %get3A_1589 : vector<16xf32>
        %add3A_1591 = arith.constant 5 : i32
        %add3A_1592 = arith.addi %mul3A_40, %add3A_1591 : i32
        %get3A_1593 = arith.index_cast %add3A_1592 : i32 to index
        %get3A_1594 = arith.constant 208 : index
        %get3A_1595 = tpu.vector_load %arg9[%get3A_1593, %get3A_1594] {strides = array<i32>} : memref<128x256xf32, #tpu.memory_space<vmem>>, vector<1x16xf32>,
        %get3A_1596 = vector.shape_cast %get3A_1595 : vector<1x16xf32> to vector<16xf32>
        %max3A_1597 = arith.maximumf %max3A_1590, %get3A_1596 : vector<16xf32>
        %add3A_1598 = arith.constant 6 : i32
        %add3A_1599 = arith.addi %mul3A_40, %add3A_1598 : i32
        %get3A_1600 = arith.index_cast %add3A_1599 : i32 to index
        %get3A_1601 = arith.constant 208 : index
        %get3A_1602 = tpu.vector_load %arg9[%get3A_1600, %get3A_1601] {strides = array<i32>} : memref<128x256xf32, #tpu.memory_space<vmem>>, vector<1x16xf32>,
        %get3A_1603 = vector.shape_cast %get3A_1602 : vector<1x16xf32> to vector<16xf32>
        %max3A_1604 = arith.maximumf %max3A_1597, %get3A_1603 : vector<16xf32>
        %add3A_1605 = arith.constant 7 : i32
        %add3A_1606 = arith.addi %mul3A_40, %add3A_1605 : i32
        %get3A_1607 = arith.index_cast %add3A_1606 : i32 to index
        %get3A_1608 = arith.constant 208 : index
        %get3A_1609 = tpu.vector_load %arg9[%get3A_1607, %get3A_1608] {strides = array<i32>} : memref<128x256xf32, #tpu.memory_space<vmem>>, vector<1x16xf32>,
        %get3A_1610 = vector.shape_cast %get3A_1609 : vector<1x16xf32> to vector<16xf32>
        %max3A_1611 = arith.maximumf %max3A_1604, %get3A_1610 : vector<16xf32>
        %add3A_1612 = arith.constant 8 : i32
        %add3A_1613 = arith.addi %mul3A_40, %add3A_1612 : i32
        %get3A_1614 = arith.index_cast %add3A_1613 : i32 to index
        %get3A_1615 = arith.constant 208 : index
        %get3A_1616 = tpu.vector_load %arg9[%get3A_1614, %get3A_1615] {strides = array<i32>} : memref<128x256xf32, #tpu.memory_space<vmem>>, vector<1x16xf32>,
        %get3A_1617 = vector.shape_cast %get3A_1616 : vector<1x16xf32> to vector<16xf32>
        %max3A_1618 = arith.maximumf %max3A_1611, %get3A_1617 : vector<16xf32>
        %add3A_1619 = arith.constant 9 : i32
        %add3A_1620 = arith.addi %mul3A_40, %add3A_1619 : i32
        %get3A_1621 = arith.index_cast %add3A_1620 : i32 to index
        %get3A_1622 = arith.constant 208 : index
        %get3A_1623 = tpu.vector_load %arg9[%get3A_1621, %get3A_1622] {strides = array<i32>} : memref<128x256xf32, #tpu.memory_space<vmem>>, vector<1x16xf32>,
        %get3A_1624 = vector.shape_cast %get3A_1623 : vector<1x16xf32> to vector<16xf32>
        %max3A_1625 = arith.maximumf %max3A_1618, %get3A_1624 : vector<16xf32>
        %add3A_1626 = arith.constant 10 : i32
        %add3A_1627 = arith.addi %mul3A_40, %add3A_1626 : i32
        %get3A_1628 = arith.index_cast %add3A_1627 : i32 to index
        %get3A_1629 = arith.constant 208 : index
        %get3A_1630 = tpu.vector_load %arg9[%get3A_1628, %get3A_1629] {strides = array<i32>} : memref<128x256xf32, #tpu.memory_space<vmem>>, vector<1x16xf32>,
        %get3A_1631 = vector.shape_cast %get3A_1630 : vector<1x16xf32> to vector<16xf32>
        %max3A_1632 = arith.maximumf %max3A_1625, %get3A_1631 : vector<16xf32>
        %add3A_1633 = arith.constant 11 : i32
        %add3A_1634 = arith.addi %mul3A_40, %add3A_1633 : i32
        %get3A_1635 = arith.index_cast %add3A_1634 : i32 to index
        %get3A_1636 = arith.constant 208 : index
        %get3A_1637 = tpu.vector_load %arg9[%get3A_1635, %get3A_1636] {strides = array<i32>} : memref<128x256xf32, #tpu.memory_space<vmem>>, vector<1x16xf32>,
        %get3A_1638 = vector.shape_cast %get3A_1637 : vector<1x16xf32> to vector<16xf32>
        %max3A_1639 = arith.maximumf %max3A_1632, %get3A_1638 : vector<16xf32>
        %add3A_1640 = arith.constant 12 : i32
        %add3A_1641 = arith.addi %mul3A_40, %add3A_1640 : i32
        %get3A_1642 = arith.index_cast %add3A_1641 : i32 to index
        %get3A_1643 = arith.constant 208 : index
        %get3A_1644 = tpu.vector_load %arg9[%get3A_1642, %get3A_1643] {strides = array<i32>} : memref<128x256xf32, #tpu.memory_space<vmem>>, vector<1x16xf32>,
        %get3A_1645 = vector.shape_cast %get3A_1644 : vector<1x16xf32> to vector<16xf32>
        %max3A_1646 = arith.maximumf %max3A_1639, %get3A_1645 : vector<16xf32>
        %add3A_1647 = arith.constant 13 : i32
        %add3A_1648 = arith.addi %mul3A_40, %add3A_1647 : i32
        %get3A_1649 = arith.index_cast %add3A_1648 : i32 to index
        %get3A_1650 = arith.constant 208 : index
        %get3A_1651 = tpu.vector_load %arg9[%get3A_1649, %get3A_1650] {strides = array<i32>} : memref<128x256xf32, #tpu.memory_space<vmem>>, vector<1x16xf32>,
        %get3A_1652 = vector.shape_cast %get3A_1651 : vector<1x16xf32> to vector<16xf32>
        %max3A_1653 = arith.maximumf %max3A_1646, %get3A_1652 : vector<16xf32>
        %add3A_1654 = arith.constant 14 : i32
        %add3A_1655 = arith.addi %mul3A_40, %add3A_1654 : i32
        %get3A_1656 = arith.index_cast %add3A_1655 : i32 to index
        %get3A_1657 = arith.constant 208 : index
        %get3A_1658 = tpu.vector_load %arg9[%get3A_1656, %get3A_1657] {strides = array<i32>} : memref<128x256xf32, #tpu.memory_space<vmem>>, vector<1x16xf32>,
        %get3A_1659 = vector.shape_cast %get3A_1658 : vector<1x16xf32> to vector<16xf32>
        %max3A_1660 = arith.maximumf %max3A_1653, %get3A_1659 : vector<16xf32>
        %add3A_1661 = arith.constant 15 : i32
        %add3A_1662 = arith.addi %mul3A_40, %add3A_1661 : i32
        %get3A_1663 = arith.index_cast %add3A_1662 : i32 to index
        %get3A_1664 = arith.constant 208 : index
        %get3A_1665 = tpu.vector_load %arg9[%get3A_1663, %get3A_1664] {strides = array<i32>} : memref<128x256xf32, #tpu.memory_space<vmem>>, vector<1x16xf32>,
        %get3A_1666 = vector.shape_cast %get3A_1665 : vector<1x16xf32> to vector<16xf32>
        %max3A_1667 = arith.maximumf %max3A_1660, %get3A_1666 : vector<16xf32>
        %mul3A_1668 = arith.constant 8 : i32
        %mul3A_1669 = arith.muli %scan3A_15, %mul3A_1668 : i32
        %add3A_1670 = arith.addi %mul3A_1669, %scan3A_37 : i32
        %swap3A_1671 = arith.index_cast %add3A_1670 : i32 to index
        %swap3A_1672 = arith.constant 208 : index
        %swap3A_1673 = tpu.vector_load %arg10[%swap3A_1671, %swap3A_1672] {strides = array<i32>} : memref<128x256xf32, #tpu.memory_space<vmem>>, vector<1x16xf32>,
        %swap3A_1674 = vector.shape_cast %swap3A_1673 : vector<1x16xf32> to vector<16xf32>
        %swap3A_1675 = vector.shape_cast %max3A_1667 : vector<16xf32> to vector<1x16xf32>
        tpu.vector_store %arg10[%swap3A_1671, %swap3A_1672], %swap3A_1675 {strides = array<i32>} : memref<128x256xf32, #tpu.memory_space<vmem>>, vector<1x16xf32>,
        %get3A_1676 = arith.index_cast %mul3A_40 : i32 to index
        %get3A_1677 = arith.constant 224 : index
        %get3A_1678 = tpu.vector_load %arg9[%get3A_1676, %get3A_1677] {strides = array<i32>} : memref<128x256xf32, #tpu.memory_space<vmem>>, vector<1x16xf32>,
        %get3A_1679 = vector.shape_cast %get3A_1678 : vector<1x16xf32> to vector<16xf32>
        %add3A_1680 = arith.constant 1 : i32
        %add3A_1681 = arith.addi %mul3A_40, %add3A_1680 : i32
        %get3A_1682 = arith.index_cast %add3A_1681 : i32 to index
        %get3A_1683 = arith.constant 224 : index
        %get3A_1684 = tpu.vector_load %arg9[%get3A_1682, %get3A_1683] {strides = array<i32>} : memref<128x256xf32, #tpu.memory_space<vmem>>, vector<1x16xf32>,
        %get3A_1685 = vector.shape_cast %get3A_1684 : vector<1x16xf32> to vector<16xf32>
        %max3A_1686 = arith.maximumf %get3A_1679, %get3A_1685 : vector<16xf32>
        %add3A_1687 = arith.constant 2 : i32
        %add3A_1688 = arith.addi %mul3A_40, %add3A_1687 : i32
        %get3A_1689 = arith.index_cast %add3A_1688 : i32 to index
        %get3A_1690 = arith.constant 224 : index
        %get3A_1691 = tpu.vector_load %arg9[%get3A_1689, %get3A_1690] {strides = array<i32>} : memref<128x256xf32, #tpu.memory_space<vmem>>, vector<1x16xf32>,
        %get3A_1692 = vector.shape_cast %get3A_1691 : vector<1x16xf32> to vector<16xf32>
        %max3A_1693 = arith.maximumf %max3A_1686, %get3A_1692 : vector<16xf32>
        %add3A_1694 = arith.constant 3 : i32
        %add3A_1695 = arith.addi %mul3A_40, %add3A_1694 : i32
        %get3A_1696 = arith.index_cast %add3A_1695 : i32 to index
        %get3A_1697 = arith.constant 224 : index
        %get3A_1698 = tpu.vector_load %arg9[%get3A_1696, %get3A_1697] {strides = array<i32>} : memref<128x256xf32, #tpu.memory_space<vmem>>, vector<1x16xf32>,
        %get3A_1699 = vector.shape_cast %get3A_1698 : vector<1x16xf32> to vector<16xf32>
        %max3A_1700 = arith.maximumf %max3A_1693, %get3A_1699 : vector<16xf32>
        %add3A_1701 = arith.constant 4 : i32
        %add3A_1702 = arith.addi %mul3A_40, %add3A_1701 : i32
        %get3A_1703 = arith.index_cast %add3A_1702 : i32 to index
        %get3A_1704 = arith.constant 224 : index
        %get3A_1705 = tpu.vector_load %arg9[%get3A_1703, %get3A_1704] {strides = array<i32>} : memref<128x256xf32, #tpu.memory_space<vmem>>, vector<1x16xf32>,
        %get3A_1706 = vector.shape_cast %get3A_1705 : vector<1x16xf32> to vector<16xf32>
        %max3A_1707 = arith.maximumf %max3A_1700, %get3A_1706 : vector<16xf32>
        %add3A_1708 = arith.constant 5 : i32
        %add3A_1709 = arith.addi %mul3A_40, %add3A_1708 : i32
        %get3A_1710 = arith.index_cast %add3A_1709 : i32 to index
        %get3A_1711 = arith.constant 224 : index
        %get3A_1712 = tpu.vector_load %arg9[%get3A_1710, %get3A_1711] {strides = array<i32>} : memref<128x256xf32, #tpu.memory_space<vmem>>, vector<1x16xf32>,
        %get3A_1713 = vector.shape_cast %get3A_1712 : vector<1x16xf32> to vector<16xf32>
        %max3A_1714 = arith.maximumf %max3A_1707, %get3A_1713 : vector<16xf32>
        %add3A_1715 = arith.constant 6 : i32
        %add3A_1716 = arith.addi %mul3A_40, %add3A_1715 : i32
        %get3A_1717 = arith.index_cast %add3A_1716 : i32 to index
        %get3A_1718 = arith.constant 224 : index
        %get3A_1719 = tpu.vector_load %arg9[%get3A_1717, %get3A_1718] {strides = array<i32>} : memref<128x256xf32, #tpu.memory_space<vmem>>, vector<1x16xf32>,
        %get3A_1720 = vector.shape_cast %get3A_1719 : vector<1x16xf32> to vector<16xf32>
        %max3A_1721 = arith.maximumf %max3A_1714, %get3A_1720 : vector<16xf32>
        %add3A_1722 = arith.constant 7 : i32
        %add3A_1723 = arith.addi %mul3A_40, %add3A_1722 : i32
        %get3A_1724 = arith.index_cast %add3A_1723 : i32 to index
        %get3A_1725 = arith.constant 224 : index
        %get3A_1726 = tpu.vector_load %arg9[%get3A_1724, %get3A_1725] {strides = array<i32>} : memref<128x256xf32, #tpu.memory_space<vmem>>, vector<1x16xf32>,
        %get3A_1727 = vector.shape_cast %get3A_1726 : vector<1x16xf32> to vector<16xf32>
        %max3A_1728 = arith.maximumf %max3A_1721, %get3A_1727 : vector<16xf32>
        %add3A_1729 = arith.constant 8 : i32
        %add3A_1730 = arith.addi %mul3A_40, %add3A_1729 : i32
        %get3A_1731 = arith.index_cast %add3A_1730 : i32 to index
        %get3A_1732 = arith.constant 224 : index
        %get3A_1733 = tpu.vector_load %arg9[%get3A_1731, %get3A_1732] {strides = array<i32>} : memref<128x256xf32, #tpu.memory_space<vmem>>, vector<1x16xf32>,
        %get3A_1734 = vector.shape_cast %get3A_1733 : vector<1x16xf32> to vector<16xf32>
        %max3A_1735 = arith.maximumf %max3A_1728, %get3A_1734 : vector<16xf32>
        %add3A_1736 = arith.constant 9 : i32
        %add3A_1737 = arith.addi %mul3A_40, %add3A_1736 : i32
        %get3A_1738 = arith.index_cast %add3A_1737 : i32 to index
        %get3A_1739 = arith.constant 224 : index
        %get3A_1740 = tpu.vector_load %arg9[%get3A_1738, %get3A_1739] {strides = array<i32>} : memref<128x256xf32, #tpu.memory_space<vmem>>, vector<1x16xf32>,
        %get3A_1741 = vector.shape_cast %get3A_1740 : vector<1x16xf32> to vector<16xf32>
        %max3A_1742 = arith.maximumf %max3A_1735, %get3A_1741 : vector<16xf32>
        %add3A_1743 = arith.constant 10 : i32
        %add3A_1744 = arith.addi %mul3A_40, %add3A_1743 : i32
        %get3A_1745 = arith.index_cast %add3A_1744 : i32 to index
        %get3A_1746 = arith.constant 224 : index
        %get3A_1747 = tpu.vector_load %arg9[%get3A_1745, %get3A_1746] {strides = array<i32>} : memref<128x256xf32, #tpu.memory_space<vmem>>, vector<1x16xf32>,
        %get3A_1748 = vector.shape_cast %get3A_1747 : vector<1x16xf32> to vector<16xf32>
        %max3A_1749 = arith.maximumf %max3A_1742, %get3A_1748 : vector<16xf32>
        %add3A_1750 = arith.constant 11 : i32
        %add3A_1751 = arith.addi %mul3A_40, %add3A_1750 : i32
        %get3A_1752 = arith.index_cast %add3A_1751 : i32 to index
        %get3A_1753 = arith.constant 224 : index
        %get3A_1754 = tpu.vector_load %arg9[%get3A_1752, %get3A_1753] {strides = array<i32>} : memref<128x256xf32, #tpu.memory_space<vmem>>, vector<1x16xf32>,
        %get3A_1755 = vector.shape_cast %get3A_1754 : vector<1x16xf32> to vector<16xf32>
        %max3A_1756 = arith.maximumf %max3A_1749, %get3A_1755 : vector<16xf32>
        %add3A_1757 = arith.constant 12 : i32
        %add3A_1758 = arith.addi %mul3A_40, %add3A_1757 : i32
        %get3A_1759 = arith.index_cast %add3A_1758 : i32 to index
        %get3A_1760 = arith.constant 224 : index
        %get3A_1761 = tpu.vector_load %arg9[%get3A_1759, %get3A_1760] {strides = array<i32>} : memref<128x256xf32, #tpu.memory_space<vmem>>, vector<1x16xf32>,
        %get3A_1762 = vector.shape_cast %get3A_1761 : vector<1x16xf32> to vector<16xf32>
        %max3A_1763 = arith.maximumf %max3A_1756, %get3A_1762 : vector<16xf32>
        %add3A_1764 = arith.constant 13 : i32
        %add3A_1765 = arith.addi %mul3A_40, %add3A_1764 : i32
        %get3A_1766 = arith.index_cast %add3A_1765 : i32 to index
        %get3A_1767 = arith.constant 224 : index
        %get3A_1768 = tpu.vector_load %arg9[%get3A_1766, %get3A_1767] {strides = array<i32>} : memref<128x256xf32, #tpu.memory_space<vmem>>, vector<1x16xf32>,
        %get3A_1769 = vector.shape_cast %get3A_1768 : vector<1x16xf32> to vector<16xf32>
        %max3A_1770 = arith.maximumf %max3A_1763, %get3A_1769 : vector<16xf32>
        %add3A_1771 = arith.constant 14 : i32
        %add3A_1772 = arith.addi %mul3A_40, %add3A_1771 : i32
        %get3A_1773 = arith.index_cast %add3A_1772 : i32 to index
        %get3A_1774 = arith.constant 224 : index
        %get3A_1775 = tpu.vector_load %arg9[%get3A_1773, %get3A_1774] {strides = array<i32>} : memref<128x256xf32, #tpu.memory_space<vmem>>, vector<1x16xf32>,
        %get3A_1776 = vector.shape_cast %get3A_1775 : vector<1x16xf32> to vector<16xf32>
        %max3A_1777 = arith.maximumf %max3A_1770, %get3A_1776 : vector<16xf32>
        %add3A_1778 = arith.constant 15 : i32
        %add3A_1779 = arith.addi %mul3A_40, %add3A_1778 : i32
        %get3A_1780 = arith.index_cast %add3A_1779 : i32 to index
        %get3A_1781 = arith.constant 224 : index
        %get3A_1782 = tpu.vector_load %arg9[%get3A_1780, %get3A_1781] {strides = array<i32>} : memref<128x256xf32, #tpu.memory_space<vmem>>, vector<1x16xf32>,
        %get3A_1783 = vector.shape_cast %get3A_1782 : vector<1x16xf32> to vector<16xf32>
        %max3A_1784 = arith.maximumf %max3A_1777, %get3A_1783 : vector<16xf32>
        %mul3A_1785 = arith.constant 8 : i32
        %mul3A_1786 = arith.muli %scan3A_15, %mul3A_1785 : i32
        %add3A_1787 = arith.addi %mul3A_1786, %scan3A_37 : i32
        %swap3A_1788 = arith.index_cast %add3A_1787 : i32 to index
        %swap3A_1789 = arith.constant 224 : index
        %swap3A_1790 = tpu.vector_load %arg10[%swap3A_1788, %swap3A_1789] {strides = array<i32>} : memref<128x256xf32, #tpu.memory_space<vmem>>, vector<1x16xf32>,
        %swap3A_1791 = vector.shape_cast %swap3A_1790 : vector<1x16xf32> to vector<16xf32>
        %swap3A_1792 = vector.shape_cast %max3A_1784 : vector<16xf32> to vector<1x16xf32>
        tpu.vector_store %arg10[%swap3A_1788, %swap3A_1789], %swap3A_1792 {strides = array<i32>} : memref<128x256xf32, #tpu.memory_space<vmem>>, vector<1x16xf32>,
        %get3A_1793 = arith.index_cast %mul3A_40 : i32 to index
        %get3A_1794 = arith.constant 240 : index
        %get3A_1795 = tpu.vector_load %arg9[%get3A_1793, %get3A_1794] {strides = array<i32>} : memref<128x256xf32, #tpu.memory_space<vmem>>, vector<1x16xf32>,
        %get3A_1796 = vector.shape_cast %get3A_1795 : vector<1x16xf32> to vector<16xf32>
        %add3A_1797 = arith.constant 1 : i32
        %add3A_1798 = arith.addi %mul3A_40, %add3A_1797 : i32
        %get3A_1799 = arith.index_cast %add3A_1798 : i32 to index
        %get3A_1800 = arith.constant 240 : index
        %get3A_1801 = tpu.vector_load %arg9[%get3A_1799, %get3A_1800] {strides = array<i32>} : memref<128x256xf32, #tpu.memory_space<vmem>>, vector<1x16xf32>,
        %get3A_1802 = vector.shape_cast %get3A_1801 : vector<1x16xf32> to vector<16xf32>
        %max3A_1803 = arith.maximumf %get3A_1796, %get3A_1802 : vector<16xf32>
        %add3A_1804 = arith.constant 2 : i32
        %add3A_1805 = arith.addi %mul3A_40, %add3A_1804 : i32
        %get3A_1806 = arith.index_cast %add3A_1805 : i32 to index
        %get3A_1807 = arith.constant 240 : index
        %get3A_1808 = tpu.vector_load %arg9[%get3A_1806, %get3A_1807] {strides = array<i32>} : memref<128x256xf32, #tpu.memory_space<vmem>>, vector<1x16xf32>,
        %get3A_1809 = vector.shape_cast %get3A_1808 : vector<1x16xf32> to vector<16xf32>
        %max3A_1810 = arith.maximumf %max3A_1803, %get3A_1809 : vector<16xf32>
        %add3A_1811 = arith.constant 3 : i32
        %add3A_1812 = arith.addi %mul3A_40, %add3A_1811 : i32
        %get3A_1813 = arith.index_cast %add3A_1812 : i32 to index
        %get3A_1814 = arith.constant 240 : index
        %get3A_1815 = tpu.vector_load %arg9[%get3A_1813, %get3A_1814] {strides = array<i32>} : memref<128x256xf32, #tpu.memory_space<vmem>>, vector<1x16xf32>,
        %get3A_1816 = vector.shape_cast %get3A_1815 : vector<1x16xf32> to vector<16xf32>
        %max3A_1817 = arith.maximumf %max3A_1810, %get3A_1816 : vector<16xf32>
        %add3A_1818 = arith.constant 4 : i32
        %add3A_1819 = arith.addi %mul3A_40, %add3A_1818 : i32
        %get3A_1820 = arith.index_cast %add3A_1819 : i32 to index
        %get3A_1821 = arith.constant 240 : index
        %get3A_1822 = tpu.vector_load %arg9[%get3A_1820, %get3A_1821] {strides = array<i32>} : memref<128x256xf32, #tpu.memory_space<vmem>>, vector<1x16xf32>,
        %get3A_1823 = vector.shape_cast %get3A_1822 : vector<1x16xf32> to vector<16xf32>
        %max3A_1824 = arith.maximumf %max3A_1817, %get3A_1823 : vector<16xf32>
        %add3A_1825 = arith.constant 5 : i32
        %add3A_1826 = arith.addi %mul3A_40, %add3A_1825 : i32
        %get3A_1827 = arith.index_cast %add3A_1826 : i32 to index
        %get3A_1828 = arith.constant 240 : index
        %get3A_1829 = tpu.vector_load %arg9[%get3A_1827, %get3A_1828] {strides = array<i32>} : memref<128x256xf32, #tpu.memory_space<vmem>>, vector<1x16xf32>,
        %get3A_1830 = vector.shape_cast %get3A_1829 : vector<1x16xf32> to vector<16xf32>
        %max3A_1831 = arith.maximumf %max3A_1824, %get3A_1830 : vector<16xf32>
        %add3A_1832 = arith.constant 6 : i32
        %add3A_1833 = arith.addi %mul3A_40, %add3A_1832 : i32
        %get3A_1834 = arith.index_cast %add3A_1833 : i32 to index
        %get3A_1835 = arith.constant 240 : index
        %get3A_1836 = tpu.vector_load %arg9[%get3A_1834, %get3A_1835] {strides = array<i32>} : memref<128x256xf32, #tpu.memory_space<vmem>>, vector<1x16xf32>,
        %get3A_1837 = vector.shape_cast %get3A_1836 : vector<1x16xf32> to vector<16xf32>
        %max3A_1838 = arith.maximumf %max3A_1831, %get3A_1837 : vector<16xf32>
        %add3A_1839 = arith.constant 7 : i32
        %add3A_1840 = arith.addi %mul3A_40, %add3A_1839 : i32
        %get3A_1841 = arith.index_cast %add3A_1840 : i32 to index
        %get3A_1842 = arith.constant 240 : index
        %get3A_1843 = tpu.vector_load %arg9[%get3A_1841, %get3A_1842] {strides = array<i32>} : memref<128x256xf32, #tpu.memory_space<vmem>>, vector<1x16xf32>,
        %get3A_1844 = vector.shape_cast %get3A_1843 : vector<1x16xf32> to vector<16xf32>
        %max3A_1845 = arith.maximumf %max3A_1838, %get3A_1844 : vector<16xf32>
        %add3A_1846 = arith.constant 8 : i32
        %add3A_1847 = arith.addi %mul3A_40, %add3A_1846 : i32
        %get3A_1848 = arith.index_cast %add3A_1847 : i32 to index
        %get3A_1849 = arith.constant 240 : index
        %get3A_1850 = tpu.vector_load %arg9[%get3A_1848, %get3A_1849] {strides = array<i32>} : memref<128x256xf32, #tpu.memory_space<vmem>>, vector<1x16xf32>,
        %get3A_1851 = vector.shape_cast %get3A_1850 : vector<1x16xf32> to vector<16xf32>
        %max3A_1852 = arith.maximumf %max3A_1845, %get3A_1851 : vector<16xf32>
        %add3A_1853 = arith.constant 9 : i32
        %add3A_1854 = arith.addi %mul3A_40, %add3A_1853 : i32
        %get3A_1855 = arith.index_cast %add3A_1854 : i32 to index
        %get3A_1856 = arith.constant 240 : index
        %get3A_1857 = tpu.vector_load %arg9[%get3A_1855, %get3A_1856] {strides = array<i32>} : memref<128x256xf32, #tpu.memory_space<vmem>>, vector<1x16xf32>,
        %get3A_1858 = vector.shape_cast %get3A_1857 : vector<1x16xf32> to vector<16xf32>
        %max3A_1859 = arith.maximumf %max3A_1852, %get3A_1858 : vector<16xf32>
        %add3A_1860 = arith.constant 10 : i32
        %add3A_1861 = arith.addi %mul3A_40, %add3A_1860 : i32
        %get3A_1862 = arith.index_cast %add3A_1861 : i32 to index
        %get3A_1863 = arith.constant 240 : index
        %get3A_1864 = tpu.vector_load %arg9[%get3A_1862, %get3A_1863] {strides = array<i32>} : memref<128x256xf32, #tpu.memory_space<vmem>>, vector<1x16xf32>,
        %get3A_1865 = vector.shape_cast %get3A_1864 : vector<1x16xf32> to vector<16xf32>
        %max3A_1866 = arith.maximumf %max3A_1859, %get3A_1865 : vector<16xf32>
        %add3A_1867 = arith.constant 11 : i32
        %add3A_1868 = arith.addi %mul3A_40, %add3A_1867 : i32
        %get3A_1869 = arith.index_cast %add3A_1868 : i32 to index
        %get3A_1870 = arith.constant 240 : index
        %get3A_1871 = tpu.vector_load %arg9[%get3A_1869, %get3A_1870] {strides = array<i32>} : memref<128x256xf32, #tpu.memory_space<vmem>>, vector<1x16xf32>,
        %get3A_1872 = vector.shape_cast %get3A_1871 : vector<1x16xf32> to vector<16xf32>
        %max3A_1873 = arith.maximumf %max3A_1866, %get3A_1872 : vector<16xf32>
        %add3A_1874 = arith.constant 12 : i32
        %add3A_1875 = arith.addi %mul3A_40, %add3A_1874 : i32
        %get3A_1876 = arith.index_cast %add3A_1875 : i32 to index
        %get3A_1877 = arith.constant 240 : index
        %get3A_1878 = tpu.vector_load %arg9[%get3A_1876, %get3A_1877] {strides = array<i32>} : memref<128x256xf32, #tpu.memory_space<vmem>>, vector<1x16xf32>,
        %get3A_1879 = vector.shape_cast %get3A_1878 : vector<1x16xf32> to vector<16xf32>
        %max3A_1880 = arith.maximumf %max3A_1873, %get3A_1879 : vector<16xf32>
        %add3A_1881 = arith.constant 13 : i32
        %add3A_1882 = arith.addi %mul3A_40, %add3A_1881 : i32
        %get3A_1883 = arith.index_cast %add3A_1882 : i32 to index
        %get3A_1884 = arith.constant 240 : index
        %get3A_1885 = tpu.vector_load %arg9[%get3A_1883, %get3A_1884] {strides = array<i32>} : memref<128x256xf32, #tpu.memory_space<vmem>>, vector<1x16xf32>,
        %get3A_1886 = vector.shape_cast %get3A_1885 : vector<1x16xf32> to vector<16xf32>
        %max3A_1887 = arith.maximumf %max3A_1880, %get3A_1886 : vector<16xf32>
        %add3A_1888 = arith.constant 14 : i32
        %add3A_1889 = arith.addi %mul3A_40, %add3A_1888 : i32
        %get3A_1890 = arith.index_cast %add3A_1889 : i32 to index
        %get3A_1891 = arith.constant 240 : index
        %get3A_1892 = tpu.vector_load %arg9[%get3A_1890, %get3A_1891] {strides = array<i32>} : memref<128x256xf32, #tpu.memory_space<vmem>>, vector<1x16xf32>,
        %get3A_1893 = vector.shape_cast %get3A_1892 : vector<1x16xf32> to vector<16xf32>
        %max3A_1894 = arith.maximumf %max3A_1887, %get3A_1893 : vector<16xf32>
        %add3A_1895 = arith.constant 15 : i32
        %add3A_1896 = arith.addi %mul3A_40, %add3A_1895 : i32
        %get3A_1897 = arith.index_cast %add3A_1896 : i32 to index
        %get3A_1898 = arith.constant 240 : index
        %get3A_1899 = tpu.vector_load %arg9[%get3A_1897, %get3A_1898] {strides = array<i32>} : memref<128x256xf32, #tpu.memory_space<vmem>>, vector<1x16xf32>,
        %get3A_1900 = vector.shape_cast %get3A_1899 : vector<1x16xf32> to vector<16xf32>
        %max3A_1901 = arith.maximumf %max3A_1894, %get3A_1900 : vector<16xf32>
        %mul3A_1902 = arith.constant 8 : i32
        %mul3A_1903 = arith.muli %scan3A_15, %mul3A_1902 : i32
        %add3A_1904 = arith.addi %mul3A_1903, %scan3A_37 : i32
        %swap3A_1905 = arith.index_cast %add3A_1904 : i32 to index
        %swap3A_1906 = arith.constant 240 : index
        %swap3A_1907 = tpu.vector_load %arg10[%swap3A_1905, %swap3A_1906] {strides = array<i32>} : memref<128x256xf32, #tpu.memory_space<vmem>>, vector<1x16xf32>,
        %swap3A_1908 = vector.shape_cast %swap3A_1907 : vector<1x16xf32> to vector<16xf32>
        %swap3A_1909 = vector.shape_cast %max3A_1901 : vector<16xf32> to vector<1x16xf32>
        tpu.vector_store %arg10[%swap3A_1905, %swap3A_1906], %swap3A_1909 {strides = array<i32>} : memref<128x256xf32, #tpu.memory_space<vmem>>, vector<1x16xf32>,
        %scan3A_1910 = arith.constant 0 : i32
        scf.yield %scan3A_1910 : i32
      }
      %scan3A_35 = arith.constant 8 : i32
      %scan3A_36 = arith.constant 0 : i32
      scf.yield %scan3A_36 : i32
    }
    %scan3A_12 = arith.constant 16 : i32
    %dma_wait3A = arith.constant 0 : i32
    %dma_wait3A_13 = arith.constant 0 : i32
    %dma_wait3A_14 = tpu.memref_slice %arg5[%dma_wait3A, %dma_wait3A_13] : memref<16384x128xf32, #tpu.memory_space<hbm>> -> memref<16384x128xf32, #tpu.memory_space<hbm>>
    tpu.wait_indirect_dma semaphore(%arg14 : memref<!tpu.dma_semaphore, #tpu.memory_space<semaphore_mem>>) src(%dma_wait3A_14 : memref<16384x128xf32, #tpu.memory_space<hbm>>) dst(%arg12 : memref<128x128xf32, #tpu.memory_space<vmem>>)
    "tpu.region"() ({
      %run_scoped3A = tpu.sem_alloc : memref<!tpu.dma_semaphore, #tpu.memory_space<semaphore_mem>>
      %dma_start3A_15 = arith.constant 0 : i32
      %dma_start3A_16 = tpu.memref_slice %arg6[%mul3A_2, %dma_start3A_15] : memref<4096x256xf32, #tpu.memory_space<hbm>> -> memref<128x256xf32, #tpu.memory_space<hbm>>
      %dma_start3A_17 = arith.constant 0 : i32
      %dma_start3A_18 = tpu.memref_slice %arg6[%mul3A_2, %dma_start3A_17] : memref<4096x256xf32, #tpu.memory_space<hbm>> -> memref<128x256xf32, #tpu.memory_space<hbm>>
      tpu.enqueue_dma source(%arg10 : memref<128x256xf32, #tpu.memory_space<vmem>>) target(%dma_start3A_18 : memref<128x256xf32, #tpu.memory_space<hbm>>) target_semaphore(%run_scoped3A : memref<!tpu.dma_semaphore, #tpu.memory_space<semaphore_mem>>)
      %dma_wait3A_19 = arith.constant 0 : i32
      %dma_wait3A_20 = tpu.memref_slice %arg6[%mul3A_2, %dma_wait3A_19] : memref<4096x256xf32, #tpu.memory_space<hbm>> -> memref<128x256xf32, #tpu.memory_space<hbm>>
      %dma_wait3A_21 = arith.constant 0 : i32
      %dma_wait3A_22 = tpu.memref_slice %arg6[%mul3A_2, %dma_wait3A_21] : memref<4096x256xf32, #tpu.memory_space<hbm>> -> memref<128x256xf32, #tpu.memory_space<hbm>>
      tpu.wait_dma2 semaphore(%run_scoped3A : memref<!tpu.dma_semaphore, #tpu.memory_space<semaphore_mem>>) src(%arg10 : memref<128x256xf32, #tpu.memory_space<vmem>>) dst(%dma_wait3A_22 : memref<128x256xf32, #tpu.memory_space<hbm>>)
      tpu.yield
    }) : () -> ()
    "tpu.region"() ({
      %run_scoped3A = tpu.sem_alloc : memref<!tpu.dma_semaphore, #tpu.memory_space<semaphore_mem>>
      %dma_start3A_15 = arith.constant 0 : i32
      %dma_start3A_16 = tpu.memref_slice %arg7[%mul3A_2, %dma_start3A_15] : memref<4096x128xf32, #tpu.memory_space<hbm>> -> memref<128x128xf32, #tpu.memory_space<hbm>>
      %dma_start3A_17 = arith.constant 0 : i32
      %dma_start3A_18 = tpu.memref_slice %arg7[%mul3A_2, %dma_start3A_17] : memref<4096x128xf32, #tpu.memory_space<hbm>> -> memref<128x128xf32, #tpu.memory_space<hbm>>
      tpu.enqueue_dma source(%arg12 : memref<128x128xf32, #tpu.memory_space<vmem>>) target(%dma_start3A_18 : memref<128x128xf32, #tpu.memory_space<hbm>>) target_semaphore(%run_scoped3A : memref<!tpu.dma_semaphore, #tpu.memory_space<semaphore_mem>>)
      %dma_wait3A_19 = arith.constant 0 : i32
      %dma_wait3A_20 = tpu.memref_slice %arg7[%mul3A_2, %dma_wait3A_19] : memref<4096x128xf32, #tpu.memory_space<hbm>> -> memref<128x128xf32, #tpu.memory_space<hbm>>
      %dma_wait3A_21 = arith.constant 0 : i32
      %dma_wait3A_22 = tpu.memref_slice %arg7[%mul3A_2, %dma_wait3A_21] : memref<4096x128xf32, #tpu.memory_space<hbm>> -> memref<128x128xf32, #tpu.memory_space<hbm>>
      tpu.wait_dma2 semaphore(%run_scoped3A : memref<!tpu.dma_semaphore, #tpu.memory_space<semaphore_mem>>) src(%arg12 : memref<128x128xf32, #tpu.memory_space<vmem>>) dst(%dma_wait3A_22 : memref<128x128xf32, #tpu.memory_space<hbm>>)
      tpu.yield
    }) : () -> ()
    return
  }
}

module attributes {stable_mosaic.version = 14 : i64} {
  func.func @_fps_body(%arg0: memref<4x3x8x512xf32, #tpu.memory_space<vmem>>, %arg1: memref<4x8x128xi32, #tpu.memory_space<vmem>>) attributes {dimension_semantics = [], scalar_prefetch = 0 : i64, scratch_operands = 0 : i64, tpu.core_type = #tpu.core_type<tc>} {
    %get3A = arith.constant 0 : index
    %get3A_0 = arith.constant 0 : index
    %get3A_1 = arith.constant 0 : index
    %get3A_2 = arith.constant 0 : index
    %get3A_3 = vector.load %arg0[%get3A, %get3A_0, %get3A_1, %get3A_2] : memref<4x3x8x512xf32, #tpu.memory_space<vmem>>, vector<4x3x8x512xf32>
    %iota3A = tpu.iota {dimensions = array<i32: 1>} : vector<4x8x512xi32>
    %mul3A = arith.constant 512 : i32
    %mul3A_4 = vector.broadcast %mul3A : i32 to vector<4x8x512xi32>
    %mul3A_5 = arith.muli %iota3A, %mul3A_4 : vector<4x8x512xi32>
    %iota3A_6 = tpu.iota {dimensions = array<i32: 2>} : vector<4x8x512xi32>
    %add3A = arith.addi %mul3A_5, %iota3A_6 : vector<4x8x512xi32>
    %iota3A_7 = tpu.iota {dimensions = array<i32: 1>} : vector<4x8x128xi32>
    %mul3A_8 = arith.constant 128 : i32
    %mul3A_9 = vector.broadcast %mul3A_8 : i32 to vector<4x8x128xi32>
    %mul3A_10 = arith.muli %iota3A_7, %mul3A_9 : vector<4x8x128xi32>
    %iota3A_11 = tpu.iota {dimensions = array<i32: 2>} : vector<4x8x128xi32>
    %add3A_12 = arith.addi %mul3A_10, %iota3A_11 : vector<4x8x128xi32>
    %broadcast_in_dim3A = arith.constant 0x7F800000 : f32
    %broadcast_in_dim3A_13 = vector.broadcast %broadcast_in_dim3A : f32 to vector<4x8x512xf32>
    %broadcast_in_dim3A_14 = arith.constant 0 : i32
    %broadcast_in_dim3A_15 = vector.broadcast %broadcast_in_dim3A_14 : i32 to vector<4x8x128xi32>
    %broadcast_in_dim3A_16 = arith.constant 0 : i32
    %broadcast_in_dim3A_17 = vector.broadcast %broadcast_in_dim3A_16 : i32 to vector<4x1x1xi32>
    %scan3A = arith.constant 1 : i32
    %scan3A_18 = arith.constant 1023 : i32
    %scan3A_19 = arith.addi %scan3A, %scan3A_18 : i32
    %scan3A_20 = arith.constant 1 : i32
    %scan3A_21:3 = scf.for %scan3A_26 = %scan3A to %scan3A_19 step %scan3A_20 iter_args(%scan3A_27 = %broadcast_in_dim3A_13, %scan3A_28 = %broadcast_in_dim3A_15, %scan3A_29 = %broadcast_in_dim3A_17) -> (vector<4x8x512xf32>, vector<4x8x128xi32>, vector<4x1x1xi32>)  : i32 {
      %eq3A = vector.broadcast %scan3A_29 : vector<4x1x1xi32> to vector<4x8x512xi32>
      %eq3A_30 = arith.cmpi eq, %add3A, %eq3A : vector<4x8x512xi32>
      %broadcast_in_dim3A_31 = vector.shape_cast %eq3A_30 : vector<4x8x512xi1> to vector<4x1x8x512xi1>
      %jit3A = arith.constant 0.000000e+00 : f32
      %broadcast_in_dim3A_32 = vector.shape_cast %broadcast_in_dim3A_31 : vector<4x1x8x512xi1> to vector<4x1x8x512xi1>
      %broadcast_in_dim3A_33 = vector.broadcast %broadcast_in_dim3A_32 : vector<4x1x8x512xi1> to vector<4x3x8x512xi1>
      %broadcast_in_dim3A_34 = vector.broadcast %jit3A : f32 to vector<4x3x8x512xf32>
      %select_n3A = arith.select %broadcast_in_dim3A_33, %get3A_3, %broadcast_in_dim3A_34 : vector<4x3x8x512xi1>, vector<4x3x8x512xf32>
      %reduce_sum3A = arith.constant dense<0.000000e+00> : vector<4x3xf32>
      %reduce_sum3A_35 = vector.multi_reduction <add>, %select_n3A, %reduce_sum3A [2, 3] : vector<4x3x8x512xf32> to vector<4x3xf32>
      %broadcast_in_dim3A_36 = vector.shape_cast %reduce_sum3A_35 : vector<4x3xf32> to vector<4x3x1x1xf32>
      %sub3A = vector.broadcast %broadcast_in_dim3A_36 : vector<4x3x1x1xf32> to vector<4x3x8x512xf32>
      %sub3A_37 = arith.subf %get3A_3, %sub3A : vector<4x3x8x512xf32>
      %mul3A_38 = arith.mulf %sub3A_37, %sub3A_37 : vector<4x3x8x512xf32>
      %slice3A = vector.extract_strided_slice %mul3A_38 {offsets = [0, 0, 0, 0], sizes = [4, 1, 8, 512], strides = [1, 1, 1, 1]} : vector<4x3x8x512xf32> to vector<4x1x8x512xf32>
      %squeeze3A = vector.shape_cast %slice3A : vector<4x1x8x512xf32> to vector<4x8x512xf32>
      %slice3A_39 = vector.extract_strided_slice %mul3A_38 {offsets = [0, 1, 0, 0], sizes = [4, 1, 8, 512], strides = [1, 1, 1, 1]} : vector<4x3x8x512xf32> to vector<4x1x8x512xf32>
      %squeeze3A_40 = vector.shape_cast %slice3A_39 : vector<4x1x8x512xf32> to vector<4x8x512xf32>
      %add3A_41 = arith.addf %squeeze3A, %squeeze3A_40 : vector<4x8x512xf32>
      %slice3A_42 = vector.extract_strided_slice %mul3A_38 {offsets = [0, 2, 0, 0], sizes = [4, 1, 8, 512], strides = [1, 1, 1, 1]} : vector<4x3x8x512xf32> to vector<4x1x8x512xf32>
      %squeeze3A_43 = vector.shape_cast %slice3A_42 : vector<4x1x8x512xf32> to vector<4x8x512xf32>
      %add3A_44 = arith.addf %add3A_41, %squeeze3A_43 : vector<4x8x512xf32>
      %min3A = arith.minimumf %scan3A_27, %add3A_44 : vector<4x8x512xf32>
      %reduce_max3A = arith.constant dense<0xFF800000> : vector<4xf32>
      %reduce_max3A_45 = vector.multi_reduction <maximumf>, %min3A, %reduce_max3A [1, 2] : vector<4x8x512xf32> to vector<4xf32>
      %broadcast_in_dim3A_46 = vector.shape_cast %reduce_max3A_45 : vector<4xf32> to vector<4x1x1xf32>
      %eq3A_47 = vector.broadcast %broadcast_in_dim3A_46 : vector<4x1x1xf32> to vector<4x8x512xf32>
      %eq3A_48 = arith.cmpf oeq, %min3A, %eq3A_47 : vector<4x8x512xf32>
      %jit3A_49 = arith.constant 4096 : i32
      %broadcast_in_dim3A_50 = vector.broadcast %jit3A_49 : i32 to vector<4x8x512xi32>
      %select_n3A_51 = arith.select %eq3A_48, %add3A, %broadcast_in_dim3A_50 : vector<4x8x512xi1>, vector<4x8x512xi32>
      %reduce_min3A = arith.constant dense<2147483647> : vector<4xi32>
      %reduce_min3A_52 = vector.multi_reduction <minsi>, %select_n3A_51, %reduce_min3A [1, 2] : vector<4x8x512xi32> to vector<4xi32>
      %broadcast_in_dim3A_53 = vector.shape_cast %reduce_min3A_52 : vector<4xi32> to vector<4x1x1xi32>
      %eq3A_54 = vector.broadcast %scan3A_26 : i32 to vector<4x8x128xi32>
      %eq3A_55 = arith.cmpi eq, %add3A_12, %eq3A_54 : vector<4x8x128xi32>
      %broadcast_in_dim3A_56 = vector.shape_cast %broadcast_in_dim3A_53 : vector<4x1x1xi32> to vector<4x1x1xi32>
      %broadcast_in_dim3A_57 = vector.broadcast %broadcast_in_dim3A_56 : vector<4x1x1xi32> to vector<4x8x128xi32>
      %select_n3A_58 = arith.select %eq3A_55, %broadcast_in_dim3A_57, %scan3A_28 : vector<4x8x128xi1>, vector<4x8x128xi32>
      scf.yield %min3A, %select_n3A_58, %broadcast_in_dim3A_53 : vector<4x8x512xf32>, vector<4x8x128xi32>, vector<4x1x1xi32>
    }
    %scan3A_22 = arith.constant 1023 : i32
    %swap3A = arith.constant 0 : index
    %swap3A_23 = arith.constant 0 : index
    %swap3A_24 = arith.constant 0 : index
    %swap3A_25 = vector.load %arg1[%swap3A, %swap3A_23, %swap3A_24] : memref<4x8x128xi32, #tpu.memory_space<vmem>>, vector<4x8x128xi32>
    tpu.vector_store %arg1[%swap3A, %swap3A_23, %swap3A_24], %scan3A_21#1 {strides = array<i32>} : memref<4x8x128xi32, #tpu.memory_space<vmem>>, vector<4x8x128xi32>,
    return
  }
}

module attributes {stable_mosaic.version = 14 : i64} {
  func.func @_linstat_body(%arg0: i32, %arg1: memref<2048x128xf32, #tpu.memory_space<vmem>>, %arg2: memref<128x256xf32, #tpu.memory_space<vmem>>, %arg3: memref<1x256xf32, #tpu.memory_space<vmem>>, %arg4: memref<1x256xf32, #tpu.memory_space<vmem>>, %arg5: memref<1x256xf32, #tpu.memory_space<vmem>>, %arg6: memref<2048x256xf32, #tpu.memory_space<vmem>>, %arg7: memref<1x256xf32, #tpu.memory_space<vmem>>, %arg8: memref<1x256xf32, #tpu.memory_space<vmem>>, %arg9: memref<1x256xf32, #tpu.memory_space<vmem>>, %arg10: memref<1x256xf32, #tpu.memory_space<vmem>>) attributes {dimension_semantics = [#tpu.dimension_semantics<arbitrary>], iteration_bounds = array<i64: 8>, scalar_prefetch = 0 : i64, scratch_operands = 2 : i64, tpu.core_type = #tpu.core_type<tc>, window_params = [{transform_indices = @transform_0, window_bounds = array<i64: 2048, 128>}, {pipeline_mode = #tpu.pipeline_mode<synchronous>, transform_indices = @transform_1, window_bounds = array<i64: 128, 256>}, {pipeline_mode = #tpu.pipeline_mode<synchronous>, transform_indices = @transform_2, window_bounds = array<i64: 1, 256>}, {pipeline_mode = #tpu.pipeline_mode<synchronous>, transform_indices = @transform_3, window_bounds = array<i64: 1, 256>}, {pipeline_mode = #tpu.pipeline_mode<synchronous>, transform_indices = @transform_4, window_bounds = array<i64: 1, 256>}, {transform_indices = @transform_5, window_bounds = array<i64: 2048, 256>}, {pipeline_mode = #tpu.pipeline_mode<synchronous>, transform_indices = @transform_6, window_bounds = array<i64: 1, 256>}, {pipeline_mode = #tpu.pipeline_mode<synchronous>, transform_indices = @transform_7, window_bounds = array<i64: 1, 256>}]} {
    %get3A = arith.constant 0 : index
    %get3A_0 = arith.constant 0 : index
    %get3A_1 = vector.load %arg1[%get3A, %get3A_0] : memref<2048x128xf32, #tpu.memory_space<vmem>>, vector<2048x128xf32>
    %get3A_2 = arith.constant 0 : index
    %get3A_3 = arith.constant 0 : index
    %get3A_4 = vector.load %arg2[%get3A_2, %get3A_3] : memref<128x256xf32, #tpu.memory_space<vmem>>, vector<128x256xf32>
    %dot_general3A = arith.constant dense<0.000000e+00> : vector<2048x256xf32>
    %dot_general3A_5 = tpu.matmul %get3A_1, %get3A_4, %dot_general3A {dimension_numbers = #tpu.dot_dimension_numbers<[1], [0], [0], [1], [0, 0, 1, 1], [], []>, transpose_lhs_hint = false} : vector<2048x128xf32>, vector<128x256xf32>, vector<2048x256xf32> -> vector<2048x256xf32>
    %get3A_6 = arith.constant 0 : index
    %get3A_7 = arith.constant 0 : index
    %get3A_8 = vector.load %arg3[%get3A_6, %get3A_7] : memref<1x256xf32, #tpu.memory_space<vmem>>, vector<1x256xf32>
    %add3A = vector.broadcast %get3A_8 : vector<1x256xf32> to vector<2048x256xf32>
    %add3A_9 = arith.addf %dot_general3A_5, %add3A : vector<2048x256xf32>
    %swap3A = arith.constant 0 : index
    %swap3A_10 = arith.constant 0 : index
    %swap3A_11 = vector.load %arg6[%swap3A, %swap3A_10] : memref<2048x256xf32, #tpu.memory_space<vmem>>, vector<2048x256xf32>
    tpu.vector_store %arg6[%swap3A, %swap3A_10], %add3A_9 {strides = array<i32>} : memref<2048x256xf32, #tpu.memory_space<vmem>>, vector<2048x256xf32>,
    %broadcast_in_dim3A = arith.constant 1.000000e+00 : f32
    %broadcast_in_dim3A_12 = vector.broadcast %broadcast_in_dim3A : f32 to vector<1x2048xf32>
    %dot_general3A_13 = arith.constant dense<0.000000e+00> : vector<1x256xf32>
    %dot_general3A_14 = tpu.matmul %broadcast_in_dim3A_12, %add3A_9, %dot_general3A_13 {dimension_numbers = #tpu.dot_dimension_numbers<[1], [0], [0], [1], [0, 0, 1, 1], [], []>, transpose_lhs_hint = false} : vector<1x2048xf32>, vector<2048x256xf32>, vector<1x256xf32> -> vector<1x256xf32>
    %mul3A = arith.mulf %add3A_9, %add3A_9 : vector<2048x256xf32>
    %dot_general3A_15 = arith.constant dense<0.000000e+00> : vector<1x256xf32>
    %dot_general3A_16 = tpu.matmul %broadcast_in_dim3A_12, %mul3A, %dot_general3A_15 {dimension_numbers = #tpu.dot_dimension_numbers<[1], [0], [0], [1], [0, 0, 1, 1], [], []>, transpose_lhs_hint = false} : vector<1x2048xf32>, vector<2048x256xf32>, vector<1x256xf32> -> vector<1x256xf32>
    %eq3A = arith.constant 0 : i32
    %eq3A_17 = arith.cmpi eq, %arg0, %eq3A : i32
    %convert_element_type3A = arith.extui %eq3A_17 : i1 to i32
    %cond3A = arith.constant 0 : i32
    %cond3A_18 = arith.cmpi ne, %convert_element_type3A, %cond3A : i32
    scf.if %cond3A_18 {
      %swap3A_28 = arith.constant 0 : index
      %swap3A_29 = arith.constant 0 : index
      %swap3A_30 = vector.load %arg9[%swap3A_28, %swap3A_29] : memref<1x256xf32, #tpu.memory_space<vmem>>, vector<1x256xf32>
      tpu.vector_store %arg9[%swap3A_28, %swap3A_29], %dot_general3A_14 {strides = array<i32>} : memref<1x256xf32, #tpu.memory_space<vmem>>, vector<1x256xf32>,
      %swap3A_31 = arith.constant 0 : index
      %swap3A_32 = arith.constant 0 : index
      %swap3A_33 = vector.load %arg10[%swap3A_31, %swap3A_32] : memref<1x256xf32, #tpu.memory_space<vmem>>, vector<1x256xf32>
      tpu.vector_store %arg10[%swap3A_31, %swap3A_32], %dot_general3A_16 {strides = array<i32>} : memref<1x256xf32, #tpu.memory_space<vmem>>, vector<1x256xf32>,
    } else {
    }
    %gt3A = arith.constant 0 : i32
    %gt3A_19 = arith.cmpi sgt, %arg0, %gt3A : i32
    %convert_element_type3A_20 = arith.extui %gt3A_19 : i1 to i32
    %cond3A_21 = arith.constant 0 : i32
    %cond3A_22 = arith.cmpi ne, %convert_element_type3A_20, %cond3A_21 : i32
    scf.if %cond3A_22 {
      %get3A_28 = arith.constant 0 : index
      %get3A_29 = arith.constant 0 : index
      %get3A_30 = vector.load %arg9[%get3A_28, %get3A_29] : memref<1x256xf32, #tpu.memory_space<vmem>>, vector<1x256xf32>
      %add3A_31 = arith.addf %get3A_30, %dot_general3A_14 : vector<1x256xf32>
      %swap3A_32 = arith.constant 0 : index
      %swap3A_33 = arith.constant 0 : index
      %swap3A_34 = vector.load %arg9[%swap3A_32, %swap3A_33] : memref<1x256xf32, #tpu.memory_space<vmem>>, vector<1x256xf32>
      tpu.vector_store %arg9[%swap3A_32, %swap3A_33], %add3A_31 {strides = array<i32>} : memref<1x256xf32, #tpu.memory_space<vmem>>, vector<1x256xf32>,
      %get3A_35 = arith.constant 0 : index
      %get3A_36 = arith.constant 0 : index
      %get3A_37 = vector.load %arg10[%get3A_35, %get3A_36] : memref<1x256xf32, #tpu.memory_space<vmem>>, vector<1x256xf32>
      %add3A_38 = arith.addf %get3A_37, %dot_general3A_16 : vector<1x256xf32>
      %swap3A_39 = arith.constant 0 : index
      %swap3A_40 = arith.constant 0 : index
      %swap3A_41 = vector.load %arg10[%swap3A_39, %swap3A_40] : memref<1x256xf32, #tpu.memory_space<vmem>>, vector<1x256xf32>
      tpu.vector_store %arg10[%swap3A_39, %swap3A_40], %add3A_38 {strides = array<i32>} : memref<1x256xf32, #tpu.memory_space<vmem>>, vector<1x256xf32>,
    } else {
    }
    %eq3A_23 = arith.constant 7 : i32
    %eq3A_24 = arith.cmpi eq, %arg0, %eq3A_23 : i32
    %convert_element_type3A_25 = arith.extui %eq3A_24 : i1 to i32
    %cond3A_26 = arith.constant 0 : i32
    %cond3A_27 = arith.cmpi ne, %convert_element_type3A_25, %cond3A_26 : i32
    scf.if %cond3A_27 {
      %get3A_28 = arith.constant 0 : index
      %get3A_29 = arith.constant 0 : index
      %get3A_30 = vector.load %arg9[%get3A_28, %get3A_29] : memref<1x256xf32, #tpu.memory_space<vmem>>, vector<1x256xf32>
      %div3A = arith.constant 1.638400e+04 : f32
      %div3A_31 = vector.broadcast %div3A : f32 to vector<1x256xf32>
      %div3A_32 = arith.divf %get3A_30, %div3A_31 : vector<1x256xf32>
      %get3A_33 = arith.constant 0 : index
      %get3A_34 = arith.constant 0 : index
      %get3A_35 = vector.load %arg10[%get3A_33, %get3A_34] : memref<1x256xf32, #tpu.memory_space<vmem>>, vector<1x256xf32>
      %div3A_36 = arith.constant 1.638400e+04 : f32
      %div3A_37 = vector.broadcast %div3A_36 : f32 to vector<1x256xf32>
      %div3A_38 = arith.divf %get3A_35, %div3A_37 : vector<1x256xf32>
      %mul3A_39 = arith.mulf %div3A_32, %div3A_32 : vector<1x256xf32>
      %sub3A = arith.subf %div3A_38, %mul3A_39 : vector<1x256xf32>
      %get3A_40 = arith.constant 0 : index
      %get3A_41 = arith.constant 0 : index
      %get3A_42 = vector.load %arg4[%get3A_40, %get3A_41] : memref<1x256xf32, #tpu.memory_space<vmem>>, vector<1x256xf32>
      %add3A_43 = arith.constant 9.99999974E-6 : f32
      %add3A_44 = vector.broadcast %add3A_43 : f32 to vector<1x256xf32>
      %add3A_45 = arith.addf %sub3A, %add3A_44 : vector<1x256xf32>
      %rsqrt3A = math.rsqrt %add3A_45 : vector<1x256xf32>
      %mul3A_46 = arith.mulf %get3A_42, %rsqrt3A : vector<1x256xf32>
      %swap3A_47 = arith.constant 0 : index
      %swap3A_48 = arith.constant 0 : index
      %swap3A_49 = vector.load %arg7[%swap3A_47, %swap3A_48] : memref<1x256xf32, #tpu.memory_space<vmem>>, vector<1x256xf32>
      tpu.vector_store %arg7[%swap3A_47, %swap3A_48], %mul3A_46 {strides = array<i32>} : memref<1x256xf32, #tpu.memory_space<vmem>>, vector<1x256xf32>,
      %get3A_50 = arith.constant 0 : index
      %get3A_51 = arith.constant 0 : index
      %get3A_52 = vector.load %arg5[%get3A_50, %get3A_51] : memref<1x256xf32, #tpu.memory_space<vmem>>, vector<1x256xf32>
      %mul3A_53 = arith.mulf %div3A_32, %mul3A_46 : vector<1x256xf32>
      %sub3A_54 = arith.subf %get3A_52, %mul3A_53 : vector<1x256xf32>
      %swap3A_55 = arith.constant 0 : index
      %swap3A_56 = arith.constant 0 : index
      %swap3A_57 = vector.load %arg8[%swap3A_55, %swap3A_56] : memref<1x256xf32, #tpu.memory_space<vmem>>, vector<1x256xf32>
      tpu.vector_store %arg8[%swap3A_55, %swap3A_56], %sub3A_54 {strides = array<i32>} : memref<1x256xf32, #tpu.memory_space<vmem>>, vector<1x256xf32>,
    } else {
    }
    return
  }
  func.func @transform_0(%arg0: i32) -> (i32, i32) {
    %c0_i32 = arith.constant 0 : i32
    %c0_i32_0 = arith.constant 0 : i32
    return %arg0, %c0_i32 : i32, i32
  }
  func.func @transform_1(%arg0: i32) -> (i32, i32) {
    %c0_i32 = arith.constant 0 : i32
    %c0_i32_0 = arith.constant 0 : i32
    %c0_i32_1 = arith.constant 0 : i32
    return %c0_i32, %c0_i32_0 : i32, i32
  }
  func.func @transform_2(%arg0: i32) -> (i32, i32) {
    %c0_i32 = arith.constant 0 : i32
    %c0_i32_0 = arith.constant 0 : i32
    %c0_i32_1 = arith.constant 0 : i32
    return %c0_i32, %c0_i32_0 : i32, i32
  }
  func.func @transform_3(%arg0: i32) -> (i32, i32) {
    %c0_i32 = arith.constant 0 : i32
    %c0_i32_0 = arith.constant 0 : i32
    %c0_i32_1 = arith.constant 0 : i32
    return %c0_i32, %c0_i32_0 : i32, i32
  }
  func.func @transform_4(%arg0: i32) -> (i32, i32) {
    %c0_i32 = arith.constant 0 : i32
    %c0_i32_0 = arith.constant 0 : i32
    %c0_i32_1 = arith.constant 0 : i32
    return %c0_i32, %c0_i32_0 : i32, i32
  }
  func.func @transform_5(%arg0: i32) -> (i32, i32) {
    %c0_i32 = arith.constant 0 : i32
    %c0_i32_0 = arith.constant 0 : i32
    return %arg0, %c0_i32 : i32, i32
  }
  func.func @transform_6(%arg0: i32) -> (i32, i32) {
    %c0_i32 = arith.constant 0 : i32
    %c0_i32_0 = arith.constant 0 : i32
    %c0_i32_1 = arith.constant 0 : i32
    return %c0_i32, %c0_i32_0 : i32, i32
  }
  func.func @transform_7(%arg0: i32) -> (i32, i32) {
    %c0_i32 = arith.constant 0 : i32
    %c0_i32_0 = arith.constant 0 : i32
    %c0_i32_1 = arith.constant 0 : i32
    return %c0_i32, %c0_i32_0 : i32, i32
  }
}

module attributes {stable_mosaic.version = 14 : i64} {
  func.func @_norm_body(%arg0: i32, %arg1: memref<2048x256xf32, #tpu.memory_space<vmem>>, %arg2: memref<1x256xf32, #tpu.memory_space<vmem>>, %arg3: memref<1x256xf32, #tpu.memory_space<vmem>>, %arg4: memref<2048x256xf32, #tpu.memory_space<vmem>>) attributes {dimension_semantics = [#tpu.dimension_semantics<arbitrary>], iteration_bounds = array<i64: 8>, scalar_prefetch = 0 : i64, scratch_operands = 0 : i64, tpu.core_type = #tpu.core_type<tc>, window_params = [{transform_indices = @transform_0, window_bounds = array<i64: 2048, 256>}, {pipeline_mode = #tpu.pipeline_mode<synchronous>, transform_indices = @transform_1, window_bounds = array<i64: 1, 256>}, {pipeline_mode = #tpu.pipeline_mode<synchronous>, transform_indices = @transform_2, window_bounds = array<i64: 1, 256>}, {transform_indices = @transform_3, window_bounds = array<i64: 2048, 256>}]} {
    %get3A = arith.constant 0 : index
    %get3A_0 = arith.constant 0 : index
    %get3A_1 = vector.load %arg1[%get3A, %get3A_0] : memref<2048x256xf32, #tpu.memory_space<vmem>>, vector<2048x256xf32>
    %get3A_2 = arith.constant 0 : index
    %get3A_3 = arith.constant 0 : index
    %get3A_4 = vector.load %arg2[%get3A_2, %get3A_3] : memref<1x256xf32, #tpu.memory_space<vmem>>, vector<1x256xf32>
    %mul3A = vector.broadcast %get3A_4 : vector<1x256xf32> to vector<2048x256xf32>
    %mul3A_5 = arith.mulf %get3A_1, %mul3A : vector<2048x256xf32>
    %get3A_6 = arith.constant 0 : index
    %get3A_7 = arith.constant 0 : index
    %get3A_8 = vector.load %arg3[%get3A_6, %get3A_7] : memref<1x256xf32, #tpu.memory_space<vmem>>, vector<1x256xf32>
    %add3A = vector.broadcast %get3A_8 : vector<1x256xf32> to vector<2048x256xf32>
    %add3A_9 = arith.addf %mul3A_5, %add3A : vector<2048x256xf32>
    %swap3A = arith.constant 0 : index
    %swap3A_10 = arith.constant 0 : index
    %swap3A_11 = vector.load %arg4[%swap3A, %swap3A_10] : memref<2048x256xf32, #tpu.memory_space<vmem>>, vector<2048x256xf32>
    tpu.vector_store %arg4[%swap3A, %swap3A_10], %add3A_9 {strides = array<i32>} : memref<2048x256xf32, #tpu.memory_space<vmem>>, vector<2048x256xf32>,
    return
  }
  func.func @transform_0(%arg0: i32) -> (i32, i32) {
    %c0_i32 = arith.constant 0 : i32
    %c0_i32_0 = arith.constant 0 : i32
    return %arg0, %c0_i32 : i32, i32
  }
  func.func @transform_1(%arg0: i32) -> (i32, i32) {
    %c0_i32 = arith.constant 0 : i32
    %c0_i32_0 = arith.constant 0 : i32
    %c0_i32_1 = arith.constant 0 : i32
    return %c0_i32, %c0_i32_0 : i32, i32
  }
  func.func @transform_2(%arg0: i32) -> (i32, i32) {
    %c0_i32 = arith.constant 0 : i32
    %c0_i32_0 = arith.constant 0 : i32
    %c0_i32_1 = arith.constant 0 : i32
    return %c0_i32, %c0_i32_0 : i32, i32
  }
  func.func @transform_3(%arg0: i32) -> (i32, i32) {
    %c0_i32 = arith.constant 0 : i32
    %c0_i32_0 = arith.constant 0 : i32
    return %arg0, %c0_i32 : i32, i32
  }
}

module attributes {stable_mosaic.version = 14 : i64} {
  func.func @_knn_body(%arg0: i32, %arg1: i32, %arg2: memref<1x4096x128xf32, #tpu.memory_space<vmem>>, %arg3: memref<1x1x256x1xi32, #tpu.memory_space<vmem>>, %arg4: memref<1x1x4096xf32, #tpu.memory_space<vmem>>, %arg5: memref<1x1x256x128xf32, #tpu.memory_space<vmem>>, %arg6: memref<1x256x16xi32, #tpu.memory_space<vmem>>) attributes {dimension_semantics = [#tpu.dimension_semantics<arbitrary>, #tpu.dimension_semantics<arbitrary>], iteration_bounds = array<i64: 4, 4>, scalar_prefetch = 0 : i64, scratch_operands = 0 : i64, tpu.core_type = #tpu.core_type<tc>, window_params = [{transform_indices = @transform_0, window_bounds = array<i64: 1, 4096, 128>}, {transform_indices = @transform_1, window_bounds = array<i64: 1, 1, 256, 1>}, {transform_indices = @transform_2, window_bounds = array<i64: 1, 1, 4096>}, {transform_indices = @transform_3, window_bounds = array<i64: 1, 1, 256, 128>}, {transform_indices = @transform_4, window_bounds = array<i64: 1, 256, 16>}]} {
    %get3A = arith.constant 0 : index
    %get3A_0 = arith.constant 0 : index
    %get3A_1 = arith.constant 0 : index
    %get3A_2 = vector.load %arg2[%get3A, %get3A_0, %get3A_1] : memref<1x4096x128xf32, #tpu.memory_space<vmem>>, vector<1x4096x128xf32>
    %get3A_3 = vector.shape_cast %get3A_2 : vector<1x4096x128xf32> to vector<4096x128xf32>
    %get3A_4 = arith.constant 0 : index
    %get3A_5 = arith.constant 0 : index
    %get3A_6 = arith.constant 0 : index
    %get3A_7 = arith.constant 0 : index
    %get3A_8 = vector.load %arg3[%get3A_4, %get3A_5, %get3A_6, %get3A_7] : memref<1x1x256x1xi32, #tpu.memory_space<vmem>>, vector<1x1x256x1xi32>
    %get3A_9 = vector.shape_cast %get3A_8 : vector<1x1x256x1xi32> to vector<256x1xi32>
    %get3A_10 = arith.constant 0 : index
    %get3A_11 = arith.constant 0 : index
    %get3A_12 = arith.constant 0 : index
    %get3A_13 = vector.load %arg4[%get3A_10, %get3A_11, %get3A_12] : memref<1x1x4096xf32, #tpu.memory_space<vmem>>, vector<1x1x4096xf32>
    %get3A_14 = vector.shape_cast %get3A_13 : vector<1x1x4096xf32> to vector<1x4096xf32>
    %get3A_15 = arith.constant 0 : index
    %get3A_16 = arith.constant 0 : index
    %get3A_17 = arith.constant 0 : index
    %get3A_18 = arith.constant 0 : index
    %get3A_19 = vector.load %arg5[%get3A_15, %get3A_16, %get3A_17, %get3A_18] : memref<1x1x256x128xf32, #tpu.memory_space<vmem>>, vector<1x1x256x128xf32>
    %get3A_20 = vector.shape_cast %get3A_19 : vector<1x1x256x128xf32> to vector<256x128xf32>
    %iota3A = tpu.iota {dimensions = array<i32: 1>} : vector<256x4096xi32>
    %eq3A = vector.broadcast %get3A_9 : vector<256x1xi32> to vector<256x4096xi32>
    %eq3A_21 = arith.cmpi eq, %eq3A, %iota3A : vector<256x4096xi32>
    %jit3A = arith.constant 1.000000e+00 : f32
    %jit3A_22 = arith.constant 0.000000e+00 : f32
    %broadcast_in_dim3A = vector.broadcast %jit3A : f32 to vector<256x4096xf32>
    %broadcast_in_dim3A_23 = vector.broadcast %jit3A_22 : f32 to vector<256x4096xf32>
    %select_n3A = arith.select %eq3A_21, %broadcast_in_dim3A, %broadcast_in_dim3A_23 : vector<256x4096xi1>, vector<256x4096xf32>
    %dot_general3A = arith.constant dense<0.000000e+00> : vector<256x1xf32>
    %dot_general3A_24 = tpu.matmul %select_n3A, %get3A_14, %dot_general3A {dimension_numbers = #tpu.dot_dimension_numbers<[1], [1], [0], [0], [0, 0, 1, 0], [], []>, precision = #tpu.contract_precision<fp32>, transpose_lhs_hint = false} : vector<256x4096xf32>, vector<1x4096xf32>, vector<256x1xf32> -> vector<256x1xf32>
    %dot_general3A_25 = arith.constant dense<0.000000e+00> : vector<256x4096xf32>
    %dot_general3A_26 = tpu.matmul %get3A_20, %get3A_3, %dot_general3A_25 {dimension_numbers = #tpu.dot_dimension_numbers<[1], [1], [0], [0], [0, 0, 1, 0], [], []>, transpose_lhs_hint = false} : vector<256x128xf32>, vector<4096x128xf32>, vector<256x4096xf32> -> vector<256x4096xf32>
    %add3A = vector.broadcast %dot_general3A_24 : vector<256x1xf32> to vector<256x4096xf32>
    %add3A_27 = vector.broadcast %get3A_14 : vector<1x4096xf32> to vector<256x4096xf32>
    %add3A_28 = arith.addf %add3A, %add3A_27 : vector<256x4096xf32>
    %mul3A = arith.constant 2.000000e+00 : f32
    %mul3A_29 = vector.broadcast %mul3A : f32 to vector<256x4096xf32>
    %mul3A_30 = arith.mulf %mul3A_29, %dot_general3A_26 : vector<256x4096xf32>
    %sub3A = arith.subf %add3A_28, %mul3A_30 : vector<256x4096xf32>
    %reduce_min3A = arith.constant dense<0x7F800000> : vector<256xf32>
    %reduce_min3A_31 = vector.multi_reduction <minimumf>, %sub3A, %reduce_min3A [1] : vector<256x4096xf32> to vector<256xf32>
    %broadcast_in_dim3A_32 = vector.shape_cast %reduce_min3A_31 : vector<256xf32> to vector<256x1xf32>
    %eq3A_33 = vector.broadcast %broadcast_in_dim3A_32 : vector<256x1xf32> to vector<256x4096xf32>
    %eq3A_34 = arith.cmpf oeq, %sub3A, %eq3A_33 : vector<256x4096xf32>
    %jit3A_35 = arith.constant 4096 : i32
    %broadcast_in_dim3A_36 = vector.broadcast %jit3A_35 : i32 to vector<256x4096xi32>
    %select_n3A_37 = arith.select %eq3A_34, %iota3A, %broadcast_in_dim3A_36 : vector<256x4096xi1>, vector<256x4096xi32>
    %reduce_min3A_38 = arith.constant dense<2147483647> : vector<256xi32>
    %reduce_min3A_39 = vector.multi_reduction <minsi>, %select_n3A_37, %reduce_min3A_38 [1] : vector<256x4096xi32> to vector<256xi32>
    %broadcast_in_dim3A_40 = vector.shape_cast %reduce_min3A_39 : vector<256xi32> to vector<256x1xi32>
    %eq3A_41 = vector.broadcast %broadcast_in_dim3A_40 : vector<256x1xi32> to vector<256x4096xi32>
    %eq3A_42 = arith.cmpi eq, %iota3A, %eq3A_41 : vector<256x4096xi32>
    %jit3A_43 = arith.constant 0x7F800000 : f32
    %broadcast_in_dim3A_44 = vector.broadcast %jit3A_43 : f32 to vector<256x4096xf32>
    %select_n3A_45 = arith.select %eq3A_42, %broadcast_in_dim3A_44, %sub3A : vector<256x4096xi1>, vector<256x4096xf32>
    %reduce_min3A_46 = arith.constant dense<0x7F800000> : vector<256xf32>
    %reduce_min3A_47 = vector.multi_reduction <minimumf>, %select_n3A_45, %reduce_min3A_46 [1] : vector<256x4096xf32> to vector<256xf32>
    %broadcast_in_dim3A_48 = vector.shape_cast %reduce_min3A_47 : vector<256xf32> to vector<256x1xf32>
    %eq3A_49 = vector.broadcast %broadcast_in_dim3A_48 : vector<256x1xf32> to vector<256x4096xf32>
    %eq3A_50 = arith.cmpf oeq, %select_n3A_45, %eq3A_49 : vector<256x4096xf32>
    %jit3A_51 = arith.constant 4096 : i32
    %broadcast_in_dim3A_52 = vector.broadcast %jit3A_51 : i32 to vector<256x4096xi32>
    %select_n3A_53 = arith.select %eq3A_50, %iota3A, %broadcast_in_dim3A_52 : vector<256x4096xi1>, vector<256x4096xi32>
    %reduce_min3A_54 = arith.constant dense<2147483647> : vector<256xi32>
    %reduce_min3A_55 = vector.multi_reduction <minsi>, %select_n3A_53, %reduce_min3A_54 [1] : vector<256x4096xi32> to vector<256xi32>
    %broadcast_in_dim3A_56 = vector.shape_cast %reduce_min3A_55 : vector<256xi32> to vector<256x1xi32>
    %eq3A_57 = vector.broadcast %broadcast_in_dim3A_56 : vector<256x1xi32> to vector<256x4096xi32>
    %eq3A_58 = arith.cmpi eq, %iota3A, %eq3A_57 : vector<256x4096xi32>
    %jit3A_59 = arith.constant 0x7F800000 : f32
    %broadcast_in_dim3A_60 = vector.broadcast %jit3A_59 : f32 to vector<256x4096xf32>
    %select_n3A_61 = arith.select %eq3A_58, %broadcast_in_dim3A_60, %select_n3A_45 : vector<256x4096xi1>, vector<256x4096xf32>
    %reduce_min3A_62 = arith.constant dense<0x7F800000> : vector<256xf32>
    %reduce_min3A_63 = vector.multi_reduction <minimumf>, %select_n3A_61, %reduce_min3A_62 [1] : vector<256x4096xf32> to vector<256xf32>
    %broadcast_in_dim3A_64 = vector.shape_cast %reduce_min3A_63 : vector<256xf32> to vector<256x1xf32>
    %eq3A_65 = vector.broadcast %broadcast_in_dim3A_64 : vector<256x1xf32> to vector<256x4096xf32>
    %eq3A_66 = arith.cmpf oeq, %select_n3A_61, %eq3A_65 : vector<256x4096xf32>
    %jit3A_67 = arith.constant 4096 : i32
    %broadcast_in_dim3A_68 = vector.broadcast %jit3A_67 : i32 to vector<256x4096xi32>
    %select_n3A_69 = arith.select %eq3A_66, %iota3A, %broadcast_in_dim3A_68 : vector<256x4096xi1>, vector<256x4096xi32>
    %reduce_min3A_70 = arith.constant dense<2147483647> : vector<256xi32>
    %reduce_min3A_71 = vector.multi_reduction <minsi>, %select_n3A_69, %reduce_min3A_70 [1] : vector<256x4096xi32> to vector<256xi32>
    %broadcast_in_dim3A_72 = vector.shape_cast %reduce_min3A_71 : vector<256xi32> to vector<256x1xi32>
    %eq3A_73 = vector.broadcast %broadcast_in_dim3A_72 : vector<256x1xi32> to vector<256x4096xi32>
    %eq3A_74 = arith.cmpi eq, %iota3A, %eq3A_73 : vector<256x4096xi32>
    %jit3A_75 = arith.constant 0x7F800000 : f32
    %broadcast_in_dim3A_76 = vector.broadcast %jit3A_75 : f32 to vector<256x4096xf32>
    %select_n3A_77 = arith.select %eq3A_74, %broadcast_in_dim3A_76, %select_n3A_61 : vector<256x4096xi1>, vector<256x4096xf32>
    %reduce_min3A_78 = arith.constant dense<0x7F800000> : vector<256xf32>
    %reduce_min3A_79 = vector.multi_reduction <minimumf>, %select_n3A_77, %reduce_min3A_78 [1] : vector<256x4096xf32> to vector<256xf32>
    %broadcast_in_dim3A_80 = vector.shape_cast %reduce_min3A_79 : vector<256xf32> to vector<256x1xf32>
    %eq3A_81 = vector.broadcast %broadcast_in_dim3A_80 : vector<256x1xf32> to vector<256x4096xf32>
    %eq3A_82 = arith.cmpf oeq, %select_n3A_77, %eq3A_81 : vector<256x4096xf32>
    %jit3A_83 = arith.constant 4096 : i32
    %broadcast_in_dim3A_84 = vector.broadcast %jit3A_83 : i32 to vector<256x4096xi32>
    %select_n3A_85 = arith.select %eq3A_82, %iota3A, %broadcast_in_dim3A_84 : vector<256x4096xi1>, vector<256x4096xi32>
    %reduce_min3A_86 = arith.constant dense<2147483647> : vector<256xi32>
    %reduce_min3A_87 = vector.multi_reduction <minsi>, %select_n3A_85, %reduce_min3A_86 [1] : vector<256x4096xi32> to vector<256xi32>
    %broadcast_in_dim3A_88 = vector.shape_cast %reduce_min3A_87 : vector<256xi32> to vector<256x1xi32>
    %eq3A_89 = vector.broadcast %broadcast_in_dim3A_88 : vector<256x1xi32> to vector<256x4096xi32>
    %eq3A_90 = arith.cmpi eq, %iota3A, %eq3A_89 : vector<256x4096xi32>
    %jit3A_91 = arith.constant 0x7F800000 : f32
    %broadcast_in_dim3A_92 = vector.broadcast %jit3A_91 : f32 to vector<256x4096xf32>
    %select_n3A_93 = arith.select %eq3A_90, %broadcast_in_dim3A_92, %select_n3A_77 : vector<256x4096xi1>, vector<256x4096xf32>
    %reduce_min3A_94 = arith.constant dense<0x7F800000> : vector<256xf32>
    %reduce_min3A_95 = vector.multi_reduction <minimumf>, %select_n3A_93, %reduce_min3A_94 [1] : vector<256x4096xf32> to vector<256xf32>
    %broadcast_in_dim3A_96 = vector.shape_cast %reduce_min3A_95 : vector<256xf32> to vector<256x1xf32>
    %eq3A_97 = vector.broadcast %broadcast_in_dim3A_96 : vector<256x1xf32> to vector<256x4096xf32>
    %eq3A_98 = arith.cmpf oeq, %select_n3A_93, %eq3A_97 : vector<256x4096xf32>
    %jit3A_99 = arith.constant 4096 : i32
    %broadcast_in_dim3A_100 = vector.broadcast %jit3A_99 : i32 to vector<256x4096xi32>
    %select_n3A_101 = arith.select %eq3A_98, %iota3A, %broadcast_in_dim3A_100 : vector<256x4096xi1>, vector<256x4096xi32>
    %reduce_min3A_102 = arith.constant dense<2147483647> : vector<256xi32>
    %reduce_min3A_103 = vector.multi_reduction <minsi>, %select_n3A_101, %reduce_min3A_102 [1] : vector<256x4096xi32> to vector<256xi32>
    %broadcast_in_dim3A_104 = vector.shape_cast %reduce_min3A_103 : vector<256xi32> to vector<256x1xi32>
    %eq3A_105 = vector.broadcast %broadcast_in_dim3A_104 : vector<256x1xi32> to vector<256x4096xi32>
    %eq3A_106 = arith.cmpi eq, %iota3A, %eq3A_105 : vector<256x4096xi32>
    %jit3A_107 = arith.constant 0x7F800000 : f32
    %broadcast_in_dim3A_108 = vector.broadcast %jit3A_107 : f32 to vector<256x4096xf32>
    %select_n3A_109 = arith.select %eq3A_106, %broadcast_in_dim3A_108, %select_n3A_93 : vector<256x4096xi1>, vector<256x4096xf32>
    %reduce_min3A_110 = arith.constant dense<0x7F800000> : vector<256xf32>
    %reduce_min3A_111 = vector.multi_reduction <minimumf>, %select_n3A_109, %reduce_min3A_110 [1] : vector<256x4096xf32> to vector<256xf32>
    %broadcast_in_dim3A_112 = vector.shape_cast %reduce_min3A_111 : vector<256xf32> to vector<256x1xf32>
    %eq3A_113 = vector.broadcast %broadcast_in_dim3A_112 : vector<256x1xf32> to vector<256x4096xf32>
    %eq3A_114 = arith.cmpf oeq, %select_n3A_109, %eq3A_113 : vector<256x4096xf32>
    %jit3A_115 = arith.constant 4096 : i32
    %broadcast_in_dim3A_116 = vector.broadcast %jit3A_115 : i32 to vector<256x4096xi32>
    %select_n3A_117 = arith.select %eq3A_114, %iota3A, %broadcast_in_dim3A_116 : vector<256x4096xi1>, vector<256x4096xi32>
    %reduce_min3A_118 = arith.constant dense<2147483647> : vector<256xi32>
    %reduce_min3A_119 = vector.multi_reduction <minsi>, %select_n3A_117, %reduce_min3A_118 [1] : vector<256x4096xi32> to vector<256xi32>
    %broadcast_in_dim3A_120 = vector.shape_cast %reduce_min3A_119 : vector<256xi32> to vector<256x1xi32>
    %eq3A_121 = vector.broadcast %broadcast_in_dim3A_120 : vector<256x1xi32> to vector<256x4096xi32>
    %eq3A_122 = arith.cmpi eq, %iota3A, %eq3A_121 : vector<256x4096xi32>
    %jit3A_123 = arith.constant 0x7F800000 : f32
    %broadcast_in_dim3A_124 = vector.broadcast %jit3A_123 : f32 to vector<256x4096xf32>
    %select_n3A_125 = arith.select %eq3A_122, %broadcast_in_dim3A_124, %select_n3A_109 : vector<256x4096xi1>, vector<256x4096xf32>
    %reduce_min3A_126 = arith.constant dense<0x7F800000> : vector<256xf32>
    %reduce_min3A_127 = vector.multi_reduction <minimumf>, %select_n3A_125, %reduce_min3A_126 [1] : vector<256x4096xf32> to vector<256xf32>
    %broadcast_in_dim3A_128 = vector.shape_cast %reduce_min3A_127 : vector<256xf32> to vector<256x1xf32>
    %eq3A_129 = vector.broadcast %broadcast_in_dim3A_128 : vector<256x1xf32> to vector<256x4096xf32>
    %eq3A_130 = arith.cmpf oeq, %select_n3A_125, %eq3A_129 : vector<256x4096xf32>
    %jit3A_131 = arith.constant 4096 : i32
    %broadcast_in_dim3A_132 = vector.broadcast %jit3A_131 : i32 to vector<256x4096xi32>
    %select_n3A_133 = arith.select %eq3A_130, %iota3A, %broadcast_in_dim3A_132 : vector<256x4096xi1>, vector<256x4096xi32>
    %reduce_min3A_134 = arith.constant dense<2147483647> : vector<256xi32>
    %reduce_min3A_135 = vector.multi_reduction <minsi>, %select_n3A_133, %reduce_min3A_134 [1] : vector<256x4096xi32> to vector<256xi32>
    %broadcast_in_dim3A_136 = vector.shape_cast %reduce_min3A_135 : vector<256xi32> to vector<256x1xi32>
    %eq3A_137 = vector.broadcast %broadcast_in_dim3A_136 : vector<256x1xi32> to vector<256x4096xi32>
    %eq3A_138 = arith.cmpi eq, %iota3A, %eq3A_137 : vector<256x4096xi32>
    %jit3A_139 = arith.constant 0x7F800000 : f32
    %broadcast_in_dim3A_140 = vector.broadcast %jit3A_139 : f32 to vector<256x4096xf32>
    %select_n3A_141 = arith.select %eq3A_138, %broadcast_in_dim3A_140, %select_n3A_125 : vector<256x4096xi1>, vector<256x4096xf32>
    %reduce_min3A_142 = arith.constant dense<0x7F800000> : vector<256xf32>
    %reduce_min3A_143 = vector.multi_reduction <minimumf>, %select_n3A_141, %reduce_min3A_142 [1] : vector<256x4096xf32> to vector<256xf32>
    %broadcast_in_dim3A_144 = vector.shape_cast %reduce_min3A_143 : vector<256xf32> to vector<256x1xf32>
    %eq3A_145 = vector.broadcast %broadcast_in_dim3A_144 : vector<256x1xf32> to vector<256x4096xf32>
    %eq3A_146 = arith.cmpf oeq, %select_n3A_141, %eq3A_145 : vector<256x4096xf32>
    %jit3A_147 = arith.constant 4096 : i32
    %broadcast_in_dim3A_148 = vector.broadcast %jit3A_147 : i32 to vector<256x4096xi32>
    %select_n3A_149 = arith.select %eq3A_146, %iota3A, %broadcast_in_dim3A_148 : vector<256x4096xi1>, vector<256x4096xi32>
    %reduce_min3A_150 = arith.constant dense<2147483647> : vector<256xi32>
    %reduce_min3A_151 = vector.multi_reduction <minsi>, %select_n3A_149, %reduce_min3A_150 [1] : vector<256x4096xi32> to vector<256xi32>
    %broadcast_in_dim3A_152 = vector.shape_cast %reduce_min3A_151 : vector<256xi32> to vector<256x1xi32>
    %eq3A_153 = vector.broadcast %broadcast_in_dim3A_152 : vector<256x1xi32> to vector<256x4096xi32>
    %eq3A_154 = arith.cmpi eq, %iota3A, %eq3A_153 : vector<256x4096xi32>
    %jit3A_155 = arith.constant 0x7F800000 : f32
    %broadcast_in_dim3A_156 = vector.broadcast %jit3A_155 : f32 to vector<256x4096xf32>
    %select_n3A_157 = arith.select %eq3A_154, %broadcast_in_dim3A_156, %select_n3A_141 : vector<256x4096xi1>, vector<256x4096xf32>
    %reduce_min3A_158 = arith.constant dense<0x7F800000> : vector<256xf32>
    %reduce_min3A_159 = vector.multi_reduction <minimumf>, %select_n3A_157, %reduce_min3A_158 [1] : vector<256x4096xf32> to vector<256xf32>
    %broadcast_in_dim3A_160 = vector.shape_cast %reduce_min3A_159 : vector<256xf32> to vector<256x1xf32>
    %eq3A_161 = vector.broadcast %broadcast_in_dim3A_160 : vector<256x1xf32> to vector<256x4096xf32>
    %eq3A_162 = arith.cmpf oeq, %select_n3A_157, %eq3A_161 : vector<256x4096xf32>
    %jit3A_163 = arith.constant 4096 : i32
    %broadcast_in_dim3A_164 = vector.broadcast %jit3A_163 : i32 to vector<256x4096xi32>
    %select_n3A_165 = arith.select %eq3A_162, %iota3A, %broadcast_in_dim3A_164 : vector<256x4096xi1>, vector<256x4096xi32>
    %reduce_min3A_166 = arith.constant dense<2147483647> : vector<256xi32>
    %reduce_min3A_167 = vector.multi_reduction <minsi>, %select_n3A_165, %reduce_min3A_166 [1] : vector<256x4096xi32> to vector<256xi32>
    %broadcast_in_dim3A_168 = vector.shape_cast %reduce_min3A_167 : vector<256xi32> to vector<256x1xi32>
    %eq3A_169 = vector.broadcast %broadcast_in_dim3A_168 : vector<256x1xi32> to vector<256x4096xi32>
    %eq3A_170 = arith.cmpi eq, %iota3A, %eq3A_169 : vector<256x4096xi32>
    %jit3A_171 = arith.constant 0x7F800000 : f32
    %broadcast_in_dim3A_172 = vector.broadcast %jit3A_171 : f32 to vector<256x4096xf32>
    %select_n3A_173 = arith.select %eq3A_170, %broadcast_in_dim3A_172, %select_n3A_157 : vector<256x4096xi1>, vector<256x4096xf32>
    %reduce_min3A_174 = arith.constant dense<0x7F800000> : vector<256xf32>
    %reduce_min3A_175 = vector.multi_reduction <minimumf>, %select_n3A_173, %reduce_min3A_174 [1] : vector<256x4096xf32> to vector<256xf32>
    %broadcast_in_dim3A_176 = vector.shape_cast %reduce_min3A_175 : vector<256xf32> to vector<256x1xf32>
    %eq3A_177 = vector.broadcast %broadcast_in_dim3A_176 : vector<256x1xf32> to vector<256x4096xf32>
    %eq3A_178 = arith.cmpf oeq, %select_n3A_173, %eq3A_177 : vector<256x4096xf32>
    %jit3A_179 = arith.constant 4096 : i32
    %broadcast_in_dim3A_180 = vector.broadcast %jit3A_179 : i32 to vector<256x4096xi32>
    %select_n3A_181 = arith.select %eq3A_178, %iota3A, %broadcast_in_dim3A_180 : vector<256x4096xi1>, vector<256x4096xi32>
    %reduce_min3A_182 = arith.constant dense<2147483647> : vector<256xi32>
    %reduce_min3A_183 = vector.multi_reduction <minsi>, %select_n3A_181, %reduce_min3A_182 [1] : vector<256x4096xi32> to vector<256xi32>
    %broadcast_in_dim3A_184 = vector.shape_cast %reduce_min3A_183 : vector<256xi32> to vector<256x1xi32>
    %eq3A_185 = vector.broadcast %broadcast_in_dim3A_184 : vector<256x1xi32> to vector<256x4096xi32>
    %eq3A_186 = arith.cmpi eq, %iota3A, %eq3A_185 : vector<256x4096xi32>
    %jit3A_187 = arith.constant 0x7F800000 : f32
    %broadcast_in_dim3A_188 = vector.broadcast %jit3A_187 : f32 to vector<256x4096xf32>
    %select_n3A_189 = arith.select %eq3A_186, %broadcast_in_dim3A_188, %select_n3A_173 : vector<256x4096xi1>, vector<256x4096xf32>
    %reduce_min3A_190 = arith.constant dense<0x7F800000> : vector<256xf32>
    %reduce_min3A_191 = vector.multi_reduction <minimumf>, %select_n3A_189, %reduce_min3A_190 [1] : vector<256x4096xf32> to vector<256xf32>
    %broadcast_in_dim3A_192 = vector.shape_cast %reduce_min3A_191 : vector<256xf32> to vector<256x1xf32>
    %eq3A_193 = vector.broadcast %broadcast_in_dim3A_192 : vector<256x1xf32> to vector<256x4096xf32>
    %eq3A_194 = arith.cmpf oeq, %select_n3A_189, %eq3A_193 : vector<256x4096xf32>
    %jit3A_195 = arith.constant 4096 : i32
    %broadcast_in_dim3A_196 = vector.broadcast %jit3A_195 : i32 to vector<256x4096xi32>
    %select_n3A_197 = arith.select %eq3A_194, %iota3A, %broadcast_in_dim3A_196 : vector<256x4096xi1>, vector<256x4096xi32>
    %reduce_min3A_198 = arith.constant dense<2147483647> : vector<256xi32>
    %reduce_min3A_199 = vector.multi_reduction <minsi>, %select_n3A_197, %reduce_min3A_198 [1] : vector<256x4096xi32> to vector<256xi32>
    %broadcast_in_dim3A_200 = vector.shape_cast %reduce_min3A_199 : vector<256xi32> to vector<256x1xi32>
    %eq3A_201 = vector.broadcast %broadcast_in_dim3A_200 : vector<256x1xi32> to vector<256x4096xi32>
    %eq3A_202 = arith.cmpi eq, %iota3A, %eq3A_201 : vector<256x4096xi32>
    %jit3A_203 = arith.constant 0x7F800000 : f32
    %broadcast_in_dim3A_204 = vector.broadcast %jit3A_203 : f32 to vector<256x4096xf32>
    %select_n3A_205 = arith.select %eq3A_202, %broadcast_in_dim3A_204, %select_n3A_189 : vector<256x4096xi1>, vector<256x4096xf32>
    %reduce_min3A_206 = arith.constant dense<0x7F800000> : vector<256xf32>
    %reduce_min3A_207 = vector.multi_reduction <minimumf>, %select_n3A_205, %reduce_min3A_206 [1] : vector<256x4096xf32> to vector<256xf32>
    %broadcast_in_dim3A_208 = vector.shape_cast %reduce_min3A_207 : vector<256xf32> to vector<256x1xf32>
    %eq3A_209 = vector.broadcast %broadcast_in_dim3A_208 : vector<256x1xf32> to vector<256x4096xf32>
    %eq3A_210 = arith.cmpf oeq, %select_n3A_205, %eq3A_209 : vector<256x4096xf32>
    %jit3A_211 = arith.constant 4096 : i32
    %broadcast_in_dim3A_212 = vector.broadcast %jit3A_211 : i32 to vector<256x4096xi32>
    %select_n3A_213 = arith.select %eq3A_210, %iota3A, %broadcast_in_dim3A_212 : vector<256x4096xi1>, vector<256x4096xi32>
    %reduce_min3A_214 = arith.constant dense<2147483647> : vector<256xi32>
    %reduce_min3A_215 = vector.multi_reduction <minsi>, %select_n3A_213, %reduce_min3A_214 [1] : vector<256x4096xi32> to vector<256xi32>
    %broadcast_in_dim3A_216 = vector.shape_cast %reduce_min3A_215 : vector<256xi32> to vector<256x1xi32>
    %eq3A_217 = vector.broadcast %broadcast_in_dim3A_216 : vector<256x1xi32> to vector<256x4096xi32>
    %eq3A_218 = arith.cmpi eq, %iota3A, %eq3A_217 : vector<256x4096xi32>
    %jit3A_219 = arith.constant 0x7F800000 : f32
    %broadcast_in_dim3A_220 = vector.broadcast %jit3A_219 : f32 to vector<256x4096xf32>
    %select_n3A_221 = arith.select %eq3A_218, %broadcast_in_dim3A_220, %select_n3A_205 : vector<256x4096xi1>, vector<256x4096xf32>
    %reduce_min3A_222 = arith.constant dense<0x7F800000> : vector<256xf32>
    %reduce_min3A_223 = vector.multi_reduction <minimumf>, %select_n3A_221, %reduce_min3A_222 [1] : vector<256x4096xf32> to vector<256xf32>
    %broadcast_in_dim3A_224 = vector.shape_cast %reduce_min3A_223 : vector<256xf32> to vector<256x1xf32>
    %eq3A_225 = vector.broadcast %broadcast_in_dim3A_224 : vector<256x1xf32> to vector<256x4096xf32>
    %eq3A_226 = arith.cmpf oeq, %select_n3A_221, %eq3A_225 : vector<256x4096xf32>
    %jit3A_227 = arith.constant 4096 : i32
    %broadcast_in_dim3A_228 = vector.broadcast %jit3A_227 : i32 to vector<256x4096xi32>
    %select_n3A_229 = arith.select %eq3A_226, %iota3A, %broadcast_in_dim3A_228 : vector<256x4096xi1>, vector<256x4096xi32>
    %reduce_min3A_230 = arith.constant dense<2147483647> : vector<256xi32>
    %reduce_min3A_231 = vector.multi_reduction <minsi>, %select_n3A_229, %reduce_min3A_230 [1] : vector<256x4096xi32> to vector<256xi32>
    %broadcast_in_dim3A_232 = vector.shape_cast %reduce_min3A_231 : vector<256xi32> to vector<256x1xi32>
    %eq3A_233 = vector.broadcast %broadcast_in_dim3A_232 : vector<256x1xi32> to vector<256x4096xi32>
    %eq3A_234 = arith.cmpi eq, %iota3A, %eq3A_233 : vector<256x4096xi32>
    %jit3A_235 = arith.constant 0x7F800000 : f32
    %broadcast_in_dim3A_236 = vector.broadcast %jit3A_235 : f32 to vector<256x4096xf32>
    %select_n3A_237 = arith.select %eq3A_234, %broadcast_in_dim3A_236, %select_n3A_221 : vector<256x4096xi1>, vector<256x4096xf32>
    %reduce_min3A_238 = arith.constant dense<0x7F800000> : vector<256xf32>
    %reduce_min3A_239 = vector.multi_reduction <minimumf>, %select_n3A_237, %reduce_min3A_238 [1] : vector<256x4096xf32> to vector<256xf32>
    %broadcast_in_dim3A_240 = vector.shape_cast %reduce_min3A_239 : vector<256xf32> to vector<256x1xf32>
    %eq3A_241 = vector.broadcast %broadcast_in_dim3A_240 : vector<256x1xf32> to vector<256x4096xf32>
    %eq3A_242 = arith.cmpf oeq, %select_n3A_237, %eq3A_241 : vector<256x4096xf32>
    %jit3A_243 = arith.constant 4096 : i32
    %broadcast_in_dim3A_244 = vector.broadcast %jit3A_243 : i32 to vector<256x4096xi32>
    %select_n3A_245 = arith.select %eq3A_242, %iota3A, %broadcast_in_dim3A_244 : vector<256x4096xi1>, vector<256x4096xi32>
    %reduce_min3A_246 = arith.constant dense<2147483647> : vector<256xi32>
    %reduce_min3A_247 = vector.multi_reduction <minsi>, %select_n3A_245, %reduce_min3A_246 [1] : vector<256x4096xi32> to vector<256xi32>
    %broadcast_in_dim3A_248 = vector.shape_cast %reduce_min3A_247 : vector<256xi32> to vector<256x1xi32>
    %eq3A_249 = vector.broadcast %broadcast_in_dim3A_248 : vector<256x1xi32> to vector<256x4096xi32>
    %eq3A_250 = arith.cmpi eq, %iota3A, %eq3A_249 : vector<256x4096xi32>
    %jit3A_251 = arith.constant 0x7F800000 : f32
    %broadcast_in_dim3A_252 = vector.broadcast %jit3A_251 : f32 to vector<256x4096xf32>
    %select_n3A_253 = arith.select %eq3A_250, %broadcast_in_dim3A_252, %select_n3A_237 : vector<256x4096xi1>, vector<256x4096xf32>
    %reduce_min3A_254 = arith.constant dense<0x7F800000> : vector<256xf32>
    %reduce_min3A_255 = vector.multi_reduction <minimumf>, %select_n3A_253, %reduce_min3A_254 [1] : vector<256x4096xf32> to vector<256xf32>
    %broadcast_in_dim3A_256 = vector.shape_cast %reduce_min3A_255 : vector<256xf32> to vector<256x1xf32>
    %eq3A_257 = vector.broadcast %broadcast_in_dim3A_256 : vector<256x1xf32> to vector<256x4096xf32>
    %eq3A_258 = arith.cmpf oeq, %select_n3A_253, %eq3A_257 : vector<256x4096xf32>
    %jit3A_259 = arith.constant 4096 : i32
    %broadcast_in_dim3A_260 = vector.broadcast %jit3A_259 : i32 to vector<256x4096xi32>
    %select_n3A_261 = arith.select %eq3A_258, %iota3A, %broadcast_in_dim3A_260 : vector<256x4096xi1>, vector<256x4096xi32>
    %reduce_min3A_262 = arith.constant dense<2147483647> : vector<256xi32>
    %reduce_min3A_263 = vector.multi_reduction <minsi>, %select_n3A_261, %reduce_min3A_262 [1] : vector<256x4096xi32> to vector<256xi32>
    %broadcast_in_dim3A_264 = vector.shape_cast %reduce_min3A_263 : vector<256xi32> to vector<256x1xi32>
    %eq3A_265 = vector.broadcast %broadcast_in_dim3A_264 : vector<256x1xi32> to vector<256x4096xi32>
    %eq3A_266 = arith.cmpi eq, %iota3A, %eq3A_265 : vector<256x4096xi32>
    %jit3A_267 = arith.constant 0x7F800000 : f32
    %broadcast_in_dim3A_268 = vector.broadcast %jit3A_267 : f32 to vector<256x4096xf32>
    %select_n3A_269 = arith.select %eq3A_266, %broadcast_in_dim3A_268, %select_n3A_253 : vector<256x4096xi1>, vector<256x4096xf32>
    %reduce_min3A_270 = arith.constant dense<0x7F800000> : vector<256xf32>
    %reduce_min3A_271 = vector.multi_reduction <minimumf>, %select_n3A_269, %reduce_min3A_270 [1] : vector<256x4096xf32> to vector<256xf32>
    %broadcast_in_dim3A_272 = vector.shape_cast %reduce_min3A_271 : vector<256xf32> to vector<256x1xf32>
    %eq3A_273 = vector.broadcast %broadcast_in_dim3A_272 : vector<256x1xf32> to vector<256x4096xf32>
    %eq3A_274 = arith.cmpf oeq, %select_n3A_269, %eq3A_273 : vector<256x4096xf32>
    %jit3A_275 = arith.constant 4096 : i32
    %broadcast_in_dim3A_276 = vector.broadcast %jit3A_275 : i32 to vector<256x4096xi32>
    %select_n3A_277 = arith.select %eq3A_274, %iota3A, %broadcast_in_dim3A_276 : vector<256x4096xi1>, vector<256x4096xi32>
    %reduce_min3A_278 = arith.constant dense<2147483647> : vector<256xi32>
    %reduce_min3A_279 = vector.multi_reduction <minsi>, %select_n3A_277, %reduce_min3A_278 [1] : vector<256x4096xi32> to vector<256xi32>
    %broadcast_in_dim3A_280 = vector.shape_cast %reduce_min3A_279 : vector<256xi32> to vector<256x1xi32>
    %concatenate3A = tpu.concatenate %broadcast_in_dim3A_40, %broadcast_in_dim3A_56, %broadcast_in_dim3A_72, %broadcast_in_dim3A_88, %broadcast_in_dim3A_104, %broadcast_in_dim3A_120, %broadcast_in_dim3A_136, %broadcast_in_dim3A_152, %broadcast_in_dim3A_168, %broadcast_in_dim3A_184, %broadcast_in_dim3A_200, %broadcast_in_dim3A_216, %broadcast_in_dim3A_232, %broadcast_in_dim3A_248, %broadcast_in_dim3A_264, %broadcast_in_dim3A_280 in 1 : vector<256x1xi32>, vector<256x1xi32>, vector<256x1xi32>, vector<256x1xi32>, vector<256x1xi32>, vector<256x1xi32>, vector<256x1xi32>, vector<256x1xi32>, vector<256x1xi32>, vector<256x1xi32>, vector<256x1xi32>, vector<256x1xi32>, vector<256x1xi32>, vector<256x1xi32>, vector<256x1xi32>, vector<256x1xi32> -> vector<256x16xi32>
    %mul3A_281 = arith.constant 4096 : i32
    %mul3A_282 = arith.muli %arg0, %mul3A_281 : i32
    %add3A_283 = vector.broadcast %mul3A_282 : i32 to vector<256x16xi32>
    %add3A_284 = arith.addi %concatenate3A, %add3A_283 : vector<256x16xi32>
    %swap3A = arith.constant 0 : index
    %swap3A_285 = arith.constant 0 : index
    %swap3A_286 = arith.constant 0 : index
    %swap3A_287 = vector.load %arg6[%swap3A, %swap3A_285, %swap3A_286] : memref<1x256x16xi32, #tpu.memory_space<vmem>>, vector<1x256x16xi32>
    %swap3A_288 = vector.shape_cast %swap3A_287 : vector<1x256x16xi32> to vector<256x16xi32>
    %swap3A_289 = vector.shape_cast %add3A_284 : vector<256x16xi32> to vector<1x256x16xi32>
    tpu.vector_store %arg6[%swap3A, %swap3A_285, %swap3A_286], %swap3A_289 {strides = array<i32>} : memref<1x256x16xi32, #tpu.memory_space<vmem>>, vector<1x256x16xi32>,
    return
  }
  func.func @transform_0(%arg0: i32, %arg1: i32) -> (i32, i32, i32) {
    %c0_i32 = arith.constant 0 : i32
    %c0_i32_0 = arith.constant 0 : i32
    %c0_i32_1 = arith.constant 0 : i32
    return %arg0, %c0_i32, %c0_i32_0 : i32, i32, i32
  }
  func.func @transform_1(%arg0: i32, %arg1: i32) -> (i32, i32, i32, i32) {
    %c0_i32 = arith.constant 0 : i32
    %c0_i32_0 = arith.constant 0 : i32
    %c0_i32_1 = arith.constant 0 : i32
    return %arg0, %arg1, %c0_i32, %c0_i32_0 : i32, i32, i32, i32
  }
  func.func @transform_2(%arg0: i32, %arg1: i32) -> (i32, i32, i32) {
    %c0_i32 = arith.constant 0 : i32
    %c0_i32_0 = arith.constant 0 : i32
    %c0_i32_1 = arith.constant 0 : i32
    return %arg0, %c0_i32, %c0_i32_0 : i32, i32, i32
  }
  func.func @transform_3(%arg0: i32, %arg1: i32) -> (i32, i32, i32, i32) {
    %c0_i32 = arith.constant 0 : i32
    %c0_i32_0 = arith.constant 0 : i32
    %c0_i32_1 = arith.constant 0 : i32
    return %arg0, %arg1, %c0_i32, %c0_i32_0 : i32, i32, i32, i32
  }
  func.func @transform_4(%arg0: i32, %arg1: i32) -> (i32, i32, i32) {
    %c0_i32 = arith.constant 0 : i32
    %c0_i32_0 = arith.constant 0 : i32
    return %arg0, %arg1, %c0_i32 : i32, i32, i32
  }
}

</mosaic_0001>

<sc_bundles>
// kernel: kernel.11.cloned.1.call-start
scs
__scs_entry_jumppad:
0x0: {  	(pc) =	sbr.rel $0x88, $3  }
0x1: {  	(tag) =	ssettag $0x0;
	lr =	simm.s32 $0x1  }
0x2: {  	[smem:$0x3F9A] =	sst lr;
	_ =	strace $0xD0000000  }
0x3: {  	_ = 	snop  }
0x4: {  	_ = 	snop  }
0x5: {  	_ = 	snop  }
0x6: {  	_ = 	snop  }
0x7: {  	_ = 	snop  }
__scs_overlays_trampoline_lowered:
0x8: {  	[smem:$0x3FA9] =	sst s0  }
0x9: {  	[smem:$0x3FAA] =	sst s1  }
0xa: {  	[smem:$0x3FAB] =	sst s2  }
0xb: {  	[smem:$0x3FAC] =	sst s3  }
0xc: {  	[smem:$0x3FAD] =	sst s4  }
0xd: {  	[smem:$0x3FAE] =	sst s5  }
0xe: {  	[smem:$0x3FAF] =	sst s6  }
0xf: {  	[smem:$0x3FB0] =	sst s7  }
0x10: {  	[smem:$0x3FB1] =	sst s8  }
0x11: {  	[smem:$0x3FB2] =	sst s9;
	s0 =	simm.s32 @!p0 $0x0  }
0x12: {  	s1 =	sld [smem:$0x3F98];
	s0 =	simm.s32 @p0 $0x1  }
0x13: {  	[smem:$0x3FB3] =	sst s0;
	s0 =	simm.s32 @!p1 $0x0  }
0x14: {  	s2 =	sld [smem:$0x3F97];
	s0 =	simm.s32 @p1 $0x1  }
0x15: {  	[smem:$0x3FB4] =	sst s0;
	s0 =	simm.s32 @!p2 $0x0  }
0x16: {  	s3 =	sld [smem:$0x3FDB];
	s0 =	simm.s32 @p2 $0x1  }
0x17: {  	s4 =	simm.s32 $0x1BF5;
	[smem:$0x3FB6] =	sst s0  }
0x18: {  	s0 =	sld [smem:$0x3F99];
	_ =	swait.ge [sflag:s4], $0x0  }
0x19: {  	s7 =	sld [smem:$0x3F9A]  }
0x1a: {  	s8 =	sadd.s32 $0xFFFFE003, lr  }
0x1b: {  	s9 =	sadd.s32 $0xFFFFFEF7, lr;
	s5 =	simm.s32 $0xFFFFFFFF;
	p2 =	slt.u32 s8, $0xFFFFF086  }
0x1c: {  	p1 =	slt.u32 s9, $0xF7A;
	s5 =	simm.s32 @!p2 $0x0  }
0x1d: {  	s5 =	simm.s32 @p1 $0x1;
	p0 =	seq.s32 s7, s2  }
0x1e: {  	s7 =	smul.u32 @!p0 $0xF7A, s2;
	p2 =	seq.s32 @!p0 s5, $0x0  }
0x1f: {  	s9 =	smul.u32 $0xF7A, s1;
	s8 =	simm.s32 @!p0 $0x1BF5;
	p2 =	por !p2, p0  }
0x20: {  	[sflag:s8] =	ssyncset.s32 @!p0 $0xFFFFF086;
	s6 =	sadd.s32 @!p0 s3, s7;
	s7 =	simm.s32 @!p0 $0x108  }
0x21: {  	s3 =	sadd.s32 s3, s9;
	s6 =	sadd.s32 @!p0 $0x88, s6;
	s7 =	simm.s32 @p2 $0x1082  }
0x22: {  	[simem:s7], [sflag:s8] =	dma.local @!p0 [hbm:s6], $0xF7A  }
0x23: {  	s9 =	sor.u32 $0xD0000000, s2;
	s6 =	simm.s32 $0x108;
	_ =	swait.ge @!p0 [sflag:s8], $0x0  }
0x24: {  	s3 =	sadd.s32 $0x88, s3;
	s6 =	simm.s32 @!p1 $0x1082;
	[sflag:s4] =	ssyncset.s32 $0xFFFFF086  }
0x25: {  	[simem:s6], [sflag:s4] =	dma.local [hbm:s3], $0xF7A  }
0x26: {  	[smem:$0x3F9A] =	sst s1;
	(tag) =	ssettag s2;
	_ =	strace s9  }
0x27: {  	s1 =	sld [smem:$0x3FAA]  }
0x28: {  	s2 =	sld [smem:$0x3FAB]  }
0x29: {  	s4 =	sld [smem:$0x3FAD]  }
0x2a: {  	p0 =	seq.s32 s5, $0x0;
	s5 =	sld [smem:$0x3FAE]  }
0x2b: {  	s6 =	sld [smem:$0x3FAF]  }
0x2c: {  	s7 =	sld [smem:$0x3FB0]  }
0x2d: {  	s3 =	simm.s32 $0x108;
	s8 =	sld [smem:$0x3FB1]  }
0x2e: {  	s3 =	simm.s32 @!p0 $0x1082;
	s9 =	sld [smem:$0x3FB2]  }
0x2f: {  	lr =	sadd.s32 s0, s3;
	s0 =	sld [smem:$0x3FA9]  }
0x30: {  	s3 =	sld [smem:$0x3FAC]  }
0x31: {  	[smem:$0x3FB5] =	sst s10  }
0x32: {  	s10 =	sld [smem:$0x3FB3];
	_ =	sdelay $0x3  }
0x33: {  	p0 =	seq.s32 s10, $0x1;
	s10 =	sld [smem:$0x3FB5];
	_ =	sdelay $0x3  }
0x34: {  	[smem:$0x3FB5] =	sst s10  }
0x35: {  	s10 =	sld [smem:$0x3FB4];
	_ =	sdelay $0x3  }
0x36: {  	p1 =	seq.s32 s10, $0x1;
	s10 =	sld [smem:$0x3FB5];
	_ =	sdelay $0x3  }
0x37: {  	[smem:$0x3FB5] =	sst s10  }
0x38: {  	s10 =	sld [smem:$0x3FB6]  }
0x39: {  	_ = 	snop;
	(pc) =	sbr.ind lr, $3  }
0x3a: {  	_ = 	snop  }
0x3b: {  	_ = 	snop  }
0x3c: {  	p2 =	seq.s32 s10, $0x1;
	s10 =	sld [smem:$0x3FB5]  }
0x3d: {  	_ =	shalt  }
0x3e: {  	_ =	shalt  }
0x3f: {  	_ =	shalt  }
0x40: {  	_ =	shalt  }
0x41: {  	_ =	shalt  }
0x42: {  	_ =	shalt  }
0x43: {  	_ =	shalt  }
0x44: {  	_ =	shalt  }
0x45: {  	_ =	shalt  }
0x46: {  	_ =	shalt  }
0x47: {  	_ =	shalt  }
0x48: {  	_ =	shalt  }
0x49: {  	_ =	shalt  }
0x4a: {  	_ =	shalt  }
0x4b: {  	_ =	shalt  }
0x4c: {  	_ =	shalt  }
0x4d: {  	_ =	shalt  }
0x4e: {  	_ =	shalt  }
0x4f: {  	_ =	shalt  }
0x50: {  	_ =	shalt  }
0x51: {  	_ =	shalt  }
0x52: {  	_ =	shalt  }
0x53: {  	_ =	shalt  }
0x54: {  	_ =	shalt  }
0x55: {  	_ =	shalt  }
0x56: {  	_ =	shalt  }
0x57: {  	_ =	shalt  }
0x58: {  	_ =	shalt  }
0x59: {  	_ =	shalt  }
0x5a: {  	_ =	shalt  }
0x5b: {  	_ =	shalt  }
0x5c: {  	_ =	shalt  }
0x5d: {  	_ =	shalt  }
0x5e: {  	_ =	shalt  }
0x5f: {  	_ =	shalt  }
0x60: {  	_ =	shalt  }
0x61: {  	_ =	shalt  }
0x62: {  	_ =	shalt  }
0x63: {  	_ =	shalt  }
0x64: {  	_ =	shalt  }
0x65: {  	_ =	shalt  }
0x66: {  	_ =	shalt  }
0x67: {  	_ =	shalt  }
0x68: {  	_ =	shalt  }
0x69: {  	_ =	shalt  }
0x6a: {  	_ =	shalt  }
0x6b: {  	_ =	shalt  }
0x6c: {  	_ =	shalt  }
0x6d: {  	_ =	shalt  }
0x6e: {  	_ =	shalt  }
0x6f: {  	_ =	shalt  }
0x70: {  	_ =	shalt  }
0x71: {  	_ =	shalt  }
0x72: {  	_ =	shalt  }
0x73: {  	_ =	shalt  }
0x74: {  	_ =	shalt  }
0x75: {  	_ =	shalt  }
0x76: {  	_ =	shalt  }
0x77: {  	_ =	shalt  }
0x78: {  	_ =	shalt  }
0x79: {  	_ =	shalt  }
0x7a: {  	_ =	shalt  }
0x7b: {  	_ =	shalt  }
0x7c: {  	_ =	shalt  }
0x7d: {  	_ =	shalt  }
0x7e: {  	_ =	shalt  }
0x7f: {  	_ =	shalt  }
0x80: {  	_ =	shalt  }
0x81: {  	_ =	shalt  }
0x82: {  	_ =	shalt  }
0x83: {  	_ =	shalt  }
0x84: {  	_ =	shalt  }
0x85: {  	_ =	shalt  }
0x86: {  	_ =	shalt  }
0x87: {  	_ =	shalt  }
.Lfunc_end0:
.L_simem_size_0:
called_computation.1_lowered:
.L_overlay_start_0:
0x88: {  	s2 =	sld [smem:$0x3FD9]  }
0x89: {  	s3 =	sld [smem:$0x3FFE];
	_ =	sdelay $0x1  }
0x8a: {  	s1 =	srdreg.scid  }
0x8b: {  	s0 =	sand.u32 $0x1, s1  }
0x8c: {  	s14 =	sshll.u32 s0, $0xA;
	s2 =	sadd.s32 s3, s2  }
0x8d: {  	s2 =	sadd.s32 s2, s14  }
0x8e: {  	[smem:$0x3FC1] =	sst s2  }
0x8f: {  	_ = 	snop  }
0x90: {  	s2 =	sld [smem:$0x3FD0];
	_ =	sdelay $0x2  }
0x91: {  	s15 =	simm.s32 $0xA;
	s4 =	simm.s32 $0x10  }
0x92: {  	[smem:s4], [sflag:s15] =	dma.local [hbm:s2], $0x1  }
0x93: {  	_ =	swait.eq [sflag:s15], $0x1  }
0x94: {  	[sflag:s15] =	ssyncset.done $0x0  }
0x95: {  	s16 =	sld [smem:$0x10];
	[sflag:s15] =	ssyncadd.s32 $0xFFFFFFFF  }
0x96: {  	s17 =	sld [smem:$0x12];
	(tm) =	ssettm $0x1  }
0x97: {  	s18 =	sld [smem:$0x3FFB];
	_ =	sdelay $0x3  }
0x98: {  	_ =	strace s18  }
0x99: {  	s4 =	sld [smem:$0x3FFC];
	_ =	sdelay $0x3  }
0x9a: {  	_ =	strace s4  }
0x9b: {  	s4 =	sld [smem:$0x3FFD];
	_ =	sdelay $0x3  }
0x9c: {  	_ =	strace s4  }
0x9d: {  	_ =	strace $0x8FFFFFFF  }
0x9e: {  	s19 =	sld [smem:$0x3FDB];
	_ =	sdelay $0x1  }
0x9f: {  	s5 =	simm.s32 $_scs_section_size  }
0xa0: {  	s6 =	simm.s32 $_size__tile_overlayer_lowered;
	s7 =	simm.s32 $_tile_overlayer_lowered  }
0xa1: {  	s22 =	simm.s32 $0x1BFF;
	s21 =	sshll.u32 s7, $0x1;
	s4 =	sadd.s32 s5, s19  }
0xa2: {  	s8 =	simm.s32 $0x0;
	s20 =	sshll.u32 s6, $0x1;
	s6 =	sadd.s32 s21, s4  }
0xa3: {  	[timem:s8], [sflag:s22] =	dma.local [hbm:s6], s20  }
0xa4: {  	_ =	swait.ge [sflag:s22], s20  }
0xa5: {  	s5 =	ssub.s32 $0x0, s20;
	[sflag:s22] =	ssyncset.done $0x0  }
0xa6: {  	[sflag:s22] =	ssyncadd.s32 s5;
	_ =	sdelay $0x1  }
0xa7: {  	s23 =	simm.s32 $0x1B8B  }
0xa8: {  	_ =	swait.ge [sflag:s23], $0x1  }
0xa9: {  	[sflag:s23] =	ssyncset.done $0x0  }
0xaa: {  	s25 =	simm.s32 $0x1B8E;
	s24 =	sld [smem:$0x3FFE];
	[sflag:s23] =	ssyncadd.s32 $0xFFFFFFFF  }
0xab: {  	s26 =	simm.s32 $execute0_lowered;
	[smem:$0x3FD2] =	sst s25  }
0xac: {  	s6 =	sshll.u32 s26, $0x1;
	_ =	strace $0x80000049;
	[dreg:$0x1] =	wrdreg $0xFFFFFFFF  }
0xad: {  	s28 =	simm.s32 $_size_execute0_lowered;
	s4 =	sadd.s32 s4, s6;
	[dreg:$0x0] =	wrdreg $0x0  }
0xae: {  	s6 =	sshll.u32 s28, $0x1;
	[dreg:$0x2] =	wrdreg s4  }
0xaf: {  	[dreg:$0x3] =	wrdreg s6  }
0xb0: {  	[dreg:$0x4] =	wrdreg $0xC0  }
0xb1: {  	_ =	task [dreg:s8], $0x5FFFF  }
0xb2: {  	[dreg:$0x1] =	wrdreg $0xFFFFFFFF  }
0xb3: {  	[dreg:$0x0] =	wrdreg $0x60  }
0xb4: {  	[dreg:$0x2] =	wrdreg s24  }
0xb5: {  	[dreg:$0x3] =	wrdreg s17  }
0xb6: {  	[dreg:$0x4] =	wrdreg s16  }
0xb7: {  	[dreg:$0x5] =	wrdreg $0x9  }
0xb8: {  	_ =	task.clear_ibuf [dreg:s8], $0x6FFFF;
	_ =	strace $0x90000049  }
0xb9: {  	s29 =	simm.s32 $0x9;
	_ =	strace $0x8000004B  }
0xba: {  	_ =	swait.ge [sflag:s29], $0x1  }
0xbb: {  	[sflag:s29] =	ssyncadd.s32 $0xFFFFFFFF  }
0xbc: {  	_ =	strace $0x9000004B  }
0xbd: {  	_ =	sfence  }
0xbe: {  	s30 =	sld [smem:$0x0];
	_ =	sdelay $0x2  }
0xbf: {  	s31 =	sshll.u32 s1, $0xD;
	s1 =	sshrl.u32 s1, $0x2  }
0xc0: {  	s3 =	sand.u32 $0x4000, s31;
	s1 =	sadd.s32 s1, s30  }
0xc1: {  	s0 =	sor.u32 s3, s0;
	s1 =	sshll.u32 s1, $0x11  }
0xc2: {  	s0 =	sor.u32 s1, s0  }
0xc3: {  	s0 =	sadd.s32 $0x8F2B, s0  }
0xc4: {  	[sflag:s0] =	ssyncadd.remote.s32 $0x1  }
0xc5: {  	_ =	sfence.sel $0xFFFF  }
0xc6: {  	[dreg:$0x0] =	wrdreg $0xFFFFFFFF;
	(pc) =	sbr.abs _section_cstart, $3  }
0xc7: {  	[dreg:$0x1] =	wrdreg $0xFFFFFFFF  }
0xc8: {  	_ =	task.clear_ibuf [dreg:s8], $0x2FFFF;
	_ =	strace $0x9FFFFFFF  }
0xc9: {  	(tm) =	ssettm $0x7FFFFFFF  }
tec
execute0_lowered:
.L_overlay_start_1:
0x0: {  	(tag) =	ssettag $0x1  }
0x1: {  	s0 =	rddreg [dreg:$0x0]  }
0x2: {  	s1 =	rddreg [dreg:$0x1]  }
0x3: {  	s4 =	rddreg [dreg:$0x2];
	s3 =	srdreg.scid  }
0x4: {  	s6 =	stileid.u32;
	s2 =	simm.s32 $0x0;
	s10 =	simm.s32 $0x3  }
0x5: {  	s13 =	simm.s32 $0x10880;
	s14 =	simm.s32 $0x800;
	s15 =	simm.s32 $0x1000  }
0x6: {  	s16 =	simm.s32 $0x1800;
	s17 =	simm.s32 $0x2000;
	s18 =	simm.s32 $0x2800  }
0x7: {  	s19 =	simm.s32 $0x3000;
	s20 =	simm.s32 $0x3800;
	s21 =	simm.s32 $0x4000  }
0x8: {  	s28 =	simm.s32 $0x7000;
	s29 =	simm.s32 $0x7800;
	s30 =	simm.s32 $0x8000  }
0x9: {  	s31 =	simm.s32 $0x1;
	s12 =	simm.s32 $0x0;
	s5 =	sand.u32 $0x1, s3  }
0xa: {  	s22 =	sshll.u32 s6, $0x1;
	[smem:$0x7FF] =	sst s2;
	s3 =	sadd.s32 $0x81E00, s0  }
0xb: {  	s8 =	sadd.s32 $0x101E00, s0;
	s7 =	sor.u32 s5, s22;
	_ =	strace $0x8000004A  }
0xc: {  	s5 =	ssub.s32 $0x2, s5;
	[dreg:$0x4] =	wrdreg s8;
	s22 =	simm.s32 $0x4800  }
0xd: {  	s23 =	sshll.u32 s7, $0x8;
	s24 =	sshll.u32 s7, $0xB;
	s9 =	sshrl.u32 s5, $0x1  }
0xe: {  	s25 =	sshll.u32 s7, $0x4;
	s26 =	sshll.u32 s7, $0xC;
	s6 =	sadd.s32 s23, s0  }
0xf: {  	s0 =	sadd.s32 s24, s0;
	s9 =	ssub.s32 s5, s9;
	s7 =	sadd.s32 s4, s26  }
0x10: {  	v2 =	vlaneseq.u32;
	s23 =	simm.s32 $0x5000;
	s24 =	simm.s32 $0x5800;
	s26 =	simm.s32 $0x6800  }
0x11: {  	vm0 =	vmmov $0xffff;
	v1 =	vshrl.u32 v2, $0x3;
	s5 =	sadd.s32 $0x1E00, s6;
	s6 =	sadd.s32 s1, s25;
	s8 =	sadd.s32 $0x3E00, s0  }
0x12: {  	v0 =	vand.u32 $0x7, v2;
	v2 =	vor.u32 $0x8, v2;
	v1 =	vmul.u32 $0x8, v1;
	s9 =	smax.u32 s9, $0x1;
	s25 =	simm.s32 $0x6000;
	s0 =	simm.s32 $0x2  }
.LBB2_1:
0x13: {  	[tilespmem:s2], [sflag:$0x3] =	stream.linear.gather [hbm4b:s5+s2], $0x800, $0x38;
	[tilespmem:$0x14880] =	vst v63  }
0x14: {  	_ =	swait.ge [sflag:s10], $0x800  }
0x15: {  	[sflag:s10] =	ssyncset.done $0x0  }
0x16: {  	s4 =	simm.s32 $0x10800;
	[sflag:s10] =	ssyncadd.s32 $0xFFFFF800  }
0x17: {  	[tilespmem:s4], [sflag:$0x3] =	stream.linear.gather [hbm4b:s6+s2], $0x80, $0x38;
	[tilespmem:$0x14880] =	vst v63  }
0x18: {  	_ =	swait.ge [sflag:s10], $0x80  }
0x19: {  	[sflag:s10] =	ssyncset.done $0x0  }
0x1a: {  	s11 =	simm.s32 $0x80;
	s1 =	rddreg [dreg:$0x4];
	[sflag:s10] =	ssyncadd.s32 $0xFFFFFF80  }
0x1b: {  	[tilespmem:s13], [sflag:$0x2] =	stream.indirect.gather [hbm4b:s1+s11], $0x80, s4, s11, $0xb8;
	[tilespmem:$0x14880] =	vst v63  }
0x1c: {  	s1 =	simm.s32 $0x0  }
.LBB2_2:
0x1d: {  	s4 =	sshll.u32 s1, $0x7  }
0x1e: {  	s11 =	sand.u32 $0x3FFFFF80, s4  }
0x1f: {  	v3 =	vld [tilespmem:s11+$0x0];
	_ =	sdelay $0x4  }
0x20: {  	v4 =	vshll.u32 v3, $0x1  }
0x21: {  	v3 =	vand.u32 $0x7, v3;
	v4 =	vand.u32 $0xFFFFFFF0, v4  }
0x22: {  	v3 =	vor.u32 v3, v4  }
0x23: {  	v4 =	vperm.xlane v3, v0;
	_ =	sdelay $0x1  }
0x24: {  	v3 =	vperm.xlane v3, v2;
	v4 =	vadd.s32 v1, v4;
	_ =	sdelay $0x1  }
0x25: {  	v3 =	vadd.s32 v1, v3;
	_ =	sdelay $0x1  }
0x26: {  	s4 =	simm.s32 $0x0  }
0x27: {  	[tilespmem:s14], [sflag:$0x1] =	stream.indirect_vreg.gather [hbm4b:s3+s4], $0x80, v4, vm0, $0xb8;
	[tilespmem:$0x14880] =	vst v63  }
0x28: {  	_ = 	snop  }
0x29: {  	[tilespmem:s15], [sflag:$0x1] =	stream.indirect_vreg.gather [hbm4b:s3+s4], $0x80, v3, vm0, $0xb8;
	[tilespmem:$0x14880] =	vst v63  }
0x2a: {  	v3 =	vld [tilespmem:s11+$0x10];
	_ =	sdelay $0x4  }
0x2b: {  	v4 =	vshll.u32 v3, $0x1  }
0x2c: {  	v3 =	vand.u32 $0x7, v3;
	v4 =	vand.u32 $0xFFFFFFF0, v4  }
0x2d: {  	v3 =	vor.u32 v3, v4  }
0x2e: {  	v4 =	vperm.xlane v3, v0;
	_ =	sdelay $0x1  }
0x2f: {  	v3 =	vperm.xlane v3, v2;
	v4 =	vadd.s32 v1, v4;
	_ =	sdelay $0x1  }
0x30: {  	v3 =	vadd.s32 v1, v3;
	_ =	sdelay $0x2  }
0x31: {  	[tilespmem:s16], [sflag:$0x1] =	stream.indirect_vreg.gather [hbm4b:s3+s4], $0x80, v4, vm0, $0xb8;
	[tilespmem:$0x14880] =	vst v63  }
0x32: {  	_ = 	snop  }
0x33: {  	[tilespmem:s17], [sflag:$0x1] =	stream.indirect_vreg.gather [hbm4b:s3+s4], $0x80, v3, vm0, $0xb8;
	[tilespmem:$0x14880] =	vst v63  }
0x34: {  	v3 =	vld [tilespmem:s11+$0x20];
	_ =	sdelay $0x4  }
0x35: {  	v4 =	vshll.u32 v3, $0x1  }
0x36: {  	v3 =	vand.u32 $0x7, v3;
	v4 =	vand.u32 $0xFFFFFFF0, v4  }
0x37: {  	v3 =	vor.u32 v3, v4  }
0x38: {  	v4 =	vperm.xlane v3, v0;
	_ =	sdelay $0x1  }
0x39: {  	v3 =	vperm.xlane v3, v2;
	v4 =	vadd.s32 v1, v4;
	_ =	sdelay $0x1  }
0x3a: {  	v3 =	vadd.s32 v1, v3;
	_ =	sdelay $0x2  }
0x3b: {  	[tilespmem:s18], [sflag:$0x1] =	stream.indirect_vreg.gather [hbm4b:s3+s4], $0x80, v4, vm0, $0xb8;
	[tilespmem:$0x14880] =	vst v63  }
0x3c: {  	_ = 	snop  }
0x3d: {  	[tilespmem:s19], [sflag:$0x1] =	stream.indirect_vreg.gather [hbm4b:s3+s4], $0x80, v3, vm0, $0xb8;
	[tilespmem:$0x14880] =	vst v63  }
0x3e: {  	v3 =	vld [tilespmem:s11+$0x30];
	_ =	sdelay $0x4  }
0x3f: {  	v4 =	vshll.u32 v3, $0x1  }
0x40: {  	v3 =	vand.u32 $0x7, v3;
	v4 =	vand.u32 $0xFFFFFFF0, v4  }
0x41: {  	v3 =	vor.u32 v3, v4  }
0x42: {  	v4 =	vperm.xlane v3, v0;
	_ =	sdelay $0x1  }
0x43: {  	v3 =	vperm.xlane v3, v2;
	v4 =	vadd.s32 v1, v4;
	_ =	sdelay $0x1  }
0x44: {  	v3 =	vadd.s32 v1, v3;
	_ =	sdelay $0x2  }
0x45: {  	[tilespmem:s20], [sflag:$0x1] =	stream.indirect_vreg.gather [hbm4b:s3+s4], $0x80, v4, vm0, $0xb8;
	[tilespmem:$0x14880] =	vst v63  }
0x46: {  	_ = 	snop  }
0x47: {  	[tilespmem:s21], [sflag:$0x1] =	stream.indirect_vreg.gather [hbm4b:s3+s4], $0x80, v3, vm0, $0xb8;
	[tilespmem:$0x14880] =	vst v63  }
0x48: {  	v3 =	vld [tilespmem:s11+$0x40];
	_ =	sdelay $0x4  }
0x49: {  	v4 =	vshll.u32 v3, $0x1  }
0x4a: {  	v3 =	vand.u32 $0x7, v3;
	v4 =	vand.u32 $0xFFFFFFF0, v4  }
0x4b: {  	v3 =	vor.u32 v3, v4  }
0x4c: {  	v4 =	vperm.xlane v3, v0;
	_ =	sdelay $0x1  }
0x4d: {  	v3 =	vperm.xlane v3, v2;
	v4 =	vadd.s32 v1, v4;
	_ =	sdelay $0x1  }
0x4e: {  	v3 =	vadd.s32 v1, v3;
	_ =	sdelay $0x2  }
0x4f: {  	[tilespmem:s22], [sflag:$0x1] =	stream.indirect_vreg.gather [hbm4b:s3+s4], $0x80, v4, vm0, $0xb8;
	[tilespmem:$0x14880] =	vst v63  }
0x50: {  	_ = 	snop  }
0x51: {  	[tilespmem:s23], [sflag:$0x1] =	stream.indirect_vreg.gather [hbm4b:s3+s4], $0x80, v3, vm0, $0xb8;
	[tilespmem:$0x14880] =	vst v63  }
0x52: {  	v3 =	vld [tilespmem:s11+$0x50];
	_ =	sdelay $0x4  }
0x53: {  	v4 =	vshll.u32 v3, $0x1  }
0x54: {  	v3 =	vand.u32 $0x7, v3;
	v4 =	vand.u32 $0xFFFFFFF0, v4  }
0x55: {  	v3 =	vor.u32 v3, v4  }
0x56: {  	v4 =	vperm.xlane v3, v0;
	_ =	sdelay $0x1  }
0x57: {  	v3 =	vperm.xlane v3, v2;
	v4 =	vadd.s32 v1, v4;
	_ =	sdelay $0x1  }
0x58: {  	v3 =	vadd.s32 v1, v3;
	_ =	sdelay $0x2  }
0x59: {  	[tilespmem:s24], [sflag:$0x1] =	stream.indirect_vreg.gather [hbm4b:s3+s4], $0x80, v4, vm0, $0xb8;
	[tilespmem:$0x14880] =	vst v63  }
0x5a: {  	_ = 	snop  }
0x5b: {  	[tilespmem:s25], [sflag:$0x1] =	stream.indirect_vreg.gather [hbm4b:s3+s4], $0x80, v3, vm0, $0xb8;
	[tilespmem:$0x14880] =	vst v63  }
0x5c: {  	v3 =	vld [tilespmem:s11+$0x60];
	_ =	sdelay $0x4  }
0x5d: {  	v4 =	vshll.u32 v3, $0x1  }
0x5e: {  	v3 =	vand.u32 $0x7, v3;
	v4 =	vand.u32 $0xFFFFFFF0, v4  }
0x5f: {  	v3 =	vor.u32 v3, v4  }
0x60: {  	v4 =	vperm.xlane v3, v0;
	_ =	sdelay $0x1  }
0x61: {  	v3 =	vperm.xlane v3, v2;
	v4 =	vadd.s32 v1, v4;
	_ =	sdelay $0x1  }
0x62: {  	v3 =	vadd.s32 v1, v3;
	_ =	sdelay $0x2  }
0x63: {  	[tilespmem:s26], [sflag:$0x1] =	stream.indirect_vreg.gather [hbm4b:s3+s4], $0x80, v4, vm0, $0xb8;
	[tilespmem:$0x14880] =	vst v63  }
0x64: {  	_ = 	snop  }
0x65: {  	[tilespmem:s28], [sflag:$0x1] =	stream.indirect_vreg.gather [hbm4b:s3+s4], $0x80, v3, vm0, $0xb8;
	[tilespmem:$0x14880] =	vst v63  }
0x66: {  	v3 =	vld [tilespmem:s11+$0x70];
	_ =	sdelay $0x4  }
0x67: {  	v4 =	vshll.u32 v3, $0x1  }
0x68: {  	v3 =	vand.u32 $0x7, v3;
	v4 =	vand.u32 $0xFFFFFFF0, v4  }
0x69: {  	v3 =	vor.u32 v3, v4  }
0x6a: {  	v4 =	vperm.xlane v3, v0;
	_ =	sdelay $0x1  }
0x6b: {  	v3 =	vperm.xlane v3, v2;
	v4 =	vadd.s32 v1, v4;
	_ =	sdelay $0x1  }
0x6c: {  	v3 =	vadd.s32 v1, v3;
	_ =	sdelay $0x2  }
0x6d: {  	[tilespmem:s29], [sflag:$0x1] =	stream.indirect_vreg.gather [hbm4b:s3+s4], $0x80, v4, vm0, $0xb8;
	[tilespmem:$0x14880] =	vst v63  }
0x6e: {  	s13 =	sshll.u32 s1, $0xB  }
0x6f: {  	[tilespmem:s30], [sflag:$0x1] =	stream.indirect_vreg.gather [hbm4b:s3+s4], $0x80, v3, vm0, $0xb8;
	[tilespmem:$0x14880] =	vst v63  }
0x70: {  	s11 =	sand.u32 $0x3FFFF800, s13;
	_ =	swait.ge [sflag:s31], $0x8000  }
0x71: {  	s11 =	sadd.s32 $0x8800, s11;
	[sflag:s31] =	ssyncset.done $0x0  }
0x72: {  	v3 =	vmov s11;
	[sflag:s31] =	ssyncadd.s32 $0xFFFF8000  }
.LBB2_3:
0x73: {  	s11 =	sshll.u32 s4, $0xC  }
0x74: {  	s11 =	sand.u32 $0x3FFFF000, s11  }
0x75: {  	v4 =	vld [tilespmem:s11+$0x800]  }
0x76: {  	v5 =	vld [tilespmem:s11+$0x880]  }
0x77: {  	v6 =	vld [tilespmem:s11+$0x900]  }
0x78: {  	v7 =	vld [tilespmem:s11+$0x980]  }
0x79: {  	v8 =	vld [tilespmem:s11+$0xA00]  }
0x7a: {  	v9 =	vld [tilespmem:s11+$0xA80]  }
0x7b: {  	v4 =	vmax.f32 v4, v5;
	v5 =	vld [tilespmem:s11+$0xB00]  }
0x7c: {  	v32 =	vld [tilespmem:s11+$0xB80];
	v4 =	vmax.f32 v4, v6  }
0x7d: {  	v33 =	vld [tilespmem:s11+$0x1000];
	v4 =	vmax.f32 v4, v7  }
0x7e: {  	v34 =	vld [tilespmem:s11+$0x1080];
	v4 =	vmax.f32 v4, v8  }
0x7f: {  	v35 =	vld [tilespmem:s11+$0x1100];
	v4 =	vmax.f32 v4, v9  }
0x80: {  	v4 =	vmax.f32 v4, v5;
	v5 =	vld [tilespmem:s11+$0x1180]  }
0x81: {  	v36 =	vld [tilespmem:s11+$0x1200];
	v4 =	vmax.f32 v4, v32  }
0x82: {  	v37 =	vld [tilespmem:s11+$0x1280];
	v4 =	vmax.f32 v4, v33  }
0x83: {  	v38 =	vld [tilespmem:s11+$0x1300];
	v4 =	vmax.f32 v4, v34  }
0x84: {  	v39 =	vld [tilespmem:s11+$0x1380];
	v4 =	vmax.f32 v4, v35  }
0x85: {  	v4 =	vmax.f32 v4, v5  }
0x86: {  	v4 =	vmax.f32 v4, v36  }
0x87: {  	v4 =	vmax.f32 v4, v37  }
0x88: {  	s13 =	sshll.u32 s4, $0x7;
	v4 =	vmax.f32 v4, v38  }
0x89: {  	s13 =	sand.u32 $0x3FFFFF80, s13;
	v4 =	vmax.f32 v4, v39  }
0x8a: {  	[tilespmem:v3+s13+$0x0 ss:$0x1] =	vst.idx.msk $0xffff, v4  }
0x8b: {  	v4 =	vld [tilespmem:s11+$0x810]  }
0x8c: {  	v5 =	vld [tilespmem:s11+$0x890]  }
0x8d: {  	v40 =	vld [tilespmem:s11+$0x910]  }
0x8e: {  	v41 =	vld [tilespmem:s11+$0x990]  }
0x8f: {  	v42 =	vld [tilespmem:s11+$0xA10]  }
0x90: {  	v43 =	vld [tilespmem:s11+$0xA90]  }
0x91: {  	v4 =	vmax.f32 v4, v5;
	v5 =	vld [tilespmem:s11+$0xB10]  }
0x92: {  	v44 =	vld [tilespmem:s11+$0xB90];
	v4 =	vmax.f32 v4, v40  }
0x93: {  	v45 =	vld [tilespmem:s11+$0x1010];
	v4 =	vmax.f32 v4, v41  }
0x94: {  	v46 =	vld [tilespmem:s11+$0x1090];
	v4 =	vmax.f32 v4, v42  }
0x95: {  	v47 =	vld [tilespmem:s11+$0x1110];
	v4 =	vmax.f32 v4, v43  }
0x96: {  	v4 =	vmax.f32 v4, v5;
	v5 =	vld [tilespmem:s11+$0x1190]  }
0x97: {  	v48 =	vld [tilespmem:s11+$0x1210];
	v4 =	vmax.f32 v4, v44  }
0x98: {  	v49 =	vld [tilespmem:s11+$0x1290];
	v4 =	vmax.f32 v4, v45  }
0x99: {  	v50 =	vld [tilespmem:s11+$0x1310];
	v4 =	vmax.f32 v4, v46  }
0x9a: {  	v51 =	vld [tilespmem:s11+$0x1390];
	v4 =	vmax.f32 v4, v47  }
0x9b: {  	v4 =	vmax.f32 v4, v5  }
0x9c: {  	v4 =	vmax.f32 v4, v48  }
0x9d: {  	v4 =	vmax.f32 v4, v49  }
0x9e: {  	v4 =	vmax.f32 v4, v50  }
0x9f: {  	v4 =	vmax.f32 v4, v51  }
0xa0: {  	[tilespmem:v3+s13+$0x10 ss:$0x1] =	vst.idx.msk $0xffff, v4  }
0xa1: {  	v4 =	vld [tilespmem:s11+$0x820]  }
0xa2: {  	v5 =	vld [tilespmem:s11+$0x8A0]  }
0xa3: {  	v52 =	vld [tilespmem:s11+$0x920]  }
0xa4: {  	v53 =	vld [tilespmem:s11+$0x9A0]  }
0xa5: {  	v54 =	vld [tilespmem:s11+$0xA20]  }
0xa6: {  	v55 =	vld [tilespmem:s11+$0xAA0]  }
0xa7: {  	v4 =	vmax.f32 v4, v5;
	v5 =	vld [tilespmem:s11+$0xB20]  }
0xa8: {  	v56 =	vld [tilespmem:s11+$0xBA0];
	v4 =	vmax.f32 v4, v52  }
0xa9: {  	v57 =	vld [tilespmem:s11+$0x1020];
	v4 =	vmax.f32 v4, v53  }
0xaa: {  	v58 =	vld [tilespmem:s11+$0x10A0];
	v4 =	vmax.f32 v4, v54  }
0xab: {  	v59 =	vld [tilespmem:s11+$0x1120];
	v4 =	vmax.f32 v4, v55  }
0xac: {  	v4 =	vmax.f32 v4, v5;
	v5 =	vld [tilespmem:s11+$0x11A0]  }
0xad: {  	v60 =	vld [tilespmem:s11+$0x1220];
	v4 =	vmax.f32 v4, v56  }
0xae: {  	v61 =	vld [tilespmem:s11+$0x12A0];
	v4 =	vmax.f32 v4, v57  }
0xaf: {  	v62 =	vld [tilespmem:s11+$0x1320];
	v4 =	vmax.f32 v4, v58  }
0xb0: {  	v63 =	vld [tilespmem:s11+$0x13A0];
	v4 =	vmax.f32 v4, v59  }
0xb1: {  	v4 =	vmax.f32 v4, v5  }
0xb2: {  	v4 =	vmax.f32 v4, v60  }
0xb3: {  	v4 =	vmax.f32 v4, v61  }
0xb4: {  	v4 =	vmax.f32 v4, v62  }
0xb5: {  	v4 =	vmax.f32 v4, v63  }
0xb6: {  	[tilespmem:v3+s13+$0x20 ss:$0x1] =	vst.idx.msk $0xffff, v4  }
0xb7: {  	v4 =	vld [tilespmem:s11+$0x830]  }
0xb8: {  	v5 =	vld [tilespmem:s11+$0x8B0]  }
0xb9: {  	v12 =	vld [tilespmem:s11+$0x930]  }
0xba: {  	v13 =	vld [tilespmem:s11+$0x9B0]  }
0xbb: {  	v14 =	vld [tilespmem:s11+$0xA30]  }
0xbc: {  	v15 =	vld [tilespmem:s11+$0xAB0]  }
0xbd: {  	v4 =	vmax.f32 v4, v5;
	v5 =	vld [tilespmem:s11+$0xB30]  }
0xbe: {  	v16 =	vld [tilespmem:s11+$0xBB0];
	v4 =	vmax.f32 v4, v12  }
0xbf: {  	v17 =	vld [tilespmem:s11+$0x1030];
	v4 =	vmax.f32 v4, v13  }
0xc0: {  	v18 =	vld [tilespmem:s11+$0x10B0];
	v4 =	vmax.f32 v4, v14  }
0xc1: {  	v19 =	vld [tilespmem:s11+$0x1130];
	v4 =	vmax.f32 v4, v15  }
0xc2: {  	v4 =	vmax.f32 v4, v5;
	v5 =	vld [tilespmem:s11+$0x11B0]  }
0xc3: {  	v20 =	vld [tilespmem:s11+$0x1230];
	v4 =	vmax.f32 v4, v16  }
0xc4: {  	v21 =	vld [tilespmem:s11+$0x12B0];
	v4 =	vmax.f32 v4, v17  }
0xc5: {  	v22 =	vld [tilespmem:s11+$0x1330];
	v4 =	vmax.f32 v4, v18  }
0xc6: {  	v23 =	vld [tilespmem:s11+$0x13B0];
	v4 =	vmax.f32 v4, v19  }
0xc7: {  	v4 =	vmax.f32 v4, v5  }
0xc8: {  	v4 =	vmax.f32 v4, v20  }
0xc9: {  	v4 =	vmax.f32 v4, v21  }
0xca: {  	v4 =	vmax.f32 v4, v22  }
0xcb: {  	v4 =	vmax.f32 v4, v23  }
0xcc: {  	[tilespmem:v3+s13+$0x30 ss:$0x1] =	vst.idx.msk $0xffff, v4  }
0xcd: {  	v4 =	vld [tilespmem:s11+$0x840]  }
0xce: {  	v5 =	vld [tilespmem:s11+$0x8C0]  }
0xcf: {  	v24 =	vld [tilespmem:s11+$0x940]  }
0xd0: {  	v25 =	vld [tilespmem:s11+$0x9C0]  }
0xd1: {  	v26 =	vld [tilespmem:s11+$0xA40]  }
0xd2: {  	v27 =	vld [tilespmem:s11+$0xAC0]  }
0xd3: {  	v4 =	vmax.f32 v4, v5;
	v5 =	vld [tilespmem:s11+$0xB40]  }
0xd4: {  	v28 =	vld [tilespmem:s11+$0xBC0];
	v4 =	vmax.f32 v4, v24  }
0xd5: {  	v29 =	vld [tilespmem:s11+$0x1040];
	v4 =	vmax.f32 v4, v25  }
0xd6: {  	v30 =	vld [tilespmem:s11+$0x10C0];
	v4 =	vmax.f32 v4, v26  }
0xd7: {  	v31 =	vld [tilespmem:s11+$0x1140];
	v4 =	vmax.f32 v4, v27  }
0xd8: {  	v4 =	vmax.f32 v4, v5;
	v5 =	vld [tilespmem:s11+$0x11C0]  }
0xd9: {  	v32 =	vld [tilespmem:s11+$0x1240];
	v4 =	vmax.f32 v4, v28  }
0xda: {  	v33 =	vld [tilespmem:s11+$0x12C0];
	v4 =	vmax.f32 v4, v29  }
0xdb: {  	v34 =	vld [tilespmem:s11+$0x1340];
	v4 =	vmax.f32 v4, v30  }
0xdc: {  	v35 =	vld [tilespmem:s11+$0x13C0];
	v4 =	vmax.f32 v4, v31  }
0xdd: {  	v4 =	vmax.f32 v4, v5  }
0xde: {  	v4 =	vmax.f32 v4, v32  }
0xdf: {  	v4 =	vmax.f32 v4, v33  }
0xe0: {  	v4 =	vmax.f32 v4, v34  }
0xe1: {  	v4 =	vmax.f32 v4, v35  }
0xe2: {  	[tilespmem:v3+s13+$0x40 ss:$0x1] =	vst.idx.msk $0xffff, v4  }
0xe3: {  	v4 =	vld [tilespmem:s11+$0x850]  }
0xe4: {  	v5 =	vld [tilespmem:s11+$0x8D0]  }
0xe5: {  	v36 =	vld [tilespmem:s11+$0x950]  }
0xe6: {  	v37 =	vld [tilespmem:s11+$0x9D0]  }
0xe7: {  	v38 =	vld [tilespmem:s11+$0xA50]  }
0xe8: {  	v39 =	vld [tilespmem:s11+$0xAD0]  }
0xe9: {  	v4 =	vmax.f32 v4, v5;
	v5 =	vld [tilespmem:s11+$0xB50]  }
0xea: {  	v40 =	vld [tilespmem:s11+$0xBD0];
	v4 =	vmax.f32 v4, v36  }
0xeb: {  	v41 =	vld [tilespmem:s11+$0x1050];
	v4 =	vmax.f32 v4, v37  }
0xec: {  	v42 =	vld [tilespmem:s11+$0x10D0];
	v4 =	vmax.f32 v4, v38  }
0xed: {  	v43 =	vld [tilespmem:s11+$0x1150];
	v4 =	vmax.f32 v4, v39  }
0xee: {  	v4 =	vmax.f32 v4, v5;
	v5 =	vld [tilespmem:s11+$0x11D0]  }
0xef: {  	v44 =	vld [tilespmem:s11+$0x1250];
	v4 =	vmax.f32 v4, v40  }
0xf0: {  	v45 =	vld [tilespmem:s11+$0x12D0];
	v4 =	vmax.f32 v4, v41  }
0xf1: {  	v46 =	vld [tilespmem:s11+$0x1350];
	v4 =	vmax.f32 v4, v42  }
0xf2: {  	v47 =	vld [tilespmem:s11+$0x13D0];
	v4 =	vmax.f32 v4, v43  }
0xf3: {  	v4 =	vmax.f32 v4, v5  }
0xf4: {  	v4 =	vmax.f32 v4, v44  }
0xf5: {  	v4 =	vmax.f32 v4, v45  }
0xf6: {  	v4 =	vmax.f32 v4, v46  }
0xf7: {  	v4 =	vmax.f32 v4, v47  }
0xf8: {  	[tilespmem:v3+s13+$0x50 ss:$0x1] =	vst.idx.msk $0xffff, v4  }
0xf9: {  	v4 =	vld [tilespmem:s11+$0x860]  }
0xfa: {  	v5 =	vld [tilespmem:s11+$0x8E0]  }
0xfb: {  	v48 =	vld [tilespmem:s11+$0x960]  }
0xfc: {  	v49 =	vld [tilespmem:s11+$0x9E0]  }
0xfd: {  	v50 =	vld [tilespmem:s11+$0xA60]  }
0xfe: {  	v51 =	vld [tilespmem:s11+$0xAE0]  }
0xff: {  	v4 =	vmax.f32 v4, v5;
	v5 =	vld [tilespmem:s11+$0xB60]  }
0x100: {  	v52 =	vld [tilespmem:s11+$0xBE0];
	v4 =	vmax.f32 v4, v48  }
0x101: {  	v53 =	vld [tilespmem:s11+$0x1060];
	v4 =	vmax.f32 v4, v49  }
0x102: {  	v54 =	vld [tilespmem:s11+$0x10E0];
	v4 =	vmax.f32 v4, v50  }
0x103: {  	v55 =	vld [tilespmem:s11+$0x1160];
	v4 =	vmax.f32 v4, v51  }
0x104: {  	v4 =	vmax.f32 v4, v5;
	v5 =	vld [tilespmem:s11+$0x11E0]  }
0x105: {  	v56 =	vld [tilespmem:s11+$0x1260];
	v4 =	vmax.f32 v4, v52  }
0x106: {  	v57 =	vld [tilespmem:s11+$0x12E0];
	v4 =	vmax.f32 v4, v53  }
0x107: {  	v58 =	vld [tilespmem:s11+$0x1360];
	v4 =	vmax.f32 v4, v54  }
0x108: {  	v59 =	vld [tilespmem:s11+$0x13E0];
	v4 =	vmax.f32 v4, v55  }
0x109: {  	v4 =	vmax.f32 v4, v5  }
0x10a: {  	v4 =	vmax.f32 v4, v56  }
0x10b: {  	v4 =	vmax.f32 v4, v57  }
0x10c: {  	v4 =	vmax.f32 v4, v58  }
0x10d: {  	v4 =	vmax.f32 v4, v59  }
0x10e: {  	[tilespmem:v3+s13+$0x60 ss:$0x1] =	vst.idx.msk $0xffff, v4  }
0x10f: {  	v4 =	vld [tilespmem:s11+$0x870]  }
0x110: {  	v5 =	vld [tilespmem:s11+$0x8F0]  }
0x111: {  	v60 =	vld [tilespmem:s11+$0x970]  }
0x112: {  	v61 =	vld [tilespmem:s11+$0x9F0]  }
0x113: {  	v62 =	vld [tilespmem:s11+$0xA70]  }
0x114: {  	v63 =	vld [tilespmem:s11+$0xAF0]  }
0x115: {  	v4 =	vmax.f32 v4, v5;
	v5 =	vld [tilespmem:s11+$0xB70]  }
0x116: {  	v12 =	vld [tilespmem:s11+$0xBF0];
	v4 =	vmax.f32 v4, v60  }
0x117: {  	v13 =	vld [tilespmem:s11+$0x1070];
	v4 =	vmax.f32 v4, v61  }
0x118: {  	v14 =	vld [tilespmem:s11+$0x10F0];
	v4 =	vmax.f32 v4, v62  }
0x119: {  	v15 =	vld [tilespmem:s11+$0x1170];
	v4 =	vmax.f32 v4, v63  }
0x11a: {  	v4 =	vmax.f32 v4, v5;
	v5 =	vld [tilespmem:s11+$0x11F0]  }
0x11b: {  	v16 =	vld [tilespmem:s11+$0x1270];
	v4 =	vmax.f32 v4, v12  }
0x11c: {  	v17 =	vld [tilespmem:s11+$0x12F0];
	v4 =	vmax.f32 v4, v13  }
0x11d: {  	v18 =	vld [tilespmem:s11+$0x1370];
	v4 =	vmax.f32 v4, v14  }
0x11e: {  	v19 =	vld [tilespmem:s11+$0x13F0];
	v4 =	vmax.f32 v4, v15  }
0x11f: {  	v4 =	vmax.f32 v4, v5  }
0x120: {  	v4 =	vmax.f32 v4, v16  }
0x121: {  	v4 =	vmax.f32 v4, v17  }
0x122: {  	v4 =	vmax.f32 v4, v18  }
0x123: {  	v4 =	vmax.f32 v4, v19  }
0x124: {  	[tilespmem:v3+s13+$0x70 ss:$0x1] =	vst.idx.msk $0xffff, v4  }
0x125: {  	v4 =	vld [tilespmem:s11+$0xC00]  }
0x126: {  	v5 =	vld [tilespmem:s11+$0xC80]  }
0x127: {  	v20 =	vld [tilespmem:s11+$0xD00]  }
0x128: {  	v21 =	vld [tilespmem:s11+$0xD80]  }
0x129: {  	v22 =	vld [tilespmem:s11+$0xE00]  }
0x12a: {  	v23 =	vld [tilespmem:s11+$0xE80]  }
0x12b: {  	v4 =	vmax.f32 v4, v5;
	v5 =	vld [tilespmem:s11+$0xF00]  }
0x12c: {  	v24 =	vld [tilespmem:s11+$0xF80];
	v4 =	vmax.f32 v4, v20  }
0x12d: {  	v25 =	vld [tilespmem:s11+$0x1400];
	v4 =	vmax.f32 v4, v21  }
0x12e: {  	v26 =	vld [tilespmem:s11+$0x1480];
	v4 =	vmax.f32 v4, v22  }
0x12f: {  	v27 =	vld [tilespmem:s11+$0x1500];
	v4 =	vmax.f32 v4, v23  }
0x130: {  	v4 =	vmax.f32 v4, v5;
	v5 =	vld [tilespmem:s11+$0x1580]  }
0x131: {  	v28 =	vld [tilespmem:s11+$0x1600];
	v4 =	vmax.f32 v4, v24  }
0x132: {  	v29 =	vld [tilespmem:s11+$0x1680];
	v4 =	vmax.f32 v4, v25  }
0x133: {  	v30 =	vld [tilespmem:s11+$0x1700];
	v4 =	vmax.f32 v4, v26  }
0x134: {  	v31 =	vld [tilespmem:s11+$0x1780];
	v4 =	vmax.f32 v4, v27  }
0x135: {  	v4 =	vmax.f32 v4, v5  }
0x136: {  	v4 =	vmax.f32 v4, v28  }
0x137: {  	v4 =	vmax.f32 v4, v29  }
0x138: {  	v4 =	vmax.f32 v4, v30  }
0x139: {  	v4 =	vmax.f32 v4, v31  }
0x13a: {  	[tilespmem:v3+s13+$0x400 ss:$0x1] =	vst.idx.msk $0xffff, v4  }
0x13b: {  	v4 =	vld [tilespmem:s11+$0xC10]  }
0x13c: {  	v5 =	vld [tilespmem:s11+$0xC90]  }
0x13d: {  	v32 =	vld [tilespmem:s11+$0xD10]  }
0x13e: {  	v33 =	vld [tilespmem:s11+$0xD90]  }
0x13f: {  	v34 =	vld [tilespmem:s11+$0xE10]  }
0x140: {  	v35 =	vld [tilespmem:s11+$0xE90]  }
0x141: {  	v4 =	vmax.f32 v4, v5;
	v5 =	vld [tilespmem:s11+$0xF10]  }
0x142: {  	v36 =	vld [tilespmem:s11+$0xF90];
	v4 =	vmax.f32 v4, v32  }
0x143: {  	v37 =	vld [tilespmem:s11+$0x1410];
	v4 =	vmax.f32 v4, v33  }
0x144: {  	v38 =	vld [tilespmem:s11+$0x1490];
	v4 =	vmax.f32 v4, v34  }
0x145: {  	v39 =	vld [tilespmem:s11+$0x1510];
	v4 =	vmax.f32 v4, v35  }
0x146: {  	v4 =	vmax.f32 v4, v5;
	v5 =	vld [tilespmem:s11+$0x1590]  }
0x147: {  	v40 =	vld [tilespmem:s11+$0x1610];
	v4 =	vmax.f32 v4, v36  }
0x148: {  	v41 =	vld [tilespmem:s11+$0x1690];
	v4 =	vmax.f32 v4, v37  }
0x149: {  	v42 =	vld [tilespmem:s11+$0x1710];
	v4 =	vmax.f32 v4, v38  }
0x14a: {  	v43 =	vld [tilespmem:s11+$0x1790];
	v4 =	vmax.f32 v4, v39  }
0x14b: {  	v4 =	vmax.f32 v4, v5  }
0x14c: {  	v4 =	vmax.f32 v4, v40  }
0x14d: {  	v4 =	vmax.f32 v4, v41  }
0x14e: {  	v4 =	vmax.f32 v4, v42  }
0x14f: {  	v4 =	vmax.f32 v4, v43  }
0x150: {  	[tilespmem:v3+s13+$0x410 ss:$0x1] =	vst.idx.msk $0xffff, v4  }
0x151: {  	v4 =	vld [tilespmem:s11+$0xC20]  }
0x152: {  	v5 =	vld [tilespmem:s11+$0xCA0]  }
0x153: {  	v44 =	vld [tilespmem:s11+$0xD20]  }
0x154: {  	v45 =	vld [tilespmem:s11+$0xDA0]  }
0x155: {  	v46 =	vld [tilespmem:s11+$0xE20]  }
0x156: {  	v47 =	vld [tilespmem:s11+$0xEA0]  }
0x157: {  	v4 =	vmax.f32 v4, v5;
	v5 =	vld [tilespmem:s11+$0xF20]  }
0x158: {  	v48 =	vld [tilespmem:s11+$0xFA0];
	v4 =	vmax.f32 v4, v44  }
0x159: {  	v49 =	vld [tilespmem:s11+$0x1420];
	v4 =	vmax.f32 v4, v45  }
0x15a: {  	v50 =	vld [tilespmem:s11+$0x14A0];
	v4 =	vmax.f32 v4, v46  }
0x15b: {  	v51 =	vld [tilespmem:s11+$0x1520];
	v4 =	vmax.f32 v4, v47  }
0x15c: {  	v4 =	vmax.f32 v4, v5;
	v5 =	vld [tilespmem:s11+$0x15A0]  }
0x15d: {  	v52 =	vld [tilespmem:s11+$0x1620];
	v4 =	vmax.f32 v4, v48  }
0x15e: {  	v53 =	vld [tilespmem:s11+$0x16A0];
	v4 =	vmax.f32 v4, v49  }
0x15f: {  	v54 =	vld [tilespmem:s11+$0x1720];
	v4 =	vmax.f32 v4, v50  }
0x160: {  	v55 =	vld [tilespmem:s11+$0x17A0];
	v4 =	vmax.f32 v4, v51  }
0x161: {  	v4 =	vmax.f32 v4, v5  }
0x162: {  	v4 =	vmax.f32 v4, v52  }
0x163: {  	v4 =	vmax.f32 v4, v53  }
0x164: {  	v4 =	vmax.f32 v4, v54  }
0x165: {  	v4 =	vmax.f32 v4, v55  }
0x166: {  	[tilespmem:v3+s13+$0x420 ss:$0x1] =	vst.idx.msk $0xffff, v4  }
0x167: {  	v4 =	vld [tilespmem:s11+$0xC30]  }
0x168: {  	v5 =	vld [tilespmem:s11+$0xCB0]  }
0x169: {  	v56 =	vld [tilespmem:s11+$0xD30]  }
0x16a: {  	v57 =	vld [tilespmem:s11+$0xDB0]  }
0x16b: {  	v58 =	vld [tilespmem:s11+$0xE30]  }
0x16c: {  	v59 =	vld [tilespmem:s11+$0xEB0]  }
0x16d: {  	v4 =	vmax.f32 v4, v5;
	v5 =	vld [tilespmem:s11+$0xF30]  }
0x16e: {  	v60 =	vld [tilespmem:s11+$0xFB0];
	v4 =	vmax.f32 v4, v56  }
0x16f: {  	v61 =	vld [tilespmem:s11+$0x1430];
	v4 =	vmax.f32 v4, v57  }
0x170: {  	v62 =	vld [tilespmem:s11+$0x14B0];
	v4 =	vmax.f32 v4, v58  }
0x171: {  	v63 =	vld [tilespmem:s11+$0x1530];
	v4 =	vmax.f32 v4, v59  }
0x172: {  	v4 =	vmax.f32 v4, v5;
	v5 =	vld [tilespmem:s11+$0x15B0]  }
0x173: {  	v12 =	vld [tilespmem:s11+$0x1630];
	v4 =	vmax.f32 v4, v60  }
0x174: {  	v13 =	vld [tilespmem:s11+$0x16B0];
	v4 =	vmax.f32 v4, v61  }
0x175: {  	v14 =	vld [tilespmem:s11+$0x1730];
	v4 =	vmax.f32 v4, v62  }
0x176: {  	v15 =	vld [tilespmem:s11+$0x17B0];
	v4 =	vmax.f32 v4, v63  }
0x177: {  	v4 =	vmax.f32 v4, v5  }
0x178: {  	v4 =	vmax.f32 v4, v12  }
0x179: {  	v4 =	vmax.f32 v4, v13  }
0x17a: {  	v4 =	vmax.f32 v4, v14  }
0x17b: {  	v4 =	vmax.f32 v4, v15  }
0x17c: {  	[tilespmem:v3+s13+$0x430 ss:$0x1] =	vst.idx.msk $0xffff, v4  }
0x17d: {  	v4 =	vld [tilespmem:s11+$0xC40]  }
0x17e: {  	v5 =	vld [tilespmem:s11+$0xCC0]  }
0x17f: {  	v16 =	vld [tilespmem:s11+$0xD40]  }
0x180: {  	v17 =	vld [tilespmem:s11+$0xDC0]  }
0x181: {  	v18 =	vld [tilespmem:s11+$0xE40]  }
0x182: {  	v19 =	vld [tilespmem:s11+$0xEC0]  }
0x183: {  	v4 =	vmax.f32 v4, v5;
	v5 =	vld [tilespmem:s11+$0xF40]  }
0x184: {  	v20 =	vld [tilespmem:s11+$0xFC0];
	v4 =	vmax.f32 v4, v16  }
0x185: {  	v21 =	vld [tilespmem:s11+$0x1440];
	v4 =	vmax.f32 v4, v17  }
0x186: {  	v22 =	vld [tilespmem:s11+$0x14C0];
	v4 =	vmax.f32 v4, v18  }
0x187: {  	v23 =	vld [tilespmem:s11+$0x1540];
	v4 =	vmax.f32 v4, v19  }
0x188: {  	v4 =	vmax.f32 v4, v5;
	v5 =	vld [tilespmem:s11+$0x15C0]  }
0x189: {  	v24 =	vld [tilespmem:s11+$0x1640];
	v4 =	vmax.f32 v4, v20  }
0x18a: {  	v25 =	vld [tilespmem:s11+$0x16C0];
	v4 =	vmax.f32 v4, v21  }
0x18b: {  	v26 =	vld [tilespmem:s11+$0x1740];
	v4 =	vmax.f32 v4, v22  }
0x18c: {  	v27 =	vld [tilespmem:s11+$0x17C0];
	v4 =	vmax.f32 v4, v23  }
0x18d: {  	v4 =	vmax.f32 v4, v5  }
0x18e: {  	v4 =	vmax.f32 v4, v24  }
0x18f: {  	v4 =	vmax.f32 v4, v25  }
0x190: {  	v4 =	vmax.f32 v4, v26  }
0x191: {  	v4 =	vmax.f32 v4, v27  }
0x192: {  	[tilespmem:v3+s13+$0x440 ss:$0x1] =	vst.idx.msk $0xffff, v4  }
0x193: {  	v4 =	vld [tilespmem:s11+$0xC50]  }
0x194: {  	v5 =	vld [tilespmem:s11+$0xCD0]  }
0x195: {  	v28 =	vld [tilespmem:s11+$0xD50]  }
0x196: {  	v29 =	vld [tilespmem:s11+$0xDD0]  }
0x197: {  	v30 =	vld [tilespmem:s11+$0xE50]  }
0x198: {  	v31 =	vld [tilespmem:s11+$0xED0]  }
0x199: {  	v4 =	vmax.f32 v4, v5;
	v5 =	vld [tilespmem:s11+$0xF50]  }
0x19a: {  	v32 =	vld [tilespmem:s11+$0xFD0];
	v4 =	vmax.f32 v4, v28  }
0x19b: {  	v33 =	vld [tilespmem:s11+$0x1450];
	v4 =	vmax.f32 v4, v29  }
0x19c: {  	v34 =	vld [tilespmem:s11+$0x14D0];
	v4 =	vmax.f32 v4, v30  }
0x19d: {  	v35 =	vld [tilespmem:s11+$0x1550];
	v4 =	vmax.f32 v4, v31  }
0x19e: {  	v4 =	vmax.f32 v4, v5;
	v5 =	vld [tilespmem:s11+$0x15D0]  }
0x19f: {  	v36 =	vld [tilespmem:s11+$0x1650];
	v4 =	vmax.f32 v4, v32  }
0x1a0: {  	v37 =	vld [tilespmem:s11+$0x16D0];
	v4 =	vmax.f32 v4, v33  }
0x1a1: {  	v38 =	vld [tilespmem:s11+$0x1750];
	v4 =	vmax.f32 v4, v34  }
0x1a2: {  	v39 =	vld [tilespmem:s11+$0x17D0];
	v4 =	vmax.f32 v4, v35  }
0x1a3: {  	v4 =	vmax.f32 v4, v5  }
0x1a4: {  	v4 =	vmax.f32 v4, v36  }
0x1a5: {  	v4 =	vmax.f32 v4, v37  }
0x1a6: {  	v4 =	vmax.f32 v4, v38  }
0x1a7: {  	v4 =	vmax.f32 v4, v39  }
0x1a8: {  	[tilespmem:v3+s13+$0x450 ss:$0x1] =	vst.idx.msk $0xffff, v4  }
0x1a9: {  	v4 =	vld [tilespmem:s11+$0xC60]  }
0x1aa: {  	v5 =	vld [tilespmem:s11+$0xCE0]  }
0x1ab: {  	v40 =	vld [tilespmem:s11+$0xD60]  }
0x1ac: {  	v41 =	vld [tilespmem:s11+$0xDE0]  }
0x1ad: {  	v42 =	vld [tilespmem:s11+$0xE60]  }
0x1ae: {  	v43 =	vld [tilespmem:s11+$0xEE0]  }
0x1af: {  	v4 =	vmax.f32 v4, v5;
	v5 =	vld [tilespmem:s11+$0xF60]  }
0x1b0: {  	v44 =	vld [tilespmem:s11+$0xFE0];
	v4 =	vmax.f32 v4, v40  }
0x1b1: {  	v45 =	vld [tilespmem:s11+$0x1460];
	v4 =	vmax.f32 v4, v41  }
0x1b2: {  	v46 =	vld [tilespmem:s11+$0x14E0];
	v4 =	vmax.f32 v4, v42  }
0x1b3: {  	v47 =	vld [tilespmem:s11+$0x1560];
	v4 =	vmax.f32 v4, v43  }
0x1b4: {  	v4 =	vmax.f32 v4, v5;
	v5 =	vld [tilespmem:s11+$0x15E0]  }
0x1b5: {  	v48 =	vld [tilespmem:s11+$0x1660];
	v4 =	vmax.f32 v4, v44  }
0x1b6: {  	v49 =	vld [tilespmem:s11+$0x16E0];
	v4 =	vmax.f32 v4, v45  }
0x1b7: {  	v50 =	vld [tilespmem:s11+$0x1760];
	v4 =	vmax.f32 v4, v46  }
0x1b8: {  	v51 =	vld [tilespmem:s11+$0x17E0];
	v4 =	vmax.f32 v4, v47  }
0x1b9: {  	v4 =	vmax.f32 v4, v5  }
0x1ba: {  	v4 =	vmax.f32 v4, v48  }
0x1bb: {  	v4 =	vmax.f32 v4, v49  }
0x1bc: {  	v4 =	vmax.f32 v4, v50  }
0x1bd: {  	v4 =	vmax.f32 v4, v51  }
0x1be: {  	[tilespmem:v3+s13+$0x460 ss:$0x1] =	vst.idx.msk $0xffff, v4  }
0x1bf: {  	v4 =	vld [tilespmem:s11+$0xC70]  }
0x1c0: {  	v5 =	vld [tilespmem:s11+$0xCF0]  }
0x1c1: {  	v52 =	vld [tilespmem:s11+$0xD70]  }
0x1c2: {  	v53 =	vld [tilespmem:s11+$0xDF0]  }
0x1c3: {  	v54 =	vld [tilespmem:s11+$0xE70]  }
0x1c4: {  	v55 =	vld [tilespmem:s11+$0xEF0]  }
0x1c5: {  	v4 =	vmax.f32 v4, v5;
	v5 =	vld [tilespmem:s11+$0xF70]  }
0x1c6: {  	v56 =	vld [tilespmem:s11+$0xFF0];
	v4 =	vmax.f32 v4, v52  }
0x1c7: {  	v57 =	vld [tilespmem:s11+$0x1470];
	v4 =	vmax.f32 v4, v53  }
0x1c8: {  	v58 =	vld [tilespmem:s11+$0x14F0];
	v4 =	vmax.f32 v4, v54  }
0x1c9: {  	v59 =	vld [tilespmem:s11+$0x1570];
	v4 =	vmax.f32 v4, v55  }
0x1ca: {  	v4 =	vmax.f32 v4, v5;
	v5 =	vld [tilespmem:s11+$0x15F0]  }
0x1cb: {  	v60 =	vld [tilespmem:s11+$0x1670];
	v4 =	vmax.f32 v4, v56  }
0x1cc: {  	v61 =	vld [tilespmem:s11+$0x16F0];
	v4 =	vmax.f32 v4, v57  }
0x1cd: {  	v62 =	vld [tilespmem:s11+$0x1770];
	v4 =	vmax.f32 v4, v58  }
0x1ce: {  	v63 =	vld [tilespmem:s11+$0x17F0];
	v4 =	vmax.f32 v4, v59  }
0x1cf: {  	p0 =	sne.s32 s4, $0x7;
	v4 =	vmax.f32 v4, v5  }
.Ltmp0:
0x1d0: {  	v4 =	vmax.f32 v4, v60;
	(pc) =	sbr.rel @p0 .LBB2_3-.Ltmp0, $4  }
0x1d1: {  	v4 =	vmax.f32 v4, v61  }
0x1d2: {  	v4 =	vmax.f32 v4, v62  }
0x1d3: {  	v4 =	vmax.f32 v4, v63  }
0x1d4: {  	s4 =	sadd.s32 $0x1, s4;
	[tilespmem:v3+s13+$0x470 ss:$0x1] =	vst.idx.msk $0xffff, v4  }
0x1d5: {  	s1 =	sadd.s32 $0x1, s1  }
0x1d6: {  	p0 =	sne.s32 s1, $0x10  }
.Ltmp1:
0x1d7: {  	_ = 	snop;
	(pc) =	sbr.rel @p0 .LBB2_2-.Ltmp1, $1  }
0x1d8: {  	_ =	sdelay $0x3  }
0x1d9: {  	_ =	swait.ge [sflag:s0], $0x4000  }
0x1da: {  	[sflag:s0] =	ssyncset.done $0x0  }
0x1db: {  	s1 =	simm.s32 $0x8800;
	[sflag:s0] =	ssyncadd.s32 $0xFFFFC000  }
0x1dc: {  	[hbm4b:s7+s2] =	stream.linear.scatter [tilespmem:s1], [sflag:$0x3], $0x8000, $0x38;
	[tilespmem:$0x14880] =	vst v63  }
0x1dd: {  	s12 =	sadd.s32 $0x1, s12;
	_ =	swait.ge [sflag:s10], $0x8000  }
0x1de: {  	p0 =	sne.s32 s12, s9;
	[sflag:s10] =	ssyncset.done $0x0  }
.Ltmp2:
0x1df: {  	s13 =	simm.s32 $0x10880;
	[sflag:s10] =	ssyncadd.s32 $0xFFFF8000;
	(pc) =	sbr.rel @p0 .LBB2_1-.Ltmp2, $4  }
0x1e0: {  	[hbm4b:s8+s2] =	stream.linear.scatter [tilespmem:s13], [sflag:$0x3], $0x4000, $0x38;
	[tilespmem:$0x14880] =	vst v63  }
0x1e1: {  	_ =	swait.ge [sflag:s10], $0x4000  }
0x1e2: {  	[sflag:s10] =	ssyncset.done $0x0  }
0x1e3: {  	[sflag:s10] =	ssyncadd.s32 $0xFFFFC000  }
0x1e4: {  	_ =	sfence.sel $0x180000  }
0x1e5: {  	[bflag:$0x0] =	sbarrier.arrive $0xFFFF  }
0x1e6: {  	_ =	strace $0x9000004A  }
0x1e7: {  	s0 =	stileid.u32;
	[bflag:$0x2] =	sbarrier.arrive $0xFFFF  }
0x1e8: {  	p0 =	sne.s32 s0, $0x0;
	s0 =	rddreg [dreg:$0x3]  }
0x1e9: {  	s0 =	sadd.s32 @!p0 $0x100000, s0  }
0x1ea: {  	[sflag:s0] =	ssyncadd.tile.s32 @!p0 $0x1;
	_ =	shalt  }
.Lfunc_end2:
_tile_overlayer_lowered:
.L_overlay_start_2:
0x1eb: {  	(tag) =	ssettag $0x2  }
0x1ec: {  	s0 =	rddreg [dreg:$0x0];
	s2 =	stileid.u32  }
0x1ed: {  	s1 =	rddreg [dreg:$0x1];
	p0 =	sne.s32 s2, $0x0  }
0x1ee: {  	s3 =	rddreg [dreg:$0x2];
	[bflag:$0x3] =	sbarrier.arrive $0xFFFF;
	s2 =	simm.s32 @!p0 $0x1C03  }
0x1ef: {  	[timem:s3], [sflag:s2] =	dma.local @!p0 [hbm:s0], s1  }
0x1f0: {  	s0 =	simm.s32 @!p0 $0x3  }
0x1f1: {  	_ =	swait.ge @!p0 [sflag:s0], s1  }
0x1f2: {  	s1 =	ssub.s32 @!p0 $0x0, s1;
	[sflag:s0] =	ssyncset.done @!p0 $0x0  }
0x1f3: {  	[sflag:s0] =	ssyncadd.s32 @!p0 s1  }
0x1f4: {  	[bflag:$0x3] =	sbarrier.arrive $0xFFFF  }
0x1f5: {  	_ =	shalt  }

// kernel: kernel.8.cloned.1.call-start
scs
__scs_entry_jumppad:
0x0: {  	(pc) =	sbr.rel $0x88, $3  }
0x1: {  	(tag) =	ssettag $0x0;
	lr =	simm.s32 $0x1  }
0x2: {  	[smem:$0x3F9A] =	sst lr;
	_ =	strace $0xD0000000  }
0x3: {  	_ = 	snop  }
0x4: {  	_ = 	snop  }
0x5: {  	_ = 	snop  }
0x6: {  	_ = 	snop  }
0x7: {  	_ = 	snop  }
__scs_overlays_trampoline_lowered:
0x8: {  	[smem:$0x3FA9] =	sst s0  }
0x9: {  	[smem:$0x3FAA] =	sst s1  }
0xa: {  	[smem:$0x3FAB] =	sst s2  }
0xb: {  	[smem:$0x3FAC] =	sst s3  }
0xc: {  	[smem:$0x3FAD] =	sst s4  }
0xd: {  	[smem:$0x3FAE] =	sst s5  }
0xe: {  	[smem:$0x3FAF] =	sst s6  }
0xf: {  	[smem:$0x3FB0] =	sst s7  }
0x10: {  	[smem:$0x3FB1] =	sst s8  }
0x11: {  	[smem:$0x3FB2] =	sst s9;
	s0 =	simm.s32 @!p0 $0x0  }
0x12: {  	s1 =	sld [smem:$0x3F98];
	s0 =	simm.s32 @p0 $0x1  }
0x13: {  	[smem:$0x3FB3] =	sst s0;
	s0 =	simm.s32 @!p1 $0x0  }
0x14: {  	s2 =	sld [smem:$0x3F97];
	s0 =	simm.s32 @p1 $0x1  }
0x15: {  	[smem:$0x3FB4] =	sst s0;
	s0 =	simm.s32 @!p2 $0x0  }
0x16: {  	s3 =	sld [smem:$0x3FDB];
	s0 =	simm.s32 @p2 $0x1  }
0x17: {  	s4 =	simm.s32 $0x1BF5;
	[smem:$0x3FB6] =	sst s0  }
0x18: {  	s0 =	sld [smem:$0x3F99];
	_ =	swait.ge [sflag:s4], $0x0  }
0x19: {  	s7 =	sld [smem:$0x3F9A]  }
0x1a: {  	s8 =	sadd.s32 $0xFFFFE003, lr  }
0x1b: {  	s9 =	sadd.s32 $0xFFFFFEF7, lr;
	s5 =	simm.s32 $0xFFFFFFFF;
	p2 =	slt.u32 s8, $0xFFFFF086  }
0x1c: {  	p1 =	slt.u32 s9, $0xF7A;
	s5 =	simm.s32 @!p2 $0x0  }
0x1d: {  	s5 =	simm.s32 @p1 $0x1;
	p0 =	seq.s32 s7, s2  }
0x1e: {  	s7 =	smul.u32 @!p0 $0xF7A, s2;
	p2 =	seq.s32 @!p0 s5, $0x0  }
0x1f: {  	s9 =	smul.u32 $0xF7A, s1;
	s8 =	simm.s32 @!p0 $0x1BF5;
	p2 =	por !p2, p0  }
0x20: {  	[sflag:s8] =	ssyncset.s32 @!p0 $0xFFFFF086;
	s6 =	sadd.s32 @!p0 s3, s7;
	s7 =	simm.s32 @!p0 $0x108  }
0x21: {  	s3 =	sadd.s32 s3, s9;
	s6 =	sadd.s32 @!p0 $0x88, s6;
	s7 =	simm.s32 @p2 $0x1082  }
0x22: {  	[simem:s7], [sflag:s8] =	dma.local @!p0 [hbm:s6], $0xF7A  }
0x23: {  	s9 =	sor.u32 $0xD0000000, s2;
	s6 =	simm.s32 $0x108;
	_ =	swait.ge @!p0 [sflag:s8], $0x0  }
0x24: {  	s3 =	sadd.s32 $0x88, s3;
	s6 =	simm.s32 @!p1 $0x1082;
	[sflag:s4] =	ssyncset.s32 $0xFFFFF086  }
0x25: {  	[simem:s6], [sflag:s4] =	dma.local [hbm:s3], $0xF7A  }
0x26: {  	[smem:$0x3F9A] =	sst s1;
	(tag) =	ssettag s2;
	_ =	strace s9  }
0x27: {  	s1 =	sld [smem:$0x3FAA]  }
0x28: {  	s2 =	sld [smem:$0x3FAB]  }
0x29: {  	s4 =	sld [smem:$0x3FAD]  }
0x2a: {  	p0 =	seq.s32 s5, $0x0;
	s5 =	sld [smem:$0x3FAE]  }
0x2b: {  	s6 =	sld [smem:$0x3FAF]  }
0x2c: {  	s7 =	sld [smem:$0x3FB0]  }
0x2d: {  	s3 =	simm.s32 $0x108;
	s8 =	sld [smem:$0x3FB1]  }
0x2e: {  	s3 =	simm.s32 @!p0 $0x1082;
	s9 =	sld [smem:$0x3FB2]  }
0x2f: {  	lr =	sadd.s32 s0, s3;
	s0 =	sld [smem:$0x3FA9]  }
0x30: {  	s3 =	sld [smem:$0x3FAC]  }
0x31: {  	[smem:$0x3FB5] =	sst s10  }
0x32: {  	s10 =	sld [smem:$0x3FB3];
	_ =	sdelay $0x3  }
0x33: {  	p0 =	seq.s32 s10, $0x1;
	s10 =	sld [smem:$0x3FB5];
	_ =	sdelay $0x3  }
0x34: {  	[smem:$0x3FB5] =	sst s10  }
0x35: {  	s10 =	sld [smem:$0x3FB4];
	_ =	sdelay $0x3  }
0x36: {  	p1 =	seq.s32 s10, $0x1;
	s10 =	sld [smem:$0x3FB5];
	_ =	sdelay $0x3  }
0x37: {  	[smem:$0x3FB5] =	sst s10  }
0x38: {  	s10 =	sld [smem:$0x3FB6]  }
0x39: {  	_ = 	snop;
	(pc) =	sbr.ind lr, $3  }
0x3a: {  	_ = 	snop  }
0x3b: {  	_ = 	snop  }
0x3c: {  	p2 =	seq.s32 s10, $0x1;
	s10 =	sld [smem:$0x3FB5]  }
0x3d: {  	_ =	shalt  }
0x3e: {  	_ =	shalt  }
0x3f: {  	_ =	shalt  }
0x40: {  	_ =	shalt  }
0x41: {  	_ =	shalt  }
0x42: {  	_ =	shalt  }
0x43: {  	_ =	shalt  }
0x44: {  	_ =	shalt  }
0x45: {  	_ =	shalt  }
0x46: {  	_ =	shalt  }
0x47: {  	_ =	shalt  }
0x48: {  	_ =	shalt  }
0x49: {  	_ =	shalt  }
0x4a: {  	_ =	shalt  }
0x4b: {  	_ =	shalt  }
0x4c: {  	_ =	shalt  }
0x4d: {  	_ =	shalt  }
0x4e: {  	_ =	shalt  }
0x4f: {  	_ =	shalt  }
0x50: {  	_ =	shalt  }
0x51: {  	_ =	shalt  }
0x52: {  	_ =	shalt  }
0x53: {  	_ =	shalt  }
0x54: {  	_ =	shalt  }
0x55: {  	_ =	shalt  }
0x56: {  	_ =	shalt  }
0x57: {  	_ =	shalt  }
0x58: {  	_ =	shalt  }
0x59: {  	_ =	shalt  }
0x5a: {  	_ =	shalt  }
0x5b: {  	_ =	shalt  }
0x5c: {  	_ =	shalt  }
0x5d: {  	_ =	shalt  }
0x5e: {  	_ =	shalt  }
0x5f: {  	_ =	shalt  }
0x60: {  	_ =	shalt  }
0x61: {  	_ =	shalt  }
0x62: {  	_ =	shalt  }
0x63: {  	_ =	shalt  }
0x64: {  	_ =	shalt  }
0x65: {  	_ =	shalt  }
0x66: {  	_ =	shalt  }
0x67: {  	_ =	shalt  }
0x68: {  	_ =	shalt  }
0x69: {  	_ =	shalt  }
0x6a: {  	_ =	shalt  }
0x6b: {  	_ =	shalt  }
0x6c: {  	_ =	shalt  }
0x6d: {  	_ =	shalt  }
0x6e: {  	_ =	shalt  }
0x6f: {  	_ =	shalt  }
0x70: {  	_ =	shalt  }
0x71: {  	_ =	shalt  }
0x72: {  	_ =	shalt  }
0x73: {  	_ =	shalt  }
0x74: {  	_ =	shalt  }
0x75: {  	_ =	shalt  }
0x76: {  	_ =	shalt  }
0x77: {  	_ =	shalt  }
0x78: {  	_ =	shalt  }
0x79: {  	_ =	shalt  }
0x7a: {  	_ =	shalt  }
0x7b: {  	_ =	shalt  }
0x7c: {  	_ =	shalt  }
0x7d: {  	_ =	shalt  }
0x7e: {  	_ =	shalt  }
0x7f: {  	_ =	shalt  }
0x80: {  	_ =	shalt  }
0x81: {  	_ =	shalt  }
0x82: {  	_ =	shalt  }
0x83: {  	_ =	shalt  }
0x84: {  	_ =	shalt  }
0x85: {  	_ =	shalt  }
0x86: {  	_ =	shalt  }
0x87: {  	_ =	shalt  }
.Lfunc_end0:
.L_simem_size_0:
called_computation_lowered:
.L_overlay_start_0:
0x88: {  	s2 =	sld [smem:$0x3FD9]  }
0x89: {  	s3 =	sld [smem:$0x3FFE];
	_ =	sdelay $0x1  }
0x8a: {  	s1 =	srdreg.scid  }
0x8b: {  	s0 =	sand.u32 $0x1, s1  }
0x8c: {  	s15 =	sshll.u32 s0, $0xA;
	s2 =	sadd.s32 s3, s2  }
0x8d: {  	s2 =	sadd.s32 s2, s15  }
0x8e: {  	[smem:$0x3FC1] =	sst s2  }
0x8f: {  	_ = 	snop  }
0x90: {  	s2 =	sld [smem:$0x3FD0];
	_ =	sdelay $0x2  }
0x91: {  	s4 =	simm.s32 $0xA;
	s5 =	simm.s32 $0x10;
	s16 =	sld [smem:$0x3FC9]  }
0x92: {  	[smem:s5], [sflag:s4] =	dma.local [hbm:s2], $0x1  }
0x93: {  	_ =	swait.eq [sflag:s4], $0x1  }
0x94: {  	[sflag:s4] =	ssyncset.done $0x0  }
0x95: {  	s17 =	sld [smem:$0x10];
	[sflag:s4] =	ssyncadd.s32 $0xFFFFFFFF  }
0x96: {  	s18 =	sld [smem:$0x12];
	(tm) =	ssettm $0x1  }
0x97: {  	s19 =	sld [smem:$0x3FFB];
	_ =	sdelay $0x3  }
0x98: {  	_ =	strace s19  }
0x99: {  	s5 =	sld [smem:$0x3FFC];
	_ =	sdelay $0x3  }
0x9a: {  	_ =	strace s5  }
0x9b: {  	s5 =	sld [smem:$0x3FFD];
	_ =	sdelay $0x3  }
0x9c: {  	_ =	strace s5  }
0x9d: {  	_ =	strace $0x8FFFFFFF  }
0x9e: {  	s20 =	sld [smem:$0x3FDB];
	_ =	sdelay $0x1  }
0x9f: {  	s6 =	simm.s32 $_scs_section_size  }
0xa0: {  	s7 =	simm.s32 $_size__tile_overlayer_lowered;
	s8 =	simm.s32 $_tile_overlayer_lowered  }
0xa1: {  	s23 =	simm.s32 $0x1BFF;
	s22 =	sshll.u32 s8, $0x1;
	s5 =	sadd.s32 s6, s20  }
0xa2: {  	s9 =	simm.s32 $0x0;
	s21 =	sshll.u32 s7, $0x1;
	s7 =	sadd.s32 s22, s5  }
0xa3: {  	[timem:s9], [sflag:s23] =	dma.local [hbm:s7], s21  }
0xa4: {  	_ =	swait.ge [sflag:s23], s21  }
0xa5: {  	s6 =	ssub.s32 $0x0, s21;
	[sflag:s23] =	ssyncset.done $0x0  }
0xa6: {  	[sflag:s23] =	ssyncadd.s32 s6;
	_ =	sdelay $0x1  }
0xa7: {  	s24 =	simm.s32 $0x1B8B  }
0xa8: {  	_ =	swait.ge [sflag:s24], $0x1  }
0xa9: {  	[sflag:s24] =	ssyncset.done $0x0  }
0xaa: {  	s25 =	simm.s32 $0x1B8E;
	[sflag:s24] =	ssyncadd.s32 $0xFFFFFFFF  }
0xab: {  	s26 =	simm.s32 $execute0_lowered;
	[smem:$0x3FD2] =	sst s25  }
0xac: {  	s6 =	sshll.u32 s26, $0x1;
	_ =	strace $0x80000046;
	[dreg:$0x1] =	wrdreg $0xFFFFFFFF  }
0xad: {  	s28 =	simm.s32 $_size_execute0_lowered;
	s5 =	sadd.s32 s5, s6;
	[dreg:$0x0] =	wrdreg $0x0  }
0xae: {  	s6 =	sshll.u32 s28, $0x1;
	[dreg:$0x2] =	wrdreg s5  }
0xaf: {  	[dreg:$0x3] =	wrdreg s6  }
0xb0: {  	[dreg:$0x4] =	wrdreg $0xC0  }
0xb1: {  	_ =	task [dreg:s9], $0x5FFFF  }
0xb2: {  	[dreg:$0x1] =	wrdreg $0xFFFFFFFF  }
0xb3: {  	[dreg:$0x0] =	wrdreg $0x60  }
0xb4: {  	[dreg:$0x2] =	wrdreg s16  }
0xb5: {  	[dreg:$0x3] =	wrdreg s18  }
0xb6: {  	[dreg:$0x4] =	wrdreg s17  }
0xb7: {  	[dreg:$0x5] =	wrdreg $0x9  }
0xb8: {  	_ =	task.clear_ibuf [dreg:s9], $0x6FFFF;
	_ =	strace $0x90000046  }
0xb9: {  	s29 =	simm.s32 $0x9;
	_ =	strace $0x80000048  }
0xba: {  	_ =	swait.ge [sflag:s29], $0x1  }
0xbb: {  	[sflag:s29] =	ssyncadd.s32 $0xFFFFFFFF  }
0xbc: {  	_ =	strace $0x90000048  }
0xbd: {  	_ =	sfence  }
0xbe: {  	s30 =	sld [smem:$0x0];
	_ =	sdelay $0x2  }
0xbf: {  	s31 =	sshll.u32 s1, $0xD;
	s1 =	sshrl.u32 s1, $0x2  }
0xc0: {  	s3 =	sand.u32 $0x4000, s31;
	s1 =	sadd.s32 s1, s30  }
0xc1: {  	s0 =	sor.u32 s3, s0;
	s1 =	sshll.u32 s1, $0x11  }
0xc2: {  	s0 =	sor.u32 s1, s0  }
0xc3: {  	s0 =	sadd.s32 $0x8F2B, s0  }
0xc4: {  	[sflag:s0] =	ssyncadd.remote.s32 $0x1  }
0xc5: {  	_ =	sfence.sel $0xFFFF  }
0xc6: {  	[dreg:$0x0] =	wrdreg $0xFFFFFFFF;
	(pc) =	sbr.abs _section_cstart, $3  }
0xc7: {  	[dreg:$0x1] =	wrdreg $0xFFFFFFFF  }
0xc8: {  	_ =	task.clear_ibuf [dreg:s9], $0x2FFFF;
	_ =	strace $0x9FFFFFFF  }
0xc9: {  	(tm) =	ssettm $0x7FFFFFFF  }
tec
execute0_lowered:
.L_overlay_start_1:
0x0: {  	(tag) =	ssettag $0x1  }
0x1: {  	s1 =	rddreg [dreg:$0x0]  }
0x2: {  	s2 =	srdreg.scid;
	s4 =	rddreg [dreg:$0x1]  }
0x3: {  	s0 =	stileid.u32;
	s8 =	rddreg [dreg:$0x2];
	s6 =	sand.u32 $0x1, s2  }
0x4: {  	s3 =	simm.s32 $0x0;
	s5 =	sshll.u32 s0, $0x8;
	s7 =	sshll.u32 s6, $0x7  }
0x5: {  	[smem:$0x7FF] =	sst s3;
	s9 =	sor.u32 s7, s5  }
0x6: {  	s2 =	rddreg [dreg:$0x3];
	_ =	strace $0x80000047;
	s5 =	sshrl.u32 s9, $0x3  }
0x7: {  	s10 =	ssub.s32 $0x2, s6;
	s5 =	sadd.s32 s4, s5;
	s4 =	simm.s32 $0x2  }
0x8: {  	[tilespmem:s3], [sflag:$0x2] =	stream.linear.gather [hbm4b:s5+s3], $0x80, $0x38;
	[tilespmem:$0x4080] =	vst v63  }
0x9: {  	s11 =	sshrl.u32 s10, $0x1;
	_ =	swait.ge [sflag:s4], $0x80  }
0xa: {  	s6 =	simm.s32 $0x80;
	s10 =	ssub.s32 s10, s11;
	[sflag:s4] =	ssyncset.done $0x0  }
0xb: {  	s7 =	simm.s32 $0x1;
	s31 =	smax.u32 s10, $0x1;
	[sflag:s4] =	ssyncadd.s32 $0xFFFFFF80  }
0xc: {  	[tilespmem:s6], [sflag:$0x1] =	stream.indirect.gather [hbm4b:s1+s6], $0x80, s3, s6, $0xb8;
	[tilespmem:$0x4080] =	vst v63  }
0xd: {  	p0 =	sne.s32 s31, $0x1;
	_ =	swait.ge [sflag:s7], $0x4000  }
.Ltmp0:
0xe: {  	s9 =	sshll.u32 s9, $0x4;
	[sflag:s7] =	ssyncset.done $0x0;
	(pc) =	sbr.rel @!p0 .LBB2_2-.Ltmp0, $4  }
0xf: {  	s8 =	sadd.s32 s8, s9;
	[sflag:s7] =	ssyncadd.s32 $0xFFFFC000  }
0x10: {  	[hbm4b:s8+s3] =	stream.linear.scatter [tilespmem:s6], [sflag:$0x2], $0x4000, $0x38;
	[tilespmem:$0x4080] =	vst v63  }
0x11: {  	_ =	swait.ge [sflag:s4], $0x4000  }
0x12: {  	s9 =	sadd.s32 $0xFFFFFFFF, s31;
	[sflag:s4] =	ssyncset.done $0x0  }
.LBB2_1:
0x13: {  	p0 =	sne.s32 s9, $0x1;
	s9 =	sadd.s32 $0xFFFFFFFF, s9;
	[sflag:s4] =	ssyncadd.s32 $0xFFFFC000  }
0x14: {  	[tilespmem:s3], [sflag:$0x2] =	stream.linear.gather [hbm4b:s5+s3], $0x80, $0x38;
	[tilespmem:$0x4080] =	vst v63  }
0x15: {  	_ =	swait.ge [sflag:s4], $0x80  }
0x16: {  	[sflag:s4] =	ssyncset.done $0x0  }
0x17: {  	[sflag:s4] =	ssyncadd.s32 $0xFFFFFF80  }
0x18: {  	[tilespmem:s6], [sflag:$0x1] =	stream.indirect.gather [hbm4b:s1+s6], $0x80, s3, s6, $0xb8;
	[tilespmem:$0x4080] =	vst v63  }
0x19: {  	_ =	swait.ge [sflag:s7], $0x4000  }
.Ltmp1:
0x1a: {  	[sflag:s7] =	ssyncset.done $0x0;
	(pc) =	sbr.rel @p0 .LBB2_1-.Ltmp1, $4  }
0x1b: {  	[sflag:s7] =	ssyncadd.s32 $0xFFFFC000  }
0x1c: {  	[hbm4b:s8+s3] =	stream.linear.scatter [tilespmem:s6], [sflag:$0x2], $0x4000, $0x38;
	[tilespmem:$0x4080] =	vst v63  }
0x1d: {  	_ =	swait.ge [sflag:s4], $0x4000  }
0x1e: {  	[sflag:s4] =	ssyncset.done $0x0  }
.LBB2_2:
0x1f: {  	[sflag:s4] =	ssyncadd.s32 $0xFFFFC000  }
0x20: {  	_ =	sfence.sel $0x180000  }
0x21: {  	[bflag:$0x0] =	sbarrier.arrive $0xFFFF  }
0x22: {  	p0 =	sne.s32 s0, $0x0;
	_ =	strace $0x90000047  }
0x23: {  	s0 =	sadd.s32 @!p0 $0x100000, s2;
	[bflag:$0x2] =	sbarrier.arrive $0xFFFF  }
0x24: {  	[sflag:s0] =	ssyncadd.tile.s32 @!p0 $0x1;
	_ =	shalt  }
.Lfunc_end2:
_tile_overlayer_lowered:
.L_overlay_start_2:
0x25: {  	(tag) =	ssettag $0x2  }
0x26: {  	s0 =	rddreg [dreg:$0x0];
	s2 =	stileid.u32  }
0x27: {  	s1 =	rddreg [dreg:$0x1];
	p0 =	sne.s32 s2, $0x0  }
0x28: {  	s3 =	rddreg [dreg:$0x2];
	[bflag:$0x3] =	sbarrier.arrive $0xFFFF;
	s2 =	simm.s32 @!p0 $0x1C02  }
0x29: {  	[timem:s3], [sflag:s2] =	dma.local @!p0 [hbm:s0], s1  }
0x2a: {  	s0 =	simm.s32 @!p0 $0x2  }
0x2b: {  	_ =	swait.ge @!p0 [sflag:s0], s1  }
0x2c: {  	s1 =	ssub.s32 @!p0 $0x0, s1;
	[sflag:s0] =	ssyncset.done @!p0 $0x0  }
0x2d: {  	[sflag:s0] =	ssyncadd.s32 @!p0 s1  }
0x2e: {  	[bflag:$0x3] =	sbarrier.arrive $0xFFFF  }
0x2f: {  	_ =	shalt  }

</sc_bundles>
